<compile_context>
chip_gen: v7x
topology: tpu7x:2x2x1
jax: 0.10.2.dev20260603
libtpu: 0.0.44.dev20260713+nightly
codegen_flags: <defaults>
</compile_context>

<pallas_src>
import functools

import jax
import jax.numpy as jnp
from jax import lax
from jax.experimental import pallas as pl
from jax.experimental.pallas import tpu as pltpu
from jax.experimental.pallas import tpu_sc as plsc

SEG_LEN = 50
NUM_SAMPLES = 20
B = 128
N = 8192
VS = N - SEG_LEN

_NC = 2
_NS = 16
_NW = _NC * _NS
_SEGS = NUM_SAMPLES * B
_SPW = _SEGS // _NW
_TROWS = B * N * 2 // 128
_SOFF = 128

_SUB = 64
_LANE = 128


_BB = 16


def _tc_body(xp_ref, g_ref, w1_ref, b1_ref, w2_ref, b2_ref, w3_ref, b3_ref,
             starts_ref, tbl_ref):
    rows = []
    for r in range(_BB):
        xp = xp_ref[r]

        tbl_ref[pl.ds(r * 128, 128)] = jnp.reshape(xp[:, 2:N + 2], (128, 128))

        j4 = lax.broadcasted_iota(jnp.int32, (2, N + 4), 1)
        xz = jnp.where((j4 >= 2) & (j4 < N + 2), xp, 0.0)
        x10 = jnp.concatenate([xz[:, k:k + N] for k in range(5)], axis=0)
        h1 = jnp.dot(w1_ref[...], x10, preferred_element_type=jnp.float32)
        h1 = jnp.maximum(h1 + b1_ref[...], 0.0)

        p = jnp.dot(w2_ref[...], h1, preferred_element_type=jnp.float32)
        ln = lax.broadcasted_iota(jnp.int32, (32, N), 1)
        acc = (p[32:64]
               + jnp.where(ln == 0, 0.0, pltpu.roll(p[0:32], 1, 1))
               + jnp.where(ln == N - 1, 0.0, pltpu.roll(p[64:96], N - 1, 1)))
        h2 = jnp.maximum(acc + b2_ref[...], 0.0)

        imp = jax.nn.sigmoid(jnp.dot(w3_ref[...], h2,
                                     preferred_element_type=jnp.float32)
                             + b3_ref[...])

        fwd = xp[:, 3:N + 3] - xp[:, 2:N + 2]
        bwd = xp[:, 2:N + 2] - xp[:, 1:N + 1]
        cross = fwd[0:1] * bwd[1:2] - fwd[1:2] * bwd[0:1]
        rows.append(imp + 0.3 * jnp.abs(cross))

    comb = jnp.concatenate(rows, axis=0)
    lin = lax.broadcasted_iota(jnp.int32, (_BB, N), 1)
    linv = lax.broadcasted_iota(jnp.int32, (_BB, VS), 1)
    l128 = lax.broadcasted_iota(jnp.int32, (_BB, _LANE), 1)
    sv = jnp.zeros((_BB, _LANE), jnp.int32)
    for i in range(NUM_SAMPLES):
        score = comb[:, :VS] + g_ref[i]
        m = jnp.max(score, axis=1, keepdims=True)
        start = jnp.min(jnp.where(score == m, linv, jnp.int32(2 ** 30)),
                        axis=1, keepdims=True)
        sv = sv + jnp.where(l128 == i, start, 0)
        seg_mask = (lin >= start) & (lin < start + SEG_LEN)
        comb = jnp.where(seg_mask, comb * 0.1, comb)
    starts_ref[...] = sv


def _tc_starts(xp, gp, w1r, b1c, w2r, b2c, w3c, b3c):
    grid = (B // _BB,)
    return pl.pallas_call(
        _tc_body,
        grid=grid,
        in_specs=[
            pl.BlockSpec((_BB, 2, N + 4), lambda b: (b, 0, 0)),
            pl.BlockSpec((NUM_SAMPLES, _BB, VS), lambda b: (0, b, 0)),
            pl.BlockSpec((64, 10), lambda b: (0, 0)),
            pl.BlockSpec((64, 1), lambda b: (0, 0)),
            pl.BlockSpec((96, 64), lambda b: (0, 0)),
            pl.BlockSpec((32, 1), lambda b: (0, 0)),
            pl.BlockSpec((1, 32), lambda b: (0, 0)),
            pl.BlockSpec((1, 1), lambda b: (0, 0)),
        ],
        out_specs=[
            pl.BlockSpec((_BB, _LANE), lambda b: (b, 0)),
            pl.BlockSpec((_BB * 128, 128), lambda b: (b, 0)),
        ],
        out_shape=[
            jax.ShapeDtypeStruct((B, _LANE), jnp.int32),
            jax.ShapeDtypeStruct((_TROWS, 128), jnp.float32),
        ],
    )(xp, gp, w1r, b1c, w2r, b2c, w3c, b3c)


def _sc_gather_body(pts_hbm, idx_hbm, ext_hbm, out_hbm,
                    idx_v, ext_v, stage, rows_v, sem):
    wid = lax.axis_index("s") * _NC + lax.axis_index("c")
    base = wid * _SPW
    pltpu.sync_copy(idx_hbm.at[wid], idx_v)
    pltpu.sync_copy(ext_hbm.at[pl.ds(base, _SPW)], ext_v)
    cps = [
        pltpu.async_copy(pts_hbm.at[idx_v.at[bank]],
                         stage.at[pl.ds(bank * _SOFF, 128)], sem)
        for bank in range(4)
    ]
    for cp in cps:
        cp.wait()

    def seg_body(s, _):
        for c in range(8):
            lin = ext_v[s, pl.ds(c * 16, 16)]
            er = lax.shift_right_logical(lin, 7)
            ec = lax.bitwise_and(lin, 127)
            rows_v[s, pl.ds(c * 16, 16)] = plsc.load_gather(stage, [er, ec])
        return 0

    lax.fori_loop(0, _SPW, seg_body, 0)
    pltpu.sync_copy(rows_v, out_hbm.at[pl.ds(base, _SPW)])


@functools.cache
def _sc_gather_kernel():
    return pl.kernel(
        _sc_gather_body,
        mesh=plsc.VectorSubcoreMesh(core_axis_name="c", subcore_axis_name="s"),
        out_type=jax.ShapeDtypeStruct((_SEGS, 128), jnp.float32),
        scratch_types=[
            pltpu.VMEM((4, 128), jnp.int32),
            pltpu.VMEM((_SPW, 128), jnp.int32),
            pltpu.VMEM((4 * _SOFF, 128), jnp.float32),
            pltpu.VMEM((_SPW, 128), jnp.float32),
            pltpu.SemaphoreType.DMA,
        ],
        compiler_params=pltpu.CompilerParams(needs_layout_passes=False),
    )


def kernel(points, w1, b1, w2, b2, w3, b3):
    skey = jax.random.key(42)
    keys = jax.vmap(lambda i: jax.random.fold_in(skey, i))(
        jnp.arange(NUM_SAMPLES))
    gp = jax.vmap(lambda k: jax.random.gumbel(k, (B, VS), jnp.float32))(keys)

    xt = jnp.transpose(points, (0, 2, 1))
    xp = jnp.concatenate([xt[:, :, -2:], xt, xt[:, :, :2]], axis=2)

    w1r = jnp.transpose(w1, (0, 2, 1)).reshape(64, 10)
    w2r = jnp.transpose(w2, (2, 0, 1)).reshape(96, 64)
    b1c = b1.reshape(64, 1)
    b2c = b2.reshape(32, 1)
    w3c = w3.reshape(1, 32)
    b3c = b3.reshape(1, 1)

    starts2, table = _tc_starts(xp, gp, w1r, b1c, w2r, b2c, w3c, b3c)
    starts = starts2[:, :NUM_SAMPLES].T

    sflat = starts.reshape(_SEGS)
    bno = jnp.tile(jnp.arange(B, dtype=jnp.int32), (NUM_SAMPLES,))
    blk = sflat // 128
    o = sflat % 128
    need2 = (o >= 128 - SEG_LEN + 1).astype(jnp.int32)
    xr0 = bno * 128 + blk
    banks = jnp.stack([xr0, xr0 + need2, xr0 + 64, xr0 + 64 + need2],
                      axis=0)
    idxw = banks.reshape(4, _NW, _SPW).transpose(1, 0, 2)
    idxh = jnp.pad(idxw, ((0, 0), (0, 0), (0, 128 - _SPW)), mode="edge")

    s_local = jnp.arange(_SEGS, dtype=jnp.int32) % _SPW
    j = jnp.minimum(jnp.arange(128, dtype=jnp.int32), 99)
    p = j // 2
    c = j & 1
    pos = o[:, None] + p[None, :]
    bank = 2 * c[None, :] + (pos >= 128).astype(jnp.int32)
    ext = 128 * (128 * bank + s_local[:, None]) + (pos & 127)

    out = _sc_gather_kernel()(table, idxh, ext)
    return out[:, :100].reshape(NUM_SAMPLES, B, SEG_LEN, 2)

# --- scband reference (transcript-rebuilt; emitter-appended) ---
"""Pipeline reference for scband-edge-segment-sampler-57526791962714 (READ-ONLY COPY).

The authoritative reference and input builder live on the scoring server;
editing this copy changes nothing except your own understanding.
"""

import jax, jax.numpy as jnp
import numpy as np

SEG_LEN = 50
NUM_SAMPLES = 20


def _conv1d(x, w, b, pad):
    # x: (B, C_in, N), w: (C_out, C_in, K)
    out = jax.lax.conv_general_dilated(
        x, w, window_strides=(1,), padding=[(pad, pad)],
        dimension_numbers=('NCH', 'OIH', 'NCH'))
    return out + b[None, :, None]


def setup_inputs(seed: int = 0) -> dict:
    key = jax.random.key(seed)
    ks = jax.random.split(key, 7)
    points = jax.random.normal(ks[0], (128, 8192, 2), dtype=jnp.float32)
    w1 = jax.random.normal(ks[1], (64, 2, 5), dtype=jnp.float32) * 0.2
    b1 = jnp.zeros((64,), dtype=jnp.float32)
    w2 = jax.random.normal(ks[2], (32, 64, 3), dtype=jnp.float32) * 0.08
    b2 = jnp.zeros((32,), dtype=jnp.float32)
    w3 = jax.random.normal(ks[3], (1, 32, 1), dtype=jnp.float32) * 0.15
    b3 = jnp.zeros((1,), dtype=jnp.float32)
    return {"points": points, "w1": w1, "b1": b1, "w2": w2, "b2": b2, "w3": w3, "b3": b3}


def reference(points, w1, b1, w2, b2, w3, b3):
    B, N, _ = points.shape
    # importance_net: Conv1d(2->64,k5,p2) ReLU Conv1d(64->32,k3,p1) ReLU Conv1d(32->1,k1) Sigmoid
    x = jnp.transpose(points, (0, 2, 1))  # (B, 2, N)
    h = jax.nn.relu(_conv1d(x, w1, b1, 2))
    h = jax.nn.relu(_conv1d(h, w2, b2, 1))
    importance = jax.nn.sigmoid(_conv1d(h, w3, b3, 0))[:, 0, :]  # (B, N)
    # curvature
    fwd = jnp.roll(points, -1, axis=1) - points
    bwd = points - jnp.roll(points, 1, axis=1)
    cross = fwd[:, :, 0] * bwd[:, :, 1] - fwd[:, :, 1] * bwd[:, :, 0]
    curvature = jnp.abs(cross)
    combined = importance + 0.3 * curvature  # (B, N)

    valid_starts = N - SEG_LEN
    batch_idx = jnp.arange(B)
    seg_off = jnp.arange(SEG_LEN)
    pos = jnp.arange(N)[None, :]
    skey = jax.random.key(42)
    segments = []
    for i in range(NUM_SAMPLES):
        probs = jax.nn.softmax(combined, axis=1)
        probs = probs[:, :valid_starts]
        probs = probs / jnp.sum(probs, axis=1, keepdims=True)
        logits = jnp.log(probs + 1e-12)
        k = jax.random.fold_in(skey, i)
        start = jax.random.categorical(k, logits, axis=1)  # (B,) int, multinomial(1 draw)
        idx = start[:, None] + seg_off[None, :]  # (B, SEG_LEN)
        seg = points[batch_idx[:, None], idx]  # (B, SEG_LEN, 2)
        segments.append(seg)
        mask = (pos >= start[:, None]) & (pos < start[:, None] + SEG_LEN)
        combined = jnp.where(mask, combined * 0.1, combined)
    return jnp.stack(segments, axis=0)  # (NUM_SAMPLES, B, SEG_LEN, 2)

if __name__ == "__main__":
    import jax
    _d = setup_inputs()
    print(jax.jit(kernel)(*tuple(_d.values())))

</pallas_src>

<mosaic_0001>
#map = affine_map<(d0, d1) -> (0, 0)>
#map1 = affine_map<(d0, d1) -> (0, 0, 0)>
module attributes {stable_mosaic.version = 14 : i64} {
  func.func @_sc_gather_body(%arg0: i32, %arg1: i32, %arg2: memref<16384x128xf32, #tpu.memory_space<hbm>>, %arg3: memref<32x4x128xi32, #tpu.memory_space<hbm>>, %arg4: memref<2560x128xi32, #tpu.memory_space<hbm>>, %arg5: memref<2560x128xf32, #tpu.memory_space<hbm>>, %arg6: memref<4x128xi32, #tpu.memory_space<vmem>>, %arg7: memref<80x128xi32, #tpu.memory_space<vmem>>, %arg8: memref<512x128xf32, #tpu.memory_space<vmem>>, %arg9: memref<80x128xf32, #tpu.memory_space<vmem>>, %arg10: memref<!tpu.dma_semaphore, #tpu.memory_space<semaphore_mem>>) attributes {dimension_semantics = [#tpu.dimension_semantics<core_parallel>, #tpu.dimension_semantics<subcore_parallel>], iteration_bounds = array<i64: 2, 16>, scalar_prefetch = 0 : i64, scratch_operands = 5 : i64, tpu.core_type = #tpu.core_type<sc_vector_subcore>, window_params = [{transform_indices = #map}, {transform_indices = #map1}, {transform_indices = #map}, {transform_indices = #map}]} {
    %mul3A = arith.constant 2 : i32
    %mul3A_0 = arith.muli %arg1, %mul3A : i32
    %add3A = arith.addi %mul3A_0, %arg0 : i32
    %mul3A_1 = arith.constant 80 : i32
    %mul3A_2 = arith.muli %add3A, %mul3A_1 : i32
    "tpu.region"() ({
      %run_scoped3A = tpu.sem_alloc : memref<!tpu.dma_semaphore, #tpu.memory_space<semaphore_mem>>
      %dma_start3A_87 = arith.constant 0 : i32
      %dma_start3A_88 = arith.constant 0 : i32
      %dma_start3A_89 = tpu.memref_slice %arg3[%add3A, %dma_start3A_87, %dma_start3A_88] : memref<32x4x128xi32, #tpu.memory_space<hbm>> -> memref<1x4x128xi32, #tpu.memory_space<hbm>>
      %dma_start3A_90 = tpu.memref_squeeze %dma_start3A_89 : memref<1x4x128xi32, #tpu.memory_space<hbm>> -> memref<4x128xi32, #tpu.memory_space<hbm>>
      %dma_start3A_91 = arith.constant 0 : i32
      %dma_start3A_92 = arith.constant 0 : i32
      %dma_start3A_93 = tpu.memref_slice %arg3[%add3A, %dma_start3A_91, %dma_start3A_92] : memref<32x4x128xi32, #tpu.memory_space<hbm>> -> memref<1x4x128xi32, #tpu.memory_space<hbm>>
      %dma_start3A_94 = tpu.memref_squeeze %dma_start3A_93 : memref<1x4x128xi32, #tpu.memory_space<hbm>> -> memref<4x128xi32, #tpu.memory_space<hbm>>
      tpu.enqueue_dma source(%dma_start3A_94 : memref<4x128xi32, #tpu.memory_space<hbm>>) target(%arg6 : memref<4x128xi32, #tpu.memory_space<vmem>>) target_semaphore(%run_scoped3A : memref<!tpu.dma_semaphore, #tpu.memory_space<semaphore_mem>>)
      %dma_wait3A_95 = arith.constant 0 : i32
      %dma_wait3A_96 = arith.constant 0 : i32
      %dma_wait3A_97 = tpu.memref_slice %arg3[%add3A, %dma_wait3A_95, %dma_wait3A_96] : memref<32x4x128xi32, #tpu.memory_space<hbm>> -> memref<1x4x128xi32, #tpu.memory_space<hbm>>
      %dma_wait3A_98 = tpu.memref_squeeze %dma_wait3A_97 : memref<1x4x128xi32, #tpu.memory_space<hbm>> -> memref<4x128xi32, #tpu.memory_space<hbm>>
      %dma_wait3A_99 = arith.constant 0 : i32
      %dma_wait3A_100 = arith.constant 0 : i32
      %dma_wait3A_101 = tpu.memref_slice %arg3[%add3A, %dma_wait3A_99, %dma_wait3A_100] : memref<32x4x128xi32, #tpu.memory_space<hbm>> -> memref<1x4x128xi32, #tpu.memory_space<hbm>>
      %dma_wait3A_102 = tpu.memref_squeeze %dma_wait3A_101 : memref<1x4x128xi32, #tpu.memory_space<hbm>> -> memref<4x128xi32, #tpu.memory_space<hbm>>
      tpu.wait_dma2 semaphore(%run_scoped3A : memref<!tpu.dma_semaphore, #tpu.memory_space<semaphore_mem>>) src(%dma_wait3A_102 : memref<4x128xi32, #tpu.memory_space<hbm>>) dst(%arg6 : memref<4x128xi32, #tpu.memory_space<vmem>>)
      tpu.yield
    }) : () -> ()
    "tpu.region"() ({
      %run_scoped3A = tpu.sem_alloc : memref<!tpu.dma_semaphore, #tpu.memory_space<semaphore_mem>>
      %dma_start3A_87 = arith.constant 0 : i32
      %dma_start3A_88 = tpu.memref_slice %arg4[%mul3A_2, %dma_start3A_87] : memref<2560x128xi32, #tpu.memory_space<hbm>> -> memref<80x128xi32, #tpu.memory_space<hbm>>
      %dma_start3A_89 = arith.constant 0 : i32
      %dma_start3A_90 = tpu.memref_slice %arg4[%mul3A_2, %dma_start3A_89] : memref<2560x128xi32, #tpu.memory_space<hbm>> -> memref<80x128xi32, #tpu.memory_space<hbm>>
      tpu.enqueue_dma source(%dma_start3A_90 : memref<80x128xi32, #tpu.memory_space<hbm>>) target(%arg7 : memref<80x128xi32, #tpu.memory_space<vmem>>) target_semaphore(%run_scoped3A : memref<!tpu.dma_semaphore, #tpu.memory_space<semaphore_mem>>)
      %dma_wait3A_91 = arith.constant 0 : i32
      %dma_wait3A_92 = tpu.memref_slice %arg4[%mul3A_2, %dma_wait3A_91] : memref<2560x128xi32, #tpu.memory_space<hbm>> -> memref<80x128xi32, #tpu.memory_space<hbm>>
      %dma_wait3A_93 = arith.constant 0 : i32
      %dma_wait3A_94 = tpu.memref_slice %arg4[%mul3A_2, %dma_wait3A_93] : memref<2560x128xi32, #tpu.memory_space<hbm>> -> memref<80x128xi32, #tpu.memory_space<hbm>>
      tpu.wait_dma2 semaphore(%run_scoped3A : memref<!tpu.dma_semaphore, #tpu.memory_space<semaphore_mem>>) src(%dma_wait3A_94 : memref<80x128xi32, #tpu.memory_space<hbm>>) dst(%arg7 : memref<80x128xi32, #tpu.memory_space<vmem>>)
      tpu.yield
    }) : () -> ()
    %dma_start3A = arith.constant 0 : i32
    %dma_start3A_3 = arith.constant 0 : i32
    %dma_start3A_4 = arith.constant 0 : i32
    %dma_start3A_5 = tpu.memref_slice %arg8[%dma_start3A_3, %dma_start3A_4] : memref<512x128xf32, #tpu.memory_space<vmem>> -> memref<128x128xf32, #tpu.memory_space<vmem>>
    %dma_start3A_6 = arith.constant 0 : i32
    %dma_start3A_7 = tpu.memref_slice %arg6[%dma_start3A, %dma_start3A_6] : memref<4x128xi32, #tpu.memory_space<vmem>> -> memref<1x128xi32, #tpu.memory_space<vmem>>
    %dma_start3A_8 = tpu.memref_squeeze %dma_start3A_7 : memref<1x128xi32, #tpu.memory_space<vmem>> -> memref<128xi32, #tpu.memory_space<vmem>>
    %dma_start3A_9 = arith.constant 0 : i32
    %dma_start3A_10 = arith.constant 0 : i32
    %dma_start3A_11 = tpu.memref_slice %arg2[%dma_start3A_9, %dma_start3A_10] : memref<16384x128xf32, #tpu.memory_space<hbm>> -> memref<16384x128xf32, #tpu.memory_space<hbm>>
    tpu.enqueue_indirect_dma source(%dma_start3A_11 : memref<16384x128xf32, #tpu.memory_space<hbm>>) target(%dma_start3A_5 : memref<128x128xf32, #tpu.memory_space<vmem>>) offsets(%dma_start3A_8 : memref<128xi32, #tpu.memory_space<vmem>>) semaphore(%arg10 : memref<!tpu.dma_semaphore, #tpu.memory_space<semaphore_mem>>)
    %dma_start3A_12 = arith.constant 1 : i32
    %dma_start3A_13 = arith.constant 128 : i32
    %dma_start3A_14 = arith.constant 0 : i32
    %dma_start3A_15 = tpu.memref_slice %arg8[%dma_start3A_13, %dma_start3A_14] : memref<512x128xf32, #tpu.memory_space<vmem>> -> memref<128x128xf32, #tpu.memory_space<vmem>>
    %dma_start3A_16 = arith.constant 0 : i32
    %dma_start3A_17 = tpu.memref_slice %arg6[%dma_start3A_12, %dma_start3A_16] : memref<4x128xi32, #tpu.memory_space<vmem>> -> memref<1x128xi32, #tpu.memory_space<vmem>>
    %dma_start3A_18 = tpu.memref_squeeze %dma_start3A_17 : memref<1x128xi32, #tpu.memory_space<vmem>> -> memref<128xi32, #tpu.memory_space<vmem>>
    %dma_start3A_19 = arith.constant 0 : i32
    %dma_start3A_20 = arith.constant 0 : i32
    %dma_start3A_21 = tpu.memref_slice %arg2[%dma_start3A_19, %dma_start3A_20] : memref<16384x128xf32, #tpu.memory_space<hbm>> -> memref<16384x128xf32, #tpu.memory_space<hbm>>
    tpu.enqueue_indirect_dma source(%dma_start3A_21 : memref<16384x128xf32, #tpu.memory_space<hbm>>) target(%dma_start3A_15 : memref<128x128xf32, #tpu.memory_space<vmem>>) offsets(%dma_start3A_18 : memref<128xi32, #tpu.memory_space<vmem>>) semaphore(%arg10 : memref<!tpu.dma_semaphore, #tpu.memory_space<semaphore_mem>>)
    %dma_start3A_22 = arith.constant 2 : i32
    %dma_start3A_23 = arith.constant 256 : i32
    %dma_start3A_24 = arith.constant 0 : i32
    %dma_start3A_25 = tpu.memref_slice %arg8[%dma_start3A_23, %dma_start3A_24] : memref<512x128xf32, #tpu.memory_space<vmem>> -> memref<128x128xf32, #tpu.memory_space<vmem>>
    %dma_start3A_26 = arith.constant 0 : i32
    %dma_start3A_27 = tpu.memref_slice %arg6[%dma_start3A_22, %dma_start3A_26] : memref<4x128xi32, #tpu.memory_space<vmem>> -> memref<1x128xi32, #tpu.memory_space<vmem>>
    %dma_start3A_28 = tpu.memref_squeeze %dma_start3A_27 : memref<1x128xi32, #tpu.memory_space<vmem>> -> memref<128xi32, #tpu.memory_space<vmem>>
    %dma_start3A_29 = arith.constant 0 : i32
    %dma_start3A_30 = arith.constant 0 : i32
    %dma_start3A_31 = tpu.memref_slice %arg2[%dma_start3A_29, %dma_start3A_30] : memref<16384x128xf32, #tpu.memory_space<hbm>> -> memref<16384x128xf32, #tpu.memory_space<hbm>>
    tpu.enqueue_indirect_dma source(%dma_start3A_31 : memref<16384x128xf32, #tpu.memory_space<hbm>>) target(%dma_start3A_25 : memref<128x128xf32, #tpu.memory_space<vmem>>) offsets(%dma_start3A_28 : memref<128xi32, #tpu.memory_space<vmem>>) semaphore(%arg10 : memref<!tpu.dma_semaphore, #tpu.memory_space<semaphore_mem>>)
    %dma_start3A_32 = arith.constant 3 : i32
    %dma_start3A_33 = arith.constant 384 : i32
    %dma_start3A_34 = arith.constant 0 : i32
    %dma_start3A_35 = tpu.memref_slice %arg8[%dma_start3A_33, %dma_start3A_34] : memref<512x128xf32, #tpu.memory_space<vmem>> -> memref<128x128xf32, #tpu.memory_space<vmem>>
    %dma_start3A_36 = arith.constant 0 : i32
    %dma_start3A_37 = tpu.memref_slice %arg6[%dma_start3A_32, %dma_start3A_36] : memref<4x128xi32, #tpu.memory_space<vmem>> -> memref<1x128xi32, #tpu.memory_space<vmem>>
    %dma_start3A_38 = tpu.memref_squeeze %dma_start3A_37 : memref<1x128xi32, #tpu.memory_space<vmem>> -> memref<128xi32, #tpu.memory_space<vmem>>
    %dma_start3A_39 = arith.constant 0 : i32
    %dma_start3A_40 = arith.constant 0 : i32
    %dma_start3A_41 = tpu.memref_slice %arg2[%dma_start3A_39, %dma_start3A_40] : memref<16384x128xf32, #tpu.memory_space<hbm>> -> memref<16384x128xf32, #tpu.memory_space<hbm>>
    tpu.enqueue_indirect_dma source(%dma_start3A_41 : memref<16384x128xf32, #tpu.memory_space<hbm>>) target(%dma_start3A_35 : memref<128x128xf32, #tpu.memory_space<vmem>>) offsets(%dma_start3A_38 : memref<128xi32, #tpu.memory_space<vmem>>) semaphore(%arg10 : memref<!tpu.dma_semaphore, #tpu.memory_space<semaphore_mem>>)
    %dma_wait3A = arith.constant 0 : i32
    %dma_wait3A_42 = arith.constant 0 : i32
    %dma_wait3A_43 = arith.constant 0 : i32
    %dma_wait3A_44 = tpu.memref_slice %arg8[%dma_wait3A_42, %dma_wait3A_43] : memref<512x128xf32, #tpu.memory_space<vmem>> -> memref<128x128xf32, #tpu.memory_space<vmem>>
    %dma_wait3A_45 = arith.constant 0 : i32
    %dma_wait3A_46 = tpu.memref_slice %arg6[%dma_wait3A, %dma_wait3A_45] : memref<4x128xi32, #tpu.memory_space<vmem>> -> memref<1x128xi32, #tpu.memory_space<vmem>>
    %dma_wait3A_47 = tpu.memref_squeeze %dma_wait3A_46 : memref<1x128xi32, #tpu.memory_space<vmem>> -> memref<128xi32, #tpu.memory_space<vmem>>
    %dma_wait3A_48 = arith.constant 0 : i32
    %dma_wait3A_49 = arith.constant 0 : i32
    %dma_wait3A_50 = tpu.memref_slice %arg2[%dma_wait3A_48, %dma_wait3A_49] : memref<16384x128xf32, #tpu.memory_space<hbm>> -> memref<16384x128xf32, #tpu.memory_space<hbm>>
    tpu.wait_indirect_dma semaphore(%arg10 : memref<!tpu.dma_semaphore, #tpu.memory_space<semaphore_mem>>) src(%dma_wait3A_50 : memref<16384x128xf32, #tpu.memory_space<hbm>>) dst(%dma_wait3A_44 : memref<128x128xf32, #tpu.memory_space<vmem>>)
    %dma_wait3A_51 = arith.constant 1 : i32
    %dma_wait3A_52 = arith.constant 128 : i32
    %dma_wait3A_53 = arith.constant 0 : i32
    %dma_wait3A_54 = tpu.memref_slice %arg8[%dma_wait3A_52, %dma_wait3A_53] : memref<512x128xf32, #tpu.memory_space<vmem>> -> memref<128x128xf32, #tpu.memory_space<vmem>>
    %dma_wait3A_55 = arith.constant 0 : i32
    %dma_wait3A_56 = tpu.memref_slice %arg6[%dma_wait3A_51, %dma_wait3A_55] : memref<4x128xi32, #tpu.memory_space<vmem>> -> memref<1x128xi32, #tpu.memory_space<vmem>>
    %dma_wait3A_57 = tpu.memref_squeeze %dma_wait3A_56 : memref<1x128xi32, #tpu.memory_space<vmem>> -> memref<128xi32, #tpu.memory_space<vmem>>
    %dma_wait3A_58 = arith.constant 0 : i32
    %dma_wait3A_59 = arith.constant 0 : i32
    %dma_wait3A_60 = tpu.memref_slice %arg2[%dma_wait3A_58, %dma_wait3A_59] : memref<16384x128xf32, #tpu.memory_space<hbm>> -> memref<16384x128xf32, #tpu.memory_space<hbm>>
    tpu.wait_indirect_dma semaphore(%arg10 : memref<!tpu.dma_semaphore, #tpu.memory_space<semaphore_mem>>) src(%dma_wait3A_60 : memref<16384x128xf32, #tpu.memory_space<hbm>>) dst(%dma_wait3A_54 : memref<128x128xf32, #tpu.memory_space<vmem>>)
    %dma_wait3A_61 = arith.constant 2 : i32
    %dma_wait3A_62 = arith.constant 256 : i32
    %dma_wait3A_63 = arith.constant 0 : i32
    %dma_wait3A_64 = tpu.memref_slice %arg8[%dma_wait3A_62, %dma_wait3A_63] : memref<512x128xf32, #tpu.memory_space<vmem>> -> memref<128x128xf32, #tpu.memory_space<vmem>>
    %dma_wait3A_65 = arith.constant 0 : i32
    %dma_wait3A_66 = tpu.memref_slice %arg6[%dma_wait3A_61, %dma_wait3A_65] : memref<4x128xi32, #tpu.memory_space<vmem>> -> memref<1x128xi32, #tpu.memory_space<vmem>>
    %dma_wait3A_67 = tpu.memref_squeeze %dma_wait3A_66 : memref<1x128xi32, #tpu.memory_space<vmem>> -> memref<128xi32, #tpu.memory_space<vmem>>
    %dma_wait3A_68 = arith.constant 0 : i32
    %dma_wait3A_69 = arith.constant 0 : i32
    %dma_wait3A_70 = tpu.memref_slice %arg2[%dma_wait3A_68, %dma_wait3A_69] : memref<16384x128xf32, #tpu.memory_space<hbm>> -> memref<16384x128xf32, #tpu.memory_space<hbm>>
    tpu.wait_indirect_dma semaphore(%arg10 : memref<!tpu.dma_semaphore, #tpu.memory_space<semaphore_mem>>) src(%dma_wait3A_70 : memref<16384x128xf32, #tpu.memory_space<hbm>>) dst(%dma_wait3A_64 : memref<128x128xf32, #tpu.memory_space<vmem>>)
    %dma_wait3A_71 = arith.constant 3 : i32
    %dma_wait3A_72 = arith.constant 384 : i32
    %dma_wait3A_73 = arith.constant 0 : i32
    %dma_wait3A_74 = tpu.memref_slice %arg8[%dma_wait3A_72, %dma_wait3A_73] : memref<512x128xf32, #tpu.memory_space<vmem>> -> memref<128x128xf32, #tpu.memory_space<vmem>>
    %dma_wait3A_75 = arith.constant 0 : i32
    %dma_wait3A_76 = tpu.memref_slice %arg6[%dma_wait3A_71, %dma_wait3A_75] : memref<4x128xi32, #tpu.memory_space<vmem>> -> memref<1x128xi32, #tpu.memory_space<vmem>>
    %dma_wait3A_77 = tpu.memref_squeeze %dma_wait3A_76 : memref<1x128xi32, #tpu.memory_space<vmem>> -> memref<128xi32, #tpu.memory_space<vmem>>
    %dma_wait3A_78 = arith.constant 0 : i32
    %dma_wait3A_79 = arith.constant 0 : i32
    %dma_wait3A_80 = tpu.memref_slice %arg2[%dma_wait3A_78, %dma_wait3A_79] : memref<16384x128xf32, #tpu.memory_space<hbm>> -> memref<16384x128xf32, #tpu.memory_space<hbm>>
    tpu.wait_indirect_dma semaphore(%arg10 : memref<!tpu.dma_semaphore, #tpu.memory_space<semaphore_mem>>) src(%dma_wait3A_80 : memref<16384x128xf32, #tpu.memory_space<hbm>>) dst(%dma_wait3A_74 : memref<128x128xf32, #tpu.memory_space<vmem>>)
    %scan3A = arith.constant 0 : i32
    %scan3A_81 = arith.constant 0 : i32
    %scan3A_82 = arith.constant 80 : i32
    %scan3A_83 = arith.addi %scan3A_81, %scan3A_82 : i32
    %scan3A_84 = arith.constant 1 : i32
    %scan3A_85 = scf.for %scan3A_87 = %scan3A_81 to %scan3A_83 step %scan3A_84 iter_args(%scan3A_88 = %scan3A) -> (i32)  : i32 {
      %get3A = arith.index_cast %scan3A_87 : i32 to index
      %get3A_89 = arith.constant 0 : index
      %get3A_90 = tpu.vector_load %arg7[%get3A, %get3A_89] {strides = array<i32>} : memref<80x128xi32, #tpu.memory_space<vmem>>, vector<16xi32>,
      %shift_right_logical3A = arith.constant 7 : i32
      %shift_right_logical3A_91 = vector.broadcast %shift_right_logical3A : i32 to vector<16xi32>
      %shift_right_logical3A_92 = arith.shrui %get3A_90, %shift_right_logical3A_91 : vector<16xi32>
      %and3A = arith.constant 127 : i32
      %and3A_93 = vector.broadcast %and3A : i32 to vector<16xi32>
      %and3A_94 = arith.andi %get3A_90, %and3A_93 : vector<16xi32>
      %gather3A = tpu.vector_load_idx %arg8[%shift_right_logical3A_92, %and3A_94] : memref<512x128xf32, #tpu.memory_space<vmem>>[vector<16xi32>, vector<16xi32>], vector<16xf32>,
      %swap3A = arith.index_cast %scan3A_87 : i32 to index
      %swap3A_95 = arith.constant 0 : index
      %swap3A_96 = tpu.vector_load %arg9[%swap3A, %swap3A_95] {strides = array<i32>} : memref<80x128xf32, #tpu.memory_space<vmem>>, vector<16xf32>,
      tpu.vector_store %arg9[%swap3A, %swap3A_95], %gather3A {strides = array<i32>} : memref<80x128xf32, #tpu.memory_space<vmem>>, vector<16xf32>,
      %get3A_97 = arith.index_cast %scan3A_87 : i32 to index
      %get3A_98 = arith.constant 16 : index
      %get3A_99 = tpu.vector_load %arg7[%get3A_97, %get3A_98] {strides = array<i32>} : memref<80x128xi32, #tpu.memory_space<vmem>>, vector<16xi32>,
      %shift_right_logical3A_100 = arith.constant 7 : i32
      %shift_right_logical3A_101 = vector.broadcast %shift_right_logical3A_100 : i32 to vector<16xi32>
      %shift_right_logical3A_102 = arith.shrui %get3A_99, %shift_right_logical3A_101 : vector<16xi32>
      %and3A_103 = arith.constant 127 : i32
      %and3A_104 = vector.broadcast %and3A_103 : i32 to vector<16xi32>
      %and3A_105 = arith.andi %get3A_99, %and3A_104 : vector<16xi32>
      %gather3A_106 = tpu.vector_load_idx %arg8[%shift_right_logical3A_102, %and3A_105] : memref<512x128xf32, #tpu.memory_space<vmem>>[vector<16xi32>, vector<16xi32>], vector<16xf32>,
      %swap3A_107 = arith.index_cast %scan3A_87 : i32 to index
      %swap3A_108 = arith.constant 16 : index
      %swap3A_109 = tpu.vector_load %arg9[%swap3A_107, %swap3A_108] {strides = array<i32>} : memref<80x128xf32, #tpu.memory_space<vmem>>, vector<16xf32>,
      tpu.vector_store %arg9[%swap3A_107, %swap3A_108], %gather3A_106 {strides = array<i32>} : memref<80x128xf32, #tpu.memory_space<vmem>>, vector<16xf32>,
      %get3A_110 = arith.index_cast %scan3A_87 : i32 to index
      %get3A_111 = arith.constant 32 : index
      %get3A_112 = tpu.vector_load %arg7[%get3A_110, %get3A_111] {strides = array<i32>} : memref<80x128xi32, #tpu.memory_space<vmem>>, vector<16xi32>,
      %shift_right_logical3A_113 = arith.constant 7 : i32
      %shift_right_logical3A_114 = vector.broadcast %shift_right_logical3A_113 : i32 to vector<16xi32>
      %shift_right_logical3A_115 = arith.shrui %get3A_112, %shift_right_logical3A_114 : vector<16xi32>
      %and3A_116 = arith.constant 127 : i32
      %and3A_117 = vector.broadcast %and3A_116 : i32 to vector<16xi32>
      %and3A_118 = arith.andi %get3A_112, %and3A_117 : vector<16xi32>
      %gather3A_119 = tpu.vector_load_idx %arg8[%shift_right_logical3A_115, %and3A_118] : memref<512x128xf32, #tpu.memory_space<vmem>>[vector<16xi32>, vector<16xi32>], vector<16xf32>,
      %swap3A_120 = arith.index_cast %scan3A_87 : i32 to index
      %swap3A_121 = arith.constant 32 : index
      %swap3A_122 = tpu.vector_load %arg9[%swap3A_120, %swap3A_121] {strides = array<i32>} : memref<80x128xf32, #tpu.memory_space<vmem>>, vector<16xf32>,
      tpu.vector_store %arg9[%swap3A_120, %swap3A_121], %gather3A_119 {strides = array<i32>} : memref<80x128xf32, #tpu.memory_space<vmem>>, vector<16xf32>,
      %get3A_123 = arith.index_cast %scan3A_87 : i32 to index
      %get3A_124 = arith.constant 48 : index
      %get3A_125 = tpu.vector_load %arg7[%get3A_123, %get3A_124] {strides = array<i32>} : memref<80x128xi32, #tpu.memory_space<vmem>>, vector<16xi32>,
      %shift_right_logical3A_126 = arith.constant 7 : i32
      %shift_right_logical3A_127 = vector.broadcast %shift_right_logical3A_126 : i32 to vector<16xi32>
      %shift_right_logical3A_128 = arith.shrui %get3A_125, %shift_right_logical3A_127 : vector<16xi32>
      %and3A_129 = arith.constant 127 : i32
      %and3A_130 = vector.broadcast %and3A_129 : i32 to vector<16xi32>
      %and3A_131 = arith.andi %get3A_125, %and3A_130 : vector<16xi32>
      %gather3A_132 = tpu.vector_load_idx %arg8[%shift_right_logical3A_128, %and3A_131] : memref<512x128xf32, #tpu.memory_space<vmem>>[vector<16xi32>, vector<16xi32>], vector<16xf32>,
      %swap3A_133 = arith.index_cast %scan3A_87 : i32 to index
      %swap3A_134 = arith.constant 48 : index
      %swap3A_135 = tpu.vector_load %arg9[%swap3A_133, %swap3A_134] {strides = array<i32>} : memref<80x128xf32, #tpu.memory_space<vmem>>, vector<16xf32>,
      tpu.vector_store %arg9[%swap3A_133, %swap3A_134], %gather3A_132 {strides = array<i32>} : memref<80x128xf32, #tpu.memory_space<vmem>>, vector<16xf32>,
      %get3A_136 = arith.index_cast %scan3A_87 : i32 to index
      %get3A_137 = arith.constant 64 : index
      %get3A_138 = tpu.vector_load %arg7[%get3A_136, %get3A_137] {strides = array<i32>} : memref<80x128xi32, #tpu.memory_space<vmem>>, vector<16xi32>,
      %shift_right_logical3A_139 = arith.constant 7 : i32
      %shift_right_logical3A_140 = vector.broadcast %shift_right_logical3A_139 : i32 to vector<16xi32>
      %shift_right_logical3A_141 = arith.shrui %get3A_138, %shift_right_logical3A_140 : vector<16xi32>
      %and3A_142 = arith.constant 127 : i32
      %and3A_143 = vector.broadcast %and3A_142 : i32 to vector<16xi32>
      %and3A_144 = arith.andi %get3A_138, %and3A_143 : vector<16xi32>
      %gather3A_145 = tpu.vector_load_idx %arg8[%shift_right_logical3A_141, %and3A_144] : memref<512x128xf32, #tpu.memory_space<vmem>>[vector<16xi32>, vector<16xi32>], vector<16xf32>,
      %swap3A_146 = arith.index_cast %scan3A_87 : i32 to index
      %swap3A_147 = arith.constant 64 : index
      %swap3A_148 = tpu.vector_load %arg9[%swap3A_146, %swap3A_147] {strides = array<i32>} : memref<80x128xf32, #tpu.memory_space<vmem>>, vector<16xf32>,
      tpu.vector_store %arg9[%swap3A_146, %swap3A_147], %gather3A_145 {strides = array<i32>} : memref<80x128xf32, #tpu.memory_space<vmem>>, vector<16xf32>,
      %get3A_149 = arith.index_cast %scan3A_87 : i32 to index
      %get3A_150 = arith.constant 80 : index
      %get3A_151 = tpu.vector_load %arg7[%get3A_149, %get3A_150] {strides = array<i32>} : memref<80x128xi32, #tpu.memory_space<vmem>>, vector<16xi32>,
      %shift_right_logical3A_152 = arith.constant 7 : i32
      %shift_right_logical3A_153 = vector.broadcast %shift_right_logical3A_152 : i32 to vector<16xi32>
      %shift_right_logical3A_154 = arith.shrui %get3A_151, %shift_right_logical3A_153 : vector<16xi32>
      %and3A_155 = arith.constant 127 : i32
      %and3A_156 = vector.broadcast %and3A_155 : i32 to vector<16xi32>
      %and3A_157 = arith.andi %get3A_151, %and3A_156 : vector<16xi32>
      %gather3A_158 = tpu.vector_load_idx %arg8[%shift_right_logical3A_154, %and3A_157] : memref<512x128xf32, #tpu.memory_space<vmem>>[vector<16xi32>, vector<16xi32>], vector<16xf32>,
      %swap3A_159 = arith.index_cast %scan3A_87 : i32 to index
      %swap3A_160 = arith.constant 80 : index
      %swap3A_161 = tpu.vector_load %arg9[%swap3A_159, %swap3A_160] {strides = array<i32>} : memref<80x128xf32, #tpu.memory_space<vmem>>, vector<16xf32>,
      tpu.vector_store %arg9[%swap3A_159, %swap3A_160], %gather3A_158 {strides = array<i32>} : memref<80x128xf32, #tpu.memory_space<vmem>>, vector<16xf32>,
      %get3A_162 = arith.index_cast %scan3A_87 : i32 to index
      %get3A_163 = arith.constant 96 : index
      %get3A_164 = tpu.vector_load %arg7[%get3A_162, %get3A_163] {strides = array<i32>} : memref<80x128xi32, #tpu.memory_space<vmem>>, vector<16xi32>,
      %shift_right_logical3A_165 = arith.constant 7 : i32
      %shift_right_logical3A_166 = vector.broadcast %shift_right_logical3A_165 : i32 to vector<16xi32>
      %shift_right_logical3A_167 = arith.shrui %get3A_164, %shift_right_logical3A_166 : vector<16xi32>
      %and3A_168 = arith.constant 127 : i32
      %and3A_169 = vector.broadcast %and3A_168 : i32 to vector<16xi32>
      %and3A_170 = arith.andi %get3A_164, %and3A_169 : vector<16xi32>
      %gather3A_171 = tpu.vector_load_idx %arg8[%shift_right_logical3A_167, %and3A_170] : memref<512x128xf32, #tpu.memory_space<vmem>>[vector<16xi32>, vector<16xi32>], vector<16xf32>,
      %swap3A_172 = arith.index_cast %scan3A_87 : i32 to index
      %swap3A_173 = arith.constant 96 : index
      %swap3A_174 = tpu.vector_load %arg9[%swap3A_172, %swap3A_173] {strides = array<i32>} : memref<80x128xf32, #tpu.memory_space<vmem>>, vector<16xf32>,
      tpu.vector_store %arg9[%swap3A_172, %swap3A_173], %gather3A_171 {strides = array<i32>} : memref<80x128xf32, #tpu.memory_space<vmem>>, vector<16xf32>,
      %get3A_175 = arith.index_cast %scan3A_87 : i32 to index
      %get3A_176 = arith.constant 112 : index
      %get3A_177 = tpu.vector_load %arg7[%get3A_175, %get3A_176] {strides = array<i32>} : memref<80x128xi32, #tpu.memory_space<vmem>>, vector<16xi32>,
      %shift_right_logical3A_178 = arith.constant 7 : i32
      %shift_right_logical3A_179 = vector.broadcast %shift_right_logical3A_178 : i32 to vector<16xi32>
      %shift_right_logical3A_180 = arith.shrui %get3A_177, %shift_right_logical3A_179 : vector<16xi32>
      %and3A_181 = arith.constant 127 : i32
      %and3A_182 = vector.broadcast %and3A_181 : i32 to vector<16xi32>
      %and3A_183 = arith.andi %get3A_177, %and3A_182 : vector<16xi32>
      %gather3A_184 = tpu.vector_load_idx %arg8[%shift_right_logical3A_180, %and3A_183] : memref<512x128xf32, #tpu.memory_space<vmem>>[vector<16xi32>, vector<16xi32>], vector<16xf32>,
      %swap3A_185 = arith.index_cast %scan3A_87 : i32 to index
      %swap3A_186 = arith.constant 112 : index
      %swap3A_187 = tpu.vector_load %arg9[%swap3A_185, %swap3A_186] {strides = array<i32>} : memref<80x128xf32, #tpu.memory_space<vmem>>, vector<16xf32>,
      tpu.vector_store %arg9[%swap3A_185, %swap3A_186], %gather3A_184 {strides = array<i32>} : memref<80x128xf32, #tpu.memory_space<vmem>>, vector<16xf32>,
      %scan3A_188 = arith.constant 0 : i32
      scf.yield %scan3A_188 : i32
    }
    %scan3A_86 = arith.constant 80 : i32
    "tpu.region"() ({
      %run_scoped3A = tpu.sem_alloc : memref<!tpu.dma_semaphore, #tpu.memory_space<semaphore_mem>>
      %dma_start3A_87 = arith.constant 0 : i32
      %dma_start3A_88 = tpu.memref_slice %arg5[%mul3A_2, %dma_start3A_87] : memref<2560x128xf32, #tpu.memory_space<hbm>> -> memref<80x128xf32, #tpu.memory_space<hbm>>
      %dma_start3A_89 = arith.constant 0 : i32
      %dma_start3A_90 = tpu.memref_slice %arg5[%mul3A_2, %dma_start3A_89] : memref<2560x128xf32, #tpu.memory_space<hbm>> -> memref<80x128xf32, #tpu.memory_space<hbm>>
      tpu.enqueue_dma source(%arg9 : memref<80x128xf32, #tpu.memory_space<vmem>>) target(%dma_start3A_90 : memref<80x128xf32, #tpu.memory_space<hbm>>) target_semaphore(%run_scoped3A : memref<!tpu.dma_semaphore, #tpu.memory_space<semaphore_mem>>)
      %dma_wait3A_91 = arith.constant 0 : i32
      %dma_wait3A_92 = tpu.memref_slice %arg5[%mul3A_2, %dma_wait3A_91] : memref<2560x128xf32, #tpu.memory_space<hbm>> -> memref<80x128xf32, #tpu.memory_space<hbm>>
      %dma_wait3A_93 = arith.constant 0 : i32
      %dma_wait3A_94 = tpu.memref_slice %arg5[%mul3A_2, %dma_wait3A_93] : memref<2560x128xf32, #tpu.memory_space<hbm>> -> memref<80x128xf32, #tpu.memory_space<hbm>>
      tpu.wait_dma2 semaphore(%run_scoped3A : memref<!tpu.dma_semaphore, #tpu.memory_space<semaphore_mem>>) src(%arg9 : memref<80x128xf32, #tpu.memory_space<vmem>>) dst(%dma_wait3A_94 : memref<80x128xf32, #tpu.memory_space<hbm>>)
      tpu.yield
    }) : () -> ()
    return
  }
}

module attributes {stable_mosaic.version = 14 : i64} {
  func.func @_tc_body(%arg0: i32, %arg1: memref<16x2x8196xf32, #tpu.memory_space<vmem>>, %arg2: memref<20x16x8142xf32, #tpu.memory_space<vmem>>, %arg3: memref<64x10xf32, #tpu.memory_space<vmem>>, %arg4: memref<64x1xf32, #tpu.memory_space<vmem>>, %arg5: memref<96x64xf32, #tpu.memory_space<vmem>>, %arg6: memref<32x1xf32, #tpu.memory_space<vmem>>, %arg7: memref<1x32xf32, #tpu.memory_space<vmem>>, %arg8: memref<1x1xf32, #tpu.memory_space<vmem>>, %arg9: memref<16x128xi32, #tpu.memory_space<vmem>>, %arg10: memref<2048x128xf32, #tpu.memory_space<vmem>>) attributes {dimension_semantics = [#tpu.dimension_semantics<arbitrary>], iteration_bounds = array<i64: 8>, scalar_prefetch = 0 : i64, scratch_operands = 0 : i64, tpu.core_type = #tpu.core_type<tc>, window_params = [{transform_indices = @transform_0, window_bounds = array<i64: 16, 2, 8196>}, {transform_indices = @transform_1, window_bounds = array<i64: 20, 16, 8142>}, {pipeline_mode = #tpu.pipeline_mode<synchronous>, transform_indices = @transform_2, window_bounds = array<i64: 64, 10>}, {pipeline_mode = #tpu.pipeline_mode<synchronous>, transform_indices = @transform_3, window_bounds = array<i64: 64, 1>}, {pipeline_mode = #tpu.pipeline_mode<synchronous>, transform_indices = @transform_4, window_bounds = array<i64: 96, 64>}, {pipeline_mode = #tpu.pipeline_mode<synchronous>, transform_indices = @transform_5, window_bounds = array<i64: 32, 1>}, {pipeline_mode = #tpu.pipeline_mode<synchronous>, transform_indices = @transform_6, window_bounds = array<i64: 1, 32>}, {pipeline_mode = #tpu.pipeline_mode<synchronous>, transform_indices = @transform_7, window_bounds = array<i64: 1, 1>}, {transform_indices = @transform_8, window_bounds = array<i64: 16, 128>}, {transform_indices = @transform_9, window_bounds = array<i64: 2048, 128>}]} {
    %get3A = arith.constant 0 : index
    %get3A_0 = arith.constant 0 : index
    %get3A_1 = arith.constant 0 : index
    %get3A_2 = vector.load %arg1[%get3A, %get3A_0, %get3A_1] : memref<16x2x8196xf32, #tpu.memory_space<vmem>>, vector<1x2x8196xf32>
    %get3A_3 = vector.shape_cast %get3A_2 : vector<1x2x8196xf32> to vector<2x8196xf32>
    %slice3A = vector.extract_strided_slice %get3A_3 {offsets = [0, 2], sizes = [2, 8192], strides = [1, 1]} : vector<2x8196xf32> to vector<2x8192xf32>
    %reshape3A = vector.shape_cast %slice3A : vector<2x8192xf32> to vector<128x128xf32>
    %swap3A = arith.constant 0 : index
    %swap3A_4 = arith.constant 0 : index
    %swap3A_5 = vector.load %arg10[%swap3A, %swap3A_4] : memref<2048x128xf32, #tpu.memory_space<vmem>>, vector<128x128xf32>
    tpu.vector_store %arg10[%swap3A, %swap3A_4], %reshape3A {strides = array<i32>} : memref<2048x128xf32, #tpu.memory_space<vmem>>, vector<128x128xf32>,
    %iota3A = tpu.iota {dimensions = array<i32: 1>} : vector<2x8196xi32>
    %ge3A = arith.constant 2 : i32
    %ge3A_6 = vector.broadcast %ge3A : i32 to vector<2x8196xi32>
    %ge3A_7 = arith.cmpi sge, %iota3A, %ge3A_6 : vector<2x8196xi32>
    %lt3A = arith.constant 8194 : i32
    %lt3A_8 = vector.broadcast %lt3A : i32 to vector<2x8196xi32>
    %lt3A_9 = arith.cmpi slt, %iota3A, %lt3A_8 : vector<2x8196xi32>
    %and3A = arith.andi %ge3A_7, %lt3A_9 : vector<2x8196xi1>
    %jit3A = arith.constant 0.000000e+00 : f32
    %broadcast_in_dim3A = vector.broadcast %jit3A : f32 to vector<2x8196xf32>
    %select_n3A = arith.select %and3A, %get3A_3, %broadcast_in_dim3A : vector<2x8196xi1>, vector<2x8196xf32>
    %slice3A_10 = vector.extract_strided_slice %select_n3A {offsets = [0, 0], sizes = [2, 8192], strides = [1, 1]} : vector<2x8196xf32> to vector<2x8192xf32>
    %slice3A_11 = vector.extract_strided_slice %select_n3A {offsets = [0, 1], sizes = [2, 8192], strides = [1, 1]} : vector<2x8196xf32> to vector<2x8192xf32>
    %slice3A_12 = vector.extract_strided_slice %select_n3A {offsets = [0, 2], sizes = [2, 8192], strides = [1, 1]} : vector<2x8196xf32> to vector<2x8192xf32>
    %slice3A_13 = vector.extract_strided_slice %select_n3A {offsets = [0, 3], sizes = [2, 8192], strides = [1, 1]} : vector<2x8196xf32> to vector<2x8192xf32>
    %slice3A_14 = vector.extract_strided_slice %select_n3A {offsets = [0, 4], sizes = [2, 8192], strides = [1, 1]} : vector<2x8196xf32> to vector<2x8192xf32>
    %concatenate3A = tpu.concatenate %slice3A_10, %slice3A_11, %slice3A_12, %slice3A_13, %slice3A_14 in 0 : vector<2x8192xf32>, vector<2x8192xf32>, vector<2x8192xf32>, vector<2x8192xf32>, vector<2x8192xf32> -> vector<10x8192xf32>
    %get3A_15 = arith.constant 0 : index
    %get3A_16 = arith.constant 0 : index
    %get3A_17 = vector.load %arg3[%get3A_15, %get3A_16] : memref<64x10xf32, #tpu.memory_space<vmem>>, vector<64x10xf32>
    %dot_general3A = arith.constant dense<0.000000e+00> : vector<64x8192xf32>
    %dot_general3A_18 = tpu.matmul %get3A_17, %concatenate3A, %dot_general3A {dimension_numbers = #tpu.dot_dimension_numbers<[1], [0], [0], [1], [0, 0, 1, 1], [], []>, transpose_lhs_hint = false} : vector<64x10xf32>, vector<10x8192xf32>, vector<64x8192xf32> -> vector<64x8192xf32>
    %get3A_19 = arith.constant 0 : index
    %get3A_20 = arith.constant 0 : index
    %get3A_21 = vector.load %arg4[%get3A_19, %get3A_20] : memref<64x1xf32, #tpu.memory_space<vmem>>, vector<64x1xf32>
    %add3A = vector.broadcast %get3A_21 : vector<64x1xf32> to vector<64x8192xf32>
    %add3A_22 = arith.addf %dot_general3A_18, %add3A : vector<64x8192xf32>
    %max3A = arith.constant 0.000000e+00 : f32
    %max3A_23 = vector.broadcast %max3A : f32 to vector<64x8192xf32>
    %max3A_24 = arith.maximumf %add3A_22, %max3A_23 : vector<64x8192xf32>
    %get3A_25 = arith.constant 0 : index
    %get3A_26 = arith.constant 0 : index
    %get3A_27 = vector.load %arg5[%get3A_25, %get3A_26] : memref<96x64xf32, #tpu.memory_space<vmem>>, vector<96x64xf32>
    %dot_general3A_28 = arith.constant dense<0.000000e+00> : vector<96x8192xf32>
    %dot_general3A_29 = tpu.matmul %get3A_27, %max3A_24, %dot_general3A_28 {dimension_numbers = #tpu.dot_dimension_numbers<[1], [0], [0], [1], [0, 0, 1, 1], [], []>, transpose_lhs_hint = false} : vector<96x64xf32>, vector<64x8192xf32>, vector<96x8192xf32> -> vector<96x8192xf32>
    %iota3A_30 = tpu.iota {dimensions = array<i32: 1>} : vector<32x8192xi32>
    %slice3A_31 = vector.extract_strided_slice %dot_general3A_29 {offsets = [32, 0], sizes = [32, 8192], strides = [1, 1]} : vector<96x8192xf32> to vector<32x8192xf32>
    %eq3A = arith.constant 0 : i32
    %eq3A_32 = vector.broadcast %eq3A : i32 to vector<32x8192xi32>
    %eq3A_33 = arith.cmpi eq, %iota3A_30, %eq3A_32 : vector<32x8192xi32>
    %slice3A_34 = vector.extract_strided_slice %dot_general3A_29 {offsets = [0, 0], sizes = [32, 8192], strides = [1, 1]} : vector<96x8192xf32> to vector<32x8192xf32>
    %roll3A = arith.constant 1 : i32
    %roll3A_35 = tpu.dynamic_rotate %slice3A_34 by %roll3A dim 1 : vector<32x8192xf32>, i32 -> vector<32x8192xf32>
    %jit3A_36 = arith.constant 0.000000e+00 : f32
    %broadcast_in_dim3A_37 = vector.broadcast %jit3A_36 : f32 to vector<32x8192xf32>
    %select_n3A_38 = arith.select %eq3A_33, %broadcast_in_dim3A_37, %roll3A_35 : vector<32x8192xi1>, vector<32x8192xf32>
    %add3A_39 = arith.addf %slice3A_31, %select_n3A_38 : vector<32x8192xf32>
    %eq3A_40 = arith.constant 8191 : i32
    %eq3A_41 = vector.broadcast %eq3A_40 : i32 to vector<32x8192xi32>
    %eq3A_42 = arith.cmpi eq, %iota3A_30, %eq3A_41 : vector<32x8192xi32>
    %slice3A_43 = vector.extract_strided_slice %dot_general3A_29 {offsets = [64, 0], sizes = [32, 8192], strides = [1, 1]} : vector<96x8192xf32> to vector<32x8192xf32>
    %roll3A_44 = arith.constant 8191 : i32
    %roll3A_45 = tpu.dynamic_rotate %slice3A_43 by %roll3A_44 dim 1 : vector<32x8192xf32>, i32 -> vector<32x8192xf32>
    %jit3A_46 = arith.constant 0.000000e+00 : f32
    %broadcast_in_dim3A_47 = vector.broadcast %jit3A_46 : f32 to vector<32x8192xf32>
    %select_n3A_48 = arith.select %eq3A_42, %broadcast_in_dim3A_47, %roll3A_45 : vector<32x8192xi1>, vector<32x8192xf32>
    %add3A_49 = arith.addf %add3A_39, %select_n3A_48 : vector<32x8192xf32>
    %get3A_50 = arith.constant 0 : index
    %get3A_51 = arith.constant 0 : index
    %get3A_52 = vector.load %arg6[%get3A_50, %get3A_51] : memref<32x1xf32, #tpu.memory_space<vmem>>, vector<32x1xf32>
    %add3A_53 = vector.broadcast %get3A_52 : vector<32x1xf32> to vector<32x8192xf32>
    %add3A_54 = arith.addf %add3A_49, %add3A_53 : vector<32x8192xf32>
    %max3A_55 = arith.constant 0.000000e+00 : f32
    %max3A_56 = vector.broadcast %max3A_55 : f32 to vector<32x8192xf32>
    %max3A_57 = arith.maximumf %add3A_54, %max3A_56 : vector<32x8192xf32>
    %get3A_58 = arith.constant 0 : index
    %get3A_59 = arith.constant 0 : index
    %get3A_60 = vector.load %arg7[%get3A_58, %get3A_59] : memref<1x32xf32, #tpu.memory_space<vmem>>, vector<1x32xf32>
    %dot_general3A_61 = arith.constant dense<0.000000e+00> : vector<1x8192xf32>
    %dot_general3A_62 = tpu.matmul %get3A_60, %max3A_57, %dot_general3A_61 {dimension_numbers = #tpu.dot_dimension_numbers<[1], [0], [0], [1], [0, 0, 1, 1], [], []>, transpose_lhs_hint = false} : vector<1x32xf32>, vector<32x8192xf32>, vector<1x8192xf32> -> vector<1x8192xf32>
    %get3A_63 = arith.constant 0 : index
    %get3A_64 = arith.constant 0 : index
    %get3A_65 = vector.load %arg8[%get3A_63, %get3A_64] : memref<1x1xf32, #tpu.memory_space<vmem>>, vector<1x1xf32>
    %add3A_66 = vector.broadcast %get3A_65 : vector<1x1xf32> to vector<1x8192xf32>
    %add3A_67 = arith.addf %dot_general3A_62, %add3A_66 : vector<1x8192xf32>
    %logistic3A = arith.negf %add3A_67 : vector<1x8192xf32>
    %logistic3A_68 = math.exp %logistic3A : vector<1x8192xf32>
    %logistic3A_69 = arith.constant 1.000000e+00 : f32
    %logistic3A_70 = vector.broadcast %logistic3A_69 : f32 to vector<1x8192xf32>
    %logistic3A_71 = arith.addf %logistic3A_70, %logistic3A_68 : vector<1x8192xf32>
    %logistic3A_72 = arith.divf %logistic3A_70, %logistic3A_71 : vector<1x8192xf32>
    %slice3A_73 = vector.extract_strided_slice %get3A_3 {offsets = [0, 3], sizes = [2, 8192], strides = [1, 1]} : vector<2x8196xf32> to vector<2x8192xf32>
    %slice3A_74 = vector.extract_strided_slice %get3A_3 {offsets = [0, 2], sizes = [2, 8192], strides = [1, 1]} : vector<2x8196xf32> to vector<2x8192xf32>
    %sub3A = arith.subf %slice3A_73, %slice3A_74 : vector<2x8192xf32>
    %slice3A_75 = vector.extract_strided_slice %get3A_3 {offsets = [0, 2], sizes = [2, 8192], strides = [1, 1]} : vector<2x8196xf32> to vector<2x8192xf32>
    %slice3A_76 = vector.extract_strided_slice %get3A_3 {offsets = [0, 1], sizes = [2, 8192], strides = [1, 1]} : vector<2x8196xf32> to vector<2x8192xf32>
    %sub3A_77 = arith.subf %slice3A_75, %slice3A_76 : vector<2x8192xf32>
    %slice3A_78 = vector.extract_strided_slice %sub3A {offsets = [0, 0], sizes = [1, 8192], strides = [1, 1]} : vector<2x8192xf32> to vector<1x8192xf32>
    %slice3A_79 = vector.extract_strided_slice %sub3A_77 {offsets = [1, 0], sizes = [1, 8192], strides = [1, 1]} : vector<2x8192xf32> to vector<1x8192xf32>
    %mul3A = arith.mulf %slice3A_78, %slice3A_79 : vector<1x8192xf32>
    %slice3A_80 = vector.extract_strided_slice %sub3A {offsets = [1, 0], sizes = [1, 8192], strides = [1, 1]} : vector<2x8192xf32> to vector<1x8192xf32>
    %slice3A_81 = vector.extract_strided_slice %sub3A_77 {offsets = [0, 0], sizes = [1, 8192], strides = [1, 1]} : vector<2x8192xf32> to vector<1x8192xf32>
    %mul3A_82 = arith.mulf %slice3A_80, %slice3A_81 : vector<1x8192xf32>
    %sub3A_83 = arith.subf %mul3A, %mul3A_82 : vector<1x8192xf32>
    %abs3A = math.absf %sub3A_83 : vector<1x8192xf32>
    %mul3A_84 = arith.constant 3.000000e-01 : f32
    %mul3A_85 = vector.broadcast %mul3A_84 : f32 to vector<1x8192xf32>
    %mul3A_86 = arith.mulf %mul3A_85, %abs3A : vector<1x8192xf32>
    %add3A_87 = arith.addf %logistic3A_72, %mul3A_86 : vector<1x8192xf32>
    %get3A_88 = arith.constant 1 : index
    %get3A_89 = arith.constant 0 : index
    %get3A_90 = arith.constant 0 : index
    %get3A_91 = vector.load %arg1[%get3A_88, %get3A_89, %get3A_90] : memref<16x2x8196xf32, #tpu.memory_space<vmem>>, vector<1x2x8196xf32>
    %get3A_92 = vector.shape_cast %get3A_91 : vector<1x2x8196xf32> to vector<2x8196xf32>
    %slice3A_93 = vector.extract_strided_slice %get3A_92 {offsets = [0, 2], sizes = [2, 8192], strides = [1, 1]} : vector<2x8196xf32> to vector<2x8192xf32>
    %reshape3A_94 = vector.shape_cast %slice3A_93 : vector<2x8192xf32> to vector<128x128xf32>
    %swap3A_95 = arith.constant 128 : index
    %swap3A_96 = arith.constant 0 : index
    %swap3A_97 = vector.load %arg10[%swap3A_95, %swap3A_96] : memref<2048x128xf32, #tpu.memory_space<vmem>>, vector<128x128xf32>
    tpu.vector_store %arg10[%swap3A_95, %swap3A_96], %reshape3A_94 {strides = array<i32>} : memref<2048x128xf32, #tpu.memory_space<vmem>>, vector<128x128xf32>,
    %iota3A_98 = tpu.iota {dimensions = array<i32: 1>} : vector<2x8196xi32>
    %ge3A_99 = arith.constant 2 : i32
    %ge3A_100 = vector.broadcast %ge3A_99 : i32 to vector<2x8196xi32>
    %ge3A_101 = arith.cmpi sge, %iota3A_98, %ge3A_100 : vector<2x8196xi32>
    %lt3A_102 = arith.constant 8194 : i32
    %lt3A_103 = vector.broadcast %lt3A_102 : i32 to vector<2x8196xi32>
    %lt3A_104 = arith.cmpi slt, %iota3A_98, %lt3A_103 : vector<2x8196xi32>
    %and3A_105 = arith.andi %ge3A_101, %lt3A_104 : vector<2x8196xi1>
    %jit3A_106 = arith.constant 0.000000e+00 : f32
    %broadcast_in_dim3A_107 = vector.broadcast %jit3A_106 : f32 to vector<2x8196xf32>
    %select_n3A_108 = arith.select %and3A_105, %get3A_92, %broadcast_in_dim3A_107 : vector<2x8196xi1>, vector<2x8196xf32>
    %slice3A_109 = vector.extract_strided_slice %select_n3A_108 {offsets = [0, 0], sizes = [2, 8192], strides = [1, 1]} : vector<2x8196xf32> to vector<2x8192xf32>
    %slice3A_110 = vector.extract_strided_slice %select_n3A_108 {offsets = [0, 1], sizes = [2, 8192], strides = [1, 1]} : vector<2x8196xf32> to vector<2x8192xf32>
    %slice3A_111 = vector.extract_strided_slice %select_n3A_108 {offsets = [0, 2], sizes = [2, 8192], strides = [1, 1]} : vector<2x8196xf32> to vector<2x8192xf32>
    %slice3A_112 = vector.extract_strided_slice %select_n3A_108 {offsets = [0, 3], sizes = [2, 8192], strides = [1, 1]} : vector<2x8196xf32> to vector<2x8192xf32>
    %slice3A_113 = vector.extract_strided_slice %select_n3A_108 {offsets = [0, 4], sizes = [2, 8192], strides = [1, 1]} : vector<2x8196xf32> to vector<2x8192xf32>
    %concatenate3A_114 = tpu.concatenate %slice3A_109, %slice3A_110, %slice3A_111, %slice3A_112, %slice3A_113 in 0 : vector<2x8192xf32>, vector<2x8192xf32>, vector<2x8192xf32>, vector<2x8192xf32>, vector<2x8192xf32> -> vector<10x8192xf32>
    %get3A_115 = arith.constant 0 : index
    %get3A_116 = arith.constant 0 : index
    %get3A_117 = vector.load %arg3[%get3A_115, %get3A_116] : memref<64x10xf32, #tpu.memory_space<vmem>>, vector<64x10xf32>
    %dot_general3A_118 = arith.constant dense<0.000000e+00> : vector<64x8192xf32>
    %dot_general3A_119 = tpu.matmul %get3A_117, %concatenate3A_114, %dot_general3A_118 {dimension_numbers = #tpu.dot_dimension_numbers<[1], [0], [0], [1], [0, 0, 1, 1], [], []>, transpose_lhs_hint = false} : vector<64x10xf32>, vector<10x8192xf32>, vector<64x8192xf32> -> vector<64x8192xf32>
    %get3A_120 = arith.constant 0 : index
    %get3A_121 = arith.constant 0 : index
    %get3A_122 = vector.load %arg4[%get3A_120, %get3A_121] : memref<64x1xf32, #tpu.memory_space<vmem>>, vector<64x1xf32>
    %add3A_123 = vector.broadcast %get3A_122 : vector<64x1xf32> to vector<64x8192xf32>
    %add3A_124 = arith.addf %dot_general3A_119, %add3A_123 : vector<64x8192xf32>
    %max3A_125 = arith.constant 0.000000e+00 : f32
    %max3A_126 = vector.broadcast %max3A_125 : f32 to vector<64x8192xf32>
    %max3A_127 = arith.maximumf %add3A_124, %max3A_126 : vector<64x8192xf32>
    %get3A_128 = arith.constant 0 : index
    %get3A_129 = arith.constant 0 : index
    %get3A_130 = vector.load %arg5[%get3A_128, %get3A_129] : memref<96x64xf32, #tpu.memory_space<vmem>>, vector<96x64xf32>
    %dot_general3A_131 = arith.constant dense<0.000000e+00> : vector<96x8192xf32>
    %dot_general3A_132 = tpu.matmul %get3A_130, %max3A_127, %dot_general3A_131 {dimension_numbers = #tpu.dot_dimension_numbers<[1], [0], [0], [1], [0, 0, 1, 1], [], []>, transpose_lhs_hint = false} : vector<96x64xf32>, vector<64x8192xf32>, vector<96x8192xf32> -> vector<96x8192xf32>
    %iota3A_133 = tpu.iota {dimensions = array<i32: 1>} : vector<32x8192xi32>
    %slice3A_134 = vector.extract_strided_slice %dot_general3A_132 {offsets = [32, 0], sizes = [32, 8192], strides = [1, 1]} : vector<96x8192xf32> to vector<32x8192xf32>
    %eq3A_135 = arith.constant 0 : i32
    %eq3A_136 = vector.broadcast %eq3A_135 : i32 to vector<32x8192xi32>
    %eq3A_137 = arith.cmpi eq, %iota3A_133, %eq3A_136 : vector<32x8192xi32>
    %slice3A_138 = vector.extract_strided_slice %dot_general3A_132 {offsets = [0, 0], sizes = [32, 8192], strides = [1, 1]} : vector<96x8192xf32> to vector<32x8192xf32>
    %roll3A_139 = arith.constant 1 : i32
    %roll3A_140 = tpu.dynamic_rotate %slice3A_138 by %roll3A_139 dim 1 : vector<32x8192xf32>, i32 -> vector<32x8192xf32>
    %jit3A_141 = arith.constant 0.000000e+00 : f32
    %broadcast_in_dim3A_142 = vector.broadcast %jit3A_141 : f32 to vector<32x8192xf32>
    %select_n3A_143 = arith.select %eq3A_137, %broadcast_in_dim3A_142, %roll3A_140 : vector<32x8192xi1>, vector<32x8192xf32>
    %add3A_144 = arith.addf %slice3A_134, %select_n3A_143 : vector<32x8192xf32>
    %eq3A_145 = arith.constant 8191 : i32
    %eq3A_146 = vector.broadcast %eq3A_145 : i32 to vector<32x8192xi32>
    %eq3A_147 = arith.cmpi eq, %iota3A_133, %eq3A_146 : vector<32x8192xi32>
    %slice3A_148 = vector.extract_strided_slice %dot_general3A_132 {offsets = [64, 0], sizes = [32, 8192], strides = [1, 1]} : vector<96x8192xf32> to vector<32x8192xf32>
    %roll3A_149 = arith.constant 8191 : i32
    %roll3A_150 = tpu.dynamic_rotate %slice3A_148 by %roll3A_149 dim 1 : vector<32x8192xf32>, i32 -> vector<32x8192xf32>
    %jit3A_151 = arith.constant 0.000000e+00 : f32
    %broadcast_in_dim3A_152 = vector.broadcast %jit3A_151 : f32 to vector<32x8192xf32>
    %select_n3A_153 = arith.select %eq3A_147, %broadcast_in_dim3A_152, %roll3A_150 : vector<32x8192xi1>, vector<32x8192xf32>
    %add3A_154 = arith.addf %add3A_144, %select_n3A_153 : vector<32x8192xf32>
    %get3A_155 = arith.constant 0 : index
    %get3A_156 = arith.constant 0 : index
    %get3A_157 = vector.load %arg6[%get3A_155, %get3A_156] : memref<32x1xf32, #tpu.memory_space<vmem>>, vector<32x1xf32>
    %add3A_158 = vector.broadcast %get3A_157 : vector<32x1xf32> to vector<32x8192xf32>
    %add3A_159 = arith.addf %add3A_154, %add3A_158 : vector<32x8192xf32>
    %max3A_160 = arith.constant 0.000000e+00 : f32
    %max3A_161 = vector.broadcast %max3A_160 : f32 to vector<32x8192xf32>
    %max3A_162 = arith.maximumf %add3A_159, %max3A_161 : vector<32x8192xf32>
    %get3A_163 = arith.constant 0 : index
    %get3A_164 = arith.constant 0 : index
    %get3A_165 = vector.load %arg7[%get3A_163, %get3A_164] : memref<1x32xf32, #tpu.memory_space<vmem>>, vector<1x32xf32>
    %dot_general3A_166 = arith.constant dense<0.000000e+00> : vector<1x8192xf32>
    %dot_general3A_167 = tpu.matmul %get3A_165, %max3A_162, %dot_general3A_166 {dimension_numbers = #tpu.dot_dimension_numbers<[1], [0], [0], [1], [0, 0, 1, 1], [], []>, transpose_lhs_hint = false} : vector<1x32xf32>, vector<32x8192xf32>, vector<1x8192xf32> -> vector<1x8192xf32>
    %get3A_168 = arith.constant 0 : index
    %get3A_169 = arith.constant 0 : index
    %get3A_170 = vector.load %arg8[%get3A_168, %get3A_169] : memref<1x1xf32, #tpu.memory_space<vmem>>, vector<1x1xf32>
    %add3A_171 = vector.broadcast %get3A_170 : vector<1x1xf32> to vector<1x8192xf32>
    %add3A_172 = arith.addf %dot_general3A_167, %add3A_171 : vector<1x8192xf32>
    %logistic3A_173 = arith.negf %add3A_172 : vector<1x8192xf32>
    %logistic3A_174 = math.exp %logistic3A_173 : vector<1x8192xf32>
    %logistic3A_175 = arith.constant 1.000000e+00 : f32
    %logistic3A_176 = vector.broadcast %logistic3A_175 : f32 to vector<1x8192xf32>
    %logistic3A_177 = arith.addf %logistic3A_176, %logistic3A_174 : vector<1x8192xf32>
    %logistic3A_178 = arith.divf %logistic3A_176, %logistic3A_177 : vector<1x8192xf32>
    %slice3A_179 = vector.extract_strided_slice %get3A_92 {offsets = [0, 3], sizes = [2, 8192], strides = [1, 1]} : vector<2x8196xf32> to vector<2x8192xf32>
    %slice3A_180 = vector.extract_strided_slice %get3A_92 {offsets = [0, 2], sizes = [2, 8192], strides = [1, 1]} : vector<2x8196xf32> to vector<2x8192xf32>
    %sub3A_181 = arith.subf %slice3A_179, %slice3A_180 : vector<2x8192xf32>
    %slice3A_182 = vector.extract_strided_slice %get3A_92 {offsets = [0, 2], sizes = [2, 8192], strides = [1, 1]} : vector<2x8196xf32> to vector<2x8192xf32>
    %slice3A_183 = vector.extract_strided_slice %get3A_92 {offsets = [0, 1], sizes = [2, 8192], strides = [1, 1]} : vector<2x8196xf32> to vector<2x8192xf32>
    %sub3A_184 = arith.subf %slice3A_182, %slice3A_183 : vector<2x8192xf32>
    %slice3A_185 = vector.extract_strided_slice %sub3A_181 {offsets = [0, 0], sizes = [1, 8192], strides = [1, 1]} : vector<2x8192xf32> to vector<1x8192xf32>
    %slice3A_186 = vector.extract_strided_slice %sub3A_184 {offsets = [1, 0], sizes = [1, 8192], strides = [1, 1]} : vector<2x8192xf32> to vector<1x8192xf32>
    %mul3A_187 = arith.mulf %slice3A_185, %slice3A_186 : vector<1x8192xf32>
    %slice3A_188 = vector.extract_strided_slice %sub3A_181 {offsets = [1, 0], sizes = [1, 8192], strides = [1, 1]} : vector<2x8192xf32> to vector<1x8192xf32>
    %slice3A_189 = vector.extract_strided_slice %sub3A_184 {offsets = [0, 0], sizes = [1, 8192], strides = [1, 1]} : vector<2x8192xf32> to vector<1x8192xf32>
    %mul3A_190 = arith.mulf %slice3A_188, %slice3A_189 : vector<1x8192xf32>
    %sub3A_191 = arith.subf %mul3A_187, %mul3A_190 : vector<1x8192xf32>
    %abs3A_192 = math.absf %sub3A_191 : vector<1x8192xf32>
    %mul3A_193 = arith.constant 3.000000e-01 : f32
    %mul3A_194 = vector.broadcast %mul3A_193 : f32 to vector<1x8192xf32>
    %mul3A_195 = arith.mulf %mul3A_194, %abs3A_192 : vector<1x8192xf32>
    %add3A_196 = arith.addf %logistic3A_178, %mul3A_195 : vector<1x8192xf32>
    %get3A_197 = arith.constant 2 : index
    %get3A_198 = arith.constant 0 : index
    %get3A_199 = arith.constant 0 : index
    %get3A_200 = vector.load %arg1[%get3A_197, %get3A_198, %get3A_199] : memref<16x2x8196xf32, #tpu.memory_space<vmem>>, vector<1x2x8196xf32>
    %get3A_201 = vector.shape_cast %get3A_200 : vector<1x2x8196xf32> to vector<2x8196xf32>
    %slice3A_202 = vector.extract_strided_slice %get3A_201 {offsets = [0, 2], sizes = [2, 8192], strides = [1, 1]} : vector<2x8196xf32> to vector<2x8192xf32>
    %reshape3A_203 = vector.shape_cast %slice3A_202 : vector<2x8192xf32> to vector<128x128xf32>
    %swap3A_204 = arith.constant 256 : index
    %swap3A_205 = arith.constant 0 : index
    %swap3A_206 = vector.load %arg10[%swap3A_204, %swap3A_205] : memref<2048x128xf32, #tpu.memory_space<vmem>>, vector<128x128xf32>
    tpu.vector_store %arg10[%swap3A_204, %swap3A_205], %reshape3A_203 {strides = array<i32>} : memref<2048x128xf32, #tpu.memory_space<vmem>>, vector<128x128xf32>,
    %iota3A_207 = tpu.iota {dimensions = array<i32: 1>} : vector<2x8196xi32>
    %ge3A_208 = arith.constant 2 : i32
    %ge3A_209 = vector.broadcast %ge3A_208 : i32 to vector<2x8196xi32>
    %ge3A_210 = arith.cmpi sge, %iota3A_207, %ge3A_209 : vector<2x8196xi32>
    %lt3A_211 = arith.constant 8194 : i32
    %lt3A_212 = vector.broadcast %lt3A_211 : i32 to vector<2x8196xi32>
    %lt3A_213 = arith.cmpi slt, %iota3A_207, %lt3A_212 : vector<2x8196xi32>
    %and3A_214 = arith.andi %ge3A_210, %lt3A_213 : vector<2x8196xi1>
    %jit3A_215 = arith.constant 0.000000e+00 : f32
    %broadcast_in_dim3A_216 = vector.broadcast %jit3A_215 : f32 to vector<2x8196xf32>
    %select_n3A_217 = arith.select %and3A_214, %get3A_201, %broadcast_in_dim3A_216 : vector<2x8196xi1>, vector<2x8196xf32>
    %slice3A_218 = vector.extract_strided_slice %select_n3A_217 {offsets = [0, 0], sizes = [2, 8192], strides = [1, 1]} : vector<2x8196xf32> to vector<2x8192xf32>
    %slice3A_219 = vector.extract_strided_slice %select_n3A_217 {offsets = [0, 1], sizes = [2, 8192], strides = [1, 1]} : vector<2x8196xf32> to vector<2x8192xf32>
    %slice3A_220 = vector.extract_strided_slice %select_n3A_217 {offsets = [0, 2], sizes = [2, 8192], strides = [1, 1]} : vector<2x8196xf32> to vector<2x8192xf32>
    %slice3A_221 = vector.extract_strided_slice %select_n3A_217 {offsets = [0, 3], sizes = [2, 8192], strides = [1, 1]} : vector<2x8196xf32> to vector<2x8192xf32>
    %slice3A_222 = vector.extract_strided_slice %select_n3A_217 {offsets = [0, 4], sizes = [2, 8192], strides = [1, 1]} : vector<2x8196xf32> to vector<2x8192xf32>
    %concatenate3A_223 = tpu.concatenate %slice3A_218, %slice3A_219, %slice3A_220, %slice3A_221, %slice3A_222 in 0 : vector<2x8192xf32>, vector<2x8192xf32>, vector<2x8192xf32>, vector<2x8192xf32>, vector<2x8192xf32> -> vector<10x8192xf32>
    %get3A_224 = arith.constant 0 : index
    %get3A_225 = arith.constant 0 : index
    %get3A_226 = vector.load %arg3[%get3A_224, %get3A_225] : memref<64x10xf32, #tpu.memory_space<vmem>>, vector<64x10xf32>
    %dot_general3A_227 = arith.constant dense<0.000000e+00> : vector<64x8192xf32>
    %dot_general3A_228 = tpu.matmul %get3A_226, %concatenate3A_223, %dot_general3A_227 {dimension_numbers = #tpu.dot_dimension_numbers<[1], [0], [0], [1], [0, 0, 1, 1], [], []>, transpose_lhs_hint = false} : vector<64x10xf32>, vector<10x8192xf32>, vector<64x8192xf32> -> vector<64x8192xf32>
    %get3A_229 = arith.constant 0 : index
    %get3A_230 = arith.constant 0 : index
    %get3A_231 = vector.load %arg4[%get3A_229, %get3A_230] : memref<64x1xf32, #tpu.memory_space<vmem>>, vector<64x1xf32>
    %add3A_232 = vector.broadcast %get3A_231 : vector<64x1xf32> to vector<64x8192xf32>
    %add3A_233 = arith.addf %dot_general3A_228, %add3A_232 : vector<64x8192xf32>
    %max3A_234 = arith.constant 0.000000e+00 : f32
    %max3A_235 = vector.broadcast %max3A_234 : f32 to vector<64x8192xf32>
    %max3A_236 = arith.maximumf %add3A_233, %max3A_235 : vector<64x8192xf32>
    %get3A_237 = arith.constant 0 : index
    %get3A_238 = arith.constant 0 : index
    %get3A_239 = vector.load %arg5[%get3A_237, %get3A_238] : memref<96x64xf32, #tpu.memory_space<vmem>>, vector<96x64xf32>
    %dot_general3A_240 = arith.constant dense<0.000000e+00> : vector<96x8192xf32>
    %dot_general3A_241 = tpu.matmul %get3A_239, %max3A_236, %dot_general3A_240 {dimension_numbers = #tpu.dot_dimension_numbers<[1], [0], [0], [1], [0, 0, 1, 1], [], []>, transpose_lhs_hint = false} : vector<96x64xf32>, vector<64x8192xf32>, vector<96x8192xf32> -> vector<96x8192xf32>
    %iota3A_242 = tpu.iota {dimensions = array<i32: 1>} : vector<32x8192xi32>
    %slice3A_243 = vector.extract_strided_slice %dot_general3A_241 {offsets = [32, 0], sizes = [32, 8192], strides = [1, 1]} : vector<96x8192xf32> to vector<32x8192xf32>
    %eq3A_244 = arith.constant 0 : i32
    %eq3A_245 = vector.broadcast %eq3A_244 : i32 to vector<32x8192xi32>
    %eq3A_246 = arith.cmpi eq, %iota3A_242, %eq3A_245 : vector<32x8192xi32>
    %slice3A_247 = vector.extract_strided_slice %dot_general3A_241 {offsets = [0, 0], sizes = [32, 8192], strides = [1, 1]} : vector<96x8192xf32> to vector<32x8192xf32>
    %roll3A_248 = arith.constant 1 : i32
    %roll3A_249 = tpu.dynamic_rotate %slice3A_247 by %roll3A_248 dim 1 : vector<32x8192xf32>, i32 -> vector<32x8192xf32>
    %jit3A_250 = arith.constant 0.000000e+00 : f32
    %broadcast_in_dim3A_251 = vector.broadcast %jit3A_250 : f32 to vector<32x8192xf32>
    %select_n3A_252 = arith.select %eq3A_246, %broadcast_in_dim3A_251, %roll3A_249 : vector<32x8192xi1>, vector<32x8192xf32>
    %add3A_253 = arith.addf %slice3A_243, %select_n3A_252 : vector<32x8192xf32>
    %eq3A_254 = arith.constant 8191 : i32
    %eq3A_255 = vector.broadcast %eq3A_254 : i32 to vector<32x8192xi32>
    %eq3A_256 = arith.cmpi eq, %iota3A_242, %eq3A_255 : vector<32x8192xi32>
    %slice3A_257 = vector.extract_strided_slice %dot_general3A_241 {offsets = [64, 0], sizes = [32, 8192], strides = [1, 1]} : vector<96x8192xf32> to vector<32x8192xf32>
    %roll3A_258 = arith.constant 8191 : i32
    %roll3A_259 = tpu.dynamic_rotate %slice3A_257 by %roll3A_258 dim 1 : vector<32x8192xf32>, i32 -> vector<32x8192xf32>
    %jit3A_260 = arith.constant 0.000000e+00 : f32
    %broadcast_in_dim3A_261 = vector.broadcast %jit3A_260 : f32 to vector<32x8192xf32>
    %select_n3A_262 = arith.select %eq3A_256, %broadcast_in_dim3A_261, %roll3A_259 : vector<32x8192xi1>, vector<32x8192xf32>
    %add3A_263 = arith.addf %add3A_253, %select_n3A_262 : vector<32x8192xf32>
    %get3A_264 = arith.constant 0 : index
    %get3A_265 = arith.constant 0 : index
    %get3A_266 = vector.load %arg6[%get3A_264, %get3A_265] : memref<32x1xf32, #tpu.memory_space<vmem>>, vector<32x1xf32>
    %add3A_267 = vector.broadcast %get3A_266 : vector<32x1xf32> to vector<32x8192xf32>
    %add3A_268 = arith.addf %add3A_263, %add3A_267 : vector<32x8192xf32>
    %max3A_269 = arith.constant 0.000000e+00 : f32
    %max3A_270 = vector.broadcast %max3A_269 : f32 to vector<32x8192xf32>
    %max3A_271 = arith.maximumf %add3A_268, %max3A_270 : vector<32x8192xf32>
    %get3A_272 = arith.constant 0 : index
    %get3A_273 = arith.constant 0 : index
    %get3A_274 = vector.load %arg7[%get3A_272, %get3A_273] : memref<1x32xf32, #tpu.memory_space<vmem>>, vector<1x32xf32>
    %dot_general3A_275 = arith.constant dense<0.000000e+00> : vector<1x8192xf32>
    %dot_general3A_276 = tpu.matmul %get3A_274, %max3A_271, %dot_general3A_275 {dimension_numbers = #tpu.dot_dimension_numbers<[1], [0], [0], [1], [0, 0, 1, 1], [], []>, transpose_lhs_hint = false} : vector<1x32xf32>, vector<32x8192xf32>, vector<1x8192xf32> -> vector<1x8192xf32>
    %get3A_277 = arith.constant 0 : index
    %get3A_278 = arith.constant 0 : index
    %get3A_279 = vector.load %arg8[%get3A_277, %get3A_278] : memref<1x1xf32, #tpu.memory_space<vmem>>, vector<1x1xf32>
    %add3A_280 = vector.broadcast %get3A_279 : vector<1x1xf32> to vector<1x8192xf32>
    %add3A_281 = arith.addf %dot_general3A_276, %add3A_280 : vector<1x8192xf32>
    %logistic3A_282 = arith.negf %add3A_281 : vector<1x8192xf32>
    %logistic3A_283 = math.exp %logistic3A_282 : vector<1x8192xf32>
    %logistic3A_284 = arith.constant 1.000000e+00 : f32
    %logistic3A_285 = vector.broadcast %logistic3A_284 : f32 to vector<1x8192xf32>
    %logistic3A_286 = arith.addf %logistic3A_285, %logistic3A_283 : vector<1x8192xf32>
    %logistic3A_287 = arith.divf %logistic3A_285, %logistic3A_286 : vector<1x8192xf32>
    %slice3A_288 = vector.extract_strided_slice %get3A_201 {offsets = [0, 3], sizes = [2, 8192], strides = [1, 1]} : vector<2x8196xf32> to vector<2x8192xf32>
    %slice3A_289 = vector.extract_strided_slice %get3A_201 {offsets = [0, 2], sizes = [2, 8192], strides = [1, 1]} : vector<2x8196xf32> to vector<2x8192xf32>
    %sub3A_290 = arith.subf %slice3A_288, %slice3A_289 : vector<2x8192xf32>
    %slice3A_291 = vector.extract_strided_slice %get3A_201 {offsets = [0, 2], sizes = [2, 8192], strides = [1, 1]} : vector<2x8196xf32> to vector<2x8192xf32>
    %slice3A_292 = vector.extract_strided_slice %get3A_201 {offsets = [0, 1], sizes = [2, 8192], strides = [1, 1]} : vector<2x8196xf32> to vector<2x8192xf32>
    %sub3A_293 = arith.subf %slice3A_291, %slice3A_292 : vector<2x8192xf32>
    %slice3A_294 = vector.extract_strided_slice %sub3A_290 {offsets = [0, 0], sizes = [1, 8192], strides = [1, 1]} : vector<2x8192xf32> to vector<1x8192xf32>
    %slice3A_295 = vector.extract_strided_slice %sub3A_293 {offsets = [1, 0], sizes = [1, 8192], strides = [1, 1]} : vector<2x8192xf32> to vector<1x8192xf32>
    %mul3A_296 = arith.mulf %slice3A_294, %slice3A_295 : vector<1x8192xf32>
    %slice3A_297 = vector.extract_strided_slice %sub3A_290 {offsets = [1, 0], sizes = [1, 8192], strides = [1, 1]} : vector<2x8192xf32> to vector<1x8192xf32>
    %slice3A_298 = vector.extract_strided_slice %sub3A_293 {offsets = [0, 0], sizes = [1, 8192], strides = [1, 1]} : vector<2x8192xf32> to vector<1x8192xf32>
    %mul3A_299 = arith.mulf %slice3A_297, %slice3A_298 : vector<1x8192xf32>
    %sub3A_300 = arith.subf %mul3A_296, %mul3A_299 : vector<1x8192xf32>
    %abs3A_301 = math.absf %sub3A_300 : vector<1x8192xf32>
    %mul3A_302 = arith.constant 3.000000e-01 : f32
    %mul3A_303 = vector.broadcast %mul3A_302 : f32 to vector<1x8192xf32>
    %mul3A_304 = arith.mulf %mul3A_303, %abs3A_301 : vector<1x8192xf32>
    %add3A_305 = arith.addf %logistic3A_287, %mul3A_304 : vector<1x8192xf32>
    %get3A_306 = arith.constant 3 : index
    %get3A_307 = arith.constant 0 : index
    %get3A_308 = arith.constant 0 : index
    %get3A_309 = vector.load %arg1[%get3A_306, %get3A_307, %get3A_308] : memref<16x2x8196xf32, #tpu.memory_space<vmem>>, vector<1x2x8196xf32>
    %get3A_310 = vector.shape_cast %get3A_309 : vector<1x2x8196xf32> to vector<2x8196xf32>
    %slice3A_311 = vector.extract_strided_slice %get3A_310 {offsets = [0, 2], sizes = [2, 8192], strides = [1, 1]} : vector<2x8196xf32> to vector<2x8192xf32>
    %reshape3A_312 = vector.shape_cast %slice3A_311 : vector<2x8192xf32> to vector<128x128xf32>
    %swap3A_313 = arith.constant 384 : index
    %swap3A_314 = arith.constant 0 : index
    %swap3A_315 = vector.load %arg10[%swap3A_313, %swap3A_314] : memref<2048x128xf32, #tpu.memory_space<vmem>>, vector<128x128xf32>
    tpu.vector_store %arg10[%swap3A_313, %swap3A_314], %reshape3A_312 {strides = array<i32>} : memref<2048x128xf32, #tpu.memory_space<vmem>>, vector<128x128xf32>,
    %iota3A_316 = tpu.iota {dimensions = array<i32: 1>} : vector<2x8196xi32>
    %ge3A_317 = arith.constant 2 : i32
    %ge3A_318 = vector.broadcast %ge3A_317 : i32 to vector<2x8196xi32>
    %ge3A_319 = arith.cmpi sge, %iota3A_316, %ge3A_318 : vector<2x8196xi32>
    %lt3A_320 = arith.constant 8194 : i32
    %lt3A_321 = vector.broadcast %lt3A_320 : i32 to vector<2x8196xi32>
    %lt3A_322 = arith.cmpi slt, %iota3A_316, %lt3A_321 : vector<2x8196xi32>
    %and3A_323 = arith.andi %ge3A_319, %lt3A_322 : vector<2x8196xi1>
    %jit3A_324 = arith.constant 0.000000e+00 : f32
    %broadcast_in_dim3A_325 = vector.broadcast %jit3A_324 : f32 to vector<2x8196xf32>
    %select_n3A_326 = arith.select %and3A_323, %get3A_310, %broadcast_in_dim3A_325 : vector<2x8196xi1>, vector<2x8196xf32>
    %slice3A_327 = vector.extract_strided_slice %select_n3A_326 {offsets = [0, 0], sizes = [2, 8192], strides = [1, 1]} : vector<2x8196xf32> to vector<2x8192xf32>
    %slice3A_328 = vector.extract_strided_slice %select_n3A_326 {offsets = [0, 1], sizes = [2, 8192], strides = [1, 1]} : vector<2x8196xf32> to vector<2x8192xf32>
    %slice3A_329 = vector.extract_strided_slice %select_n3A_326 {offsets = [0, 2], sizes = [2, 8192], strides = [1, 1]} : vector<2x8196xf32> to vector<2x8192xf32>
    %slice3A_330 = vector.extract_strided_slice %select_n3A_326 {offsets = [0, 3], sizes = [2, 8192], strides = [1, 1]} : vector<2x8196xf32> to vector<2x8192xf32>
    %slice3A_331 = vector.extract_strided_slice %select_n3A_326 {offsets = [0, 4], sizes = [2, 8192], strides = [1, 1]} : vector<2x8196xf32> to vector<2x8192xf32>
    %concatenate3A_332 = tpu.concatenate %slice3A_327, %slice3A_328, %slice3A_329, %slice3A_330, %slice3A_331 in 0 : vector<2x8192xf32>, vector<2x8192xf32>, vector<2x8192xf32>, vector<2x8192xf32>, vector<2x8192xf32> -> vector<10x8192xf32>
    %get3A_333 = arith.constant 0 : index
    %get3A_334 = arith.constant 0 : index
    %get3A_335 = vector.load %arg3[%get3A_333, %get3A_334] : memref<64x10xf32, #tpu.memory_space<vmem>>, vector<64x10xf32>
    %dot_general3A_336 = arith.constant dense<0.000000e+00> : vector<64x8192xf32>
    %dot_general3A_337 = tpu.matmul %get3A_335, %concatenate3A_332, %dot_general3A_336 {dimension_numbers = #tpu.dot_dimension_numbers<[1], [0], [0], [1], [0, 0, 1, 1], [], []>, transpose_lhs_hint = false} : vector<64x10xf32>, vector<10x8192xf32>, vector<64x8192xf32> -> vector<64x8192xf32>
    %get3A_338 = arith.constant 0 : index
    %get3A_339 = arith.constant 0 : index
    %get3A_340 = vector.load %arg4[%get3A_338, %get3A_339] : memref<64x1xf32, #tpu.memory_space<vmem>>, vector<64x1xf32>
    %add3A_341 = vector.broadcast %get3A_340 : vector<64x1xf32> to vector<64x8192xf32>
    %add3A_342 = arith.addf %dot_general3A_337, %add3A_341 : vector<64x8192xf32>
    %max3A_343 = arith.constant 0.000000e+00 : f32
    %max3A_344 = vector.broadcast %max3A_343 : f32 to vector<64x8192xf32>
    %max3A_345 = arith.maximumf %add3A_342, %max3A_344 : vector<64x8192xf32>
    %get3A_346 = arith.constant 0 : index
    %get3A_347 = arith.constant 0 : index
    %get3A_348 = vector.load %arg5[%get3A_346, %get3A_347] : memref<96x64xf32, #tpu.memory_space<vmem>>, vector<96x64xf32>
    %dot_general3A_349 = arith.constant dense<0.000000e+00> : vector<96x8192xf32>
    %dot_general3A_350 = tpu.matmul %get3A_348, %max3A_345, %dot_general3A_349 {dimension_numbers = #tpu.dot_dimension_numbers<[1], [0], [0], [1], [0, 0, 1, 1], [], []>, transpose_lhs_hint = false} : vector<96x64xf32>, vector<64x8192xf32>, vector<96x8192xf32> -> vector<96x8192xf32>
    %iota3A_351 = tpu.iota {dimensions = array<i32: 1>} : vector<32x8192xi32>
    %slice3A_352 = vector.extract_strided_slice %dot_general3A_350 {offsets = [32, 0], sizes = [32, 8192], strides = [1, 1]} : vector<96x8192xf32> to vector<32x8192xf32>
    %eq3A_353 = arith.constant 0 : i32
    %eq3A_354 = vector.broadcast %eq3A_353 : i32 to vector<32x8192xi32>
    %eq3A_355 = arith.cmpi eq, %iota3A_351, %eq3A_354 : vector<32x8192xi32>
    %slice3A_356 = vector.extract_strided_slice %dot_general3A_350 {offsets = [0, 0], sizes = [32, 8192], strides = [1, 1]} : vector<96x8192xf32> to vector<32x8192xf32>
    %roll3A_357 = arith.constant 1 : i32
    %roll3A_358 = tpu.dynamic_rotate %slice3A_356 by %roll3A_357 dim 1 : vector<32x8192xf32>, i32 -> vector<32x8192xf32>
    %jit3A_359 = arith.constant 0.000000e+00 : f32
    %broadcast_in_dim3A_360 = vector.broadcast %jit3A_359 : f32 to vector<32x8192xf32>
    %select_n3A_361 = arith.select %eq3A_355, %broadcast_in_dim3A_360, %roll3A_358 : vector<32x8192xi1>, vector<32x8192xf32>
    %add3A_362 = arith.addf %slice3A_352, %select_n3A_361 : vector<32x8192xf32>
    %eq3A_363 = arith.constant 8191 : i32
    %eq3A_364 = vector.broadcast %eq3A_363 : i32 to vector<32x8192xi32>
    %eq3A_365 = arith.cmpi eq, %iota3A_351, %eq3A_364 : vector<32x8192xi32>
    %slice3A_366 = vector.extract_strided_slice %dot_general3A_350 {offsets = [64, 0], sizes = [32, 8192], strides = [1, 1]} : vector<96x8192xf32> to vector<32x8192xf32>
    %roll3A_367 = arith.constant 8191 : i32
    %roll3A_368 = tpu.dynamic_rotate %slice3A_366 by %roll3A_367 dim 1 : vector<32x8192xf32>, i32 -> vector<32x8192xf32>
    %jit3A_369 = arith.constant 0.000000e+00 : f32
    %broadcast_in_dim3A_370 = vector.broadcast %jit3A_369 : f32 to vector<32x8192xf32>
    %select_n3A_371 = arith.select %eq3A_365, %broadcast_in_dim3A_370, %roll3A_368 : vector<32x8192xi1>, vector<32x8192xf32>
    %add3A_372 = arith.addf %add3A_362, %select_n3A_371 : vector<32x8192xf32>
    %get3A_373 = arith.constant 0 : index
    %get3A_374 = arith.constant 0 : index
    %get3A_375 = vector.load %arg6[%get3A_373, %get3A_374] : memref<32x1xf32, #tpu.memory_space<vmem>>, vector<32x1xf32>
    %add3A_376 = vector.broadcast %get3A_375 : vector<32x1xf32> to vector<32x8192xf32>
    %add3A_377 = arith.addf %add3A_372, %add3A_376 : vector<32x8192xf32>
    %max3A_378 = arith.constant 0.000000e+00 : f32
    %max3A_379 = vector.broadcast %max3A_378 : f32 to vector<32x8192xf32>
    %max3A_380 = arith.maximumf %add3A_377, %max3A_379 : vector<32x8192xf32>
    %get3A_381 = arith.constant 0 : index
    %get3A_382 = arith.constant 0 : index
    %get3A_383 = vector.load %arg7[%get3A_381, %get3A_382] : memref<1x32xf32, #tpu.memory_space<vmem>>, vector<1x32xf32>
    %dot_general3A_384 = arith.constant dense<0.000000e+00> : vector<1x8192xf32>
    %dot_general3A_385 = tpu.matmul %get3A_383, %max3A_380, %dot_general3A_384 {dimension_numbers = #tpu.dot_dimension_numbers<[1], [0], [0], [1], [0, 0, 1, 1], [], []>, transpose_lhs_hint = false} : vector<1x32xf32>, vector<32x8192xf32>, vector<1x8192xf32> -> vector<1x8192xf32>
    %get3A_386 = arith.constant 0 : index
    %get3A_387 = arith.constant 0 : index
    %get3A_388 = vector.load %arg8[%get3A_386, %get3A_387] : memref<1x1xf32, #tpu.memory_space<vmem>>, vector<1x1xf32>
    %add3A_389 = vector.broadcast %get3A_388 : vector<1x1xf32> to vector<1x8192xf32>
    %add3A_390 = arith.addf %dot_general3A_385, %add3A_389 : vector<1x8192xf32>
    %logistic3A_391 = arith.negf %add3A_390 : vector<1x8192xf32>
    %logistic3A_392 = math.exp %logistic3A_391 : vector<1x8192xf32>
    %logistic3A_393 = arith.constant 1.000000e+00 : f32
    %logistic3A_394 = vector.broadcast %logistic3A_393 : f32 to vector<1x8192xf32>
    %logistic3A_395 = arith.addf %logistic3A_394, %logistic3A_392 : vector<1x8192xf32>
    %logistic3A_396 = arith.divf %logistic3A_394, %logistic3A_395 : vector<1x8192xf32>
    %slice3A_397 = vector.extract_strided_slice %get3A_310 {offsets = [0, 3], sizes = [2, 8192], strides = [1, 1]} : vector<2x8196xf32> to vector<2x8192xf32>
    %slice3A_398 = vector.extract_strided_slice %get3A_310 {offsets = [0, 2], sizes = [2, 8192], strides = [1, 1]} : vector<2x8196xf32> to vector<2x8192xf32>
    %sub3A_399 = arith.subf %slice3A_397, %slice3A_398 : vector<2x8192xf32>
    %slice3A_400 = vector.extract_strided_slice %get3A_310 {offsets = [0, 2], sizes = [2, 8192], strides = [1, 1]} : vector<2x8196xf32> to vector<2x8192xf32>
    %slice3A_401 = vector.extract_strided_slice %get3A_310 {offsets = [0, 1], sizes = [2, 8192], strides = [1, 1]} : vector<2x8196xf32> to vector<2x8192xf32>
    %sub3A_402 = arith.subf %slice3A_400, %slice3A_401 : vector<2x8192xf32>
    %slice3A_403 = vector.extract_strided_slice %sub3A_399 {offsets = [0, 0], sizes = [1, 8192], strides = [1, 1]} : vector<2x8192xf32> to vector<1x8192xf32>
    %slice3A_404 = vector.extract_strided_slice %sub3A_402 {offsets = [1, 0], sizes = [1, 8192], strides = [1, 1]} : vector<2x8192xf32> to vector<1x8192xf32>
    %mul3A_405 = arith.mulf %slice3A_403, %slice3A_404 : vector<1x8192xf32>
    %slice3A_406 = vector.extract_strided_slice %sub3A_399 {offsets = [1, 0], sizes = [1, 8192], strides = [1, 1]} : vector<2x8192xf32> to vector<1x8192xf32>
    %slice3A_407 = vector.extract_strided_slice %sub3A_402 {offsets = [0, 0], sizes = [1, 8192], strides = [1, 1]} : vector<2x8192xf32> to vector<1x8192xf32>
    %mul3A_408 = arith.mulf %slice3A_406, %slice3A_407 : vector<1x8192xf32>
    %sub3A_409 = arith.subf %mul3A_405, %mul3A_408 : vector<1x8192xf32>
    %abs3A_410 = math.absf %sub3A_409 : vector<1x8192xf32>
    %mul3A_411 = arith.constant 3.000000e-01 : f32
    %mul3A_412 = vector.broadcast %mul3A_411 : f32 to vector<1x8192xf32>
    %mul3A_413 = arith.mulf %mul3A_412, %abs3A_410 : vector<1x8192xf32>
    %add3A_414 = arith.addf %logistic3A_396, %mul3A_413 : vector<1x8192xf32>
    %get3A_415 = arith.constant 4 : index
    %get3A_416 = arith.constant 0 : index
    %get3A_417 = arith.constant 0 : index
    %get3A_418 = vector.load %arg1[%get3A_415, %get3A_416, %get3A_417] : memref<16x2x8196xf32, #tpu.memory_space<vmem>>, vector<1x2x8196xf32>
    %get3A_419 = vector.shape_cast %get3A_418 : vector<1x2x8196xf32> to vector<2x8196xf32>
    %slice3A_420 = vector.extract_strided_slice %get3A_419 {offsets = [0, 2], sizes = [2, 8192], strides = [1, 1]} : vector<2x8196xf32> to vector<2x8192xf32>
    %reshape3A_421 = vector.shape_cast %slice3A_420 : vector<2x8192xf32> to vector<128x128xf32>
    %swap3A_422 = arith.constant 512 : index
    %swap3A_423 = arith.constant 0 : index
    %swap3A_424 = vector.load %arg10[%swap3A_422, %swap3A_423] : memref<2048x128xf32, #tpu.memory_space<vmem>>, vector<128x128xf32>
    tpu.vector_store %arg10[%swap3A_422, %swap3A_423], %reshape3A_421 {strides = array<i32>} : memref<2048x128xf32, #tpu.memory_space<vmem>>, vector<128x128xf32>,
    %iota3A_425 = tpu.iota {dimensions = array<i32: 1>} : vector<2x8196xi32>
    %ge3A_426 = arith.constant 2 : i32
    %ge3A_427 = vector.broadcast %ge3A_426 : i32 to vector<2x8196xi32>
    %ge3A_428 = arith.cmpi sge, %iota3A_425, %ge3A_427 : vector<2x8196xi32>
    %lt3A_429 = arith.constant 8194 : i32
    %lt3A_430 = vector.broadcast %lt3A_429 : i32 to vector<2x8196xi32>
    %lt3A_431 = arith.cmpi slt, %iota3A_425, %lt3A_430 : vector<2x8196xi32>
    %and3A_432 = arith.andi %ge3A_428, %lt3A_431 : vector<2x8196xi1>
    %jit3A_433 = arith.constant 0.000000e+00 : f32
    %broadcast_in_dim3A_434 = vector.broadcast %jit3A_433 : f32 to vector<2x8196xf32>
    %select_n3A_435 = arith.select %and3A_432, %get3A_419, %broadcast_in_dim3A_434 : vector<2x8196xi1>, vector<2x8196xf32>
    %slice3A_436 = vector.extract_strided_slice %select_n3A_435 {offsets = [0, 0], sizes = [2, 8192], strides = [1, 1]} : vector<2x8196xf32> to vector<2x8192xf32>
    %slice3A_437 = vector.extract_strided_slice %select_n3A_435 {offsets = [0, 1], sizes = [2, 8192], strides = [1, 1]} : vector<2x8196xf32> to vector<2x8192xf32>
    %slice3A_438 = vector.extract_strided_slice %select_n3A_435 {offsets = [0, 2], sizes = [2, 8192], strides = [1, 1]} : vector<2x8196xf32> to vector<2x8192xf32>
    %slice3A_439 = vector.extract_strided_slice %select_n3A_435 {offsets = [0, 3], sizes = [2, 8192], strides = [1, 1]} : vector<2x8196xf32> to vector<2x8192xf32>
    %slice3A_440 = vector.extract_strided_slice %select_n3A_435 {offsets = [0, 4], sizes = [2, 8192], strides = [1, 1]} : vector<2x8196xf32> to vector<2x8192xf32>
    %concatenate3A_441 = tpu.concatenate %slice3A_436, %slice3A_437, %slice3A_438, %slice3A_439, %slice3A_440 in 0 : vector<2x8192xf32>, vector<2x8192xf32>, vector<2x8192xf32>, vector<2x8192xf32>, vector<2x8192xf32> -> vector<10x8192xf32>
    %get3A_442 = arith.constant 0 : index
    %get3A_443 = arith.constant 0 : index
    %get3A_444 = vector.load %arg3[%get3A_442, %get3A_443] : memref<64x10xf32, #tpu.memory_space<vmem>>, vector<64x10xf32>
    %dot_general3A_445 = arith.constant dense<0.000000e+00> : vector<64x8192xf32>
    %dot_general3A_446 = tpu.matmul %get3A_444, %concatenate3A_441, %dot_general3A_445 {dimension_numbers = #tpu.dot_dimension_numbers<[1], [0], [0], [1], [0, 0, 1, 1], [], []>, transpose_lhs_hint = false} : vector<64x10xf32>, vector<10x8192xf32>, vector<64x8192xf32> -> vector<64x8192xf32>
    %get3A_447 = arith.constant 0 : index
    %get3A_448 = arith.constant 0 : index
    %get3A_449 = vector.load %arg4[%get3A_447, %get3A_448] : memref<64x1xf32, #tpu.memory_space<vmem>>, vector<64x1xf32>
    %add3A_450 = vector.broadcast %get3A_449 : vector<64x1xf32> to vector<64x8192xf32>
    %add3A_451 = arith.addf %dot_general3A_446, %add3A_450 : vector<64x8192xf32>
    %max3A_452 = arith.constant 0.000000e+00 : f32
    %max3A_453 = vector.broadcast %max3A_452 : f32 to vector<64x8192xf32>
    %max3A_454 = arith.maximumf %add3A_451, %max3A_453 : vector<64x8192xf32>
    %get3A_455 = arith.constant 0 : index
    %get3A_456 = arith.constant 0 : index
    %get3A_457 = vector.load %arg5[%get3A_455, %get3A_456] : memref<96x64xf32, #tpu.memory_space<vmem>>, vector<96x64xf32>
    %dot_general3A_458 = arith.constant dense<0.000000e+00> : vector<96x8192xf32>
    %dot_general3A_459 = tpu.matmul %get3A_457, %max3A_454, %dot_general3A_458 {dimension_numbers = #tpu.dot_dimension_numbers<[1], [0], [0], [1], [0, 0, 1, 1], [], []>, transpose_lhs_hint = false} : vector<96x64xf32>, vector<64x8192xf32>, vector<96x8192xf32> -> vector<96x8192xf32>
    %iota3A_460 = tpu.iota {dimensions = array<i32: 1>} : vector<32x8192xi32>
    %slice3A_461 = vector.extract_strided_slice %dot_general3A_459 {offsets = [32, 0], sizes = [32, 8192], strides = [1, 1]} : vector<96x8192xf32> to vector<32x8192xf32>
    %eq3A_462 = arith.constant 0 : i32
    %eq3A_463 = vector.broadcast %eq3A_462 : i32 to vector<32x8192xi32>
    %eq3A_464 = arith.cmpi eq, %iota3A_460, %eq3A_463 : vector<32x8192xi32>
    %slice3A_465 = vector.extract_strided_slice %dot_general3A_459 {offsets = [0, 0], sizes = [32, 8192], strides = [1, 1]} : vector<96x8192xf32> to vector<32x8192xf32>
    %roll3A_466 = arith.constant 1 : i32
    %roll3A_467 = tpu.dynamic_rotate %slice3A_465 by %roll3A_466 dim 1 : vector<32x8192xf32>, i32 -> vector<32x8192xf32>
    %jit3A_468 = arith.constant 0.000000e+00 : f32
    %broadcast_in_dim3A_469 = vector.broadcast %jit3A_468 : f32 to vector<32x8192xf32>
    %select_n3A_470 = arith.select %eq3A_464, %broadcast_in_dim3A_469, %roll3A_467 : vector<32x8192xi1>, vector<32x8192xf32>
    %add3A_471 = arith.addf %slice3A_461, %select_n3A_470 : vector<32x8192xf32>
    %eq3A_472 = arith.constant 8191 : i32
    %eq3A_473 = vector.broadcast %eq3A_472 : i32 to vector<32x8192xi32>
    %eq3A_474 = arith.cmpi eq, %iota3A_460, %eq3A_473 : vector<32x8192xi32>
    %slice3A_475 = vector.extract_strided_slice %dot_general3A_459 {offsets = [64, 0], sizes = [32, 8192], strides = [1, 1]} : vector<96x8192xf32> to vector<32x8192xf32>
    %roll3A_476 = arith.constant 8191 : i32
    %roll3A_477 = tpu.dynamic_rotate %slice3A_475 by %roll3A_476 dim 1 : vector<32x8192xf32>, i32 -> vector<32x8192xf32>
    %jit3A_478 = arith.constant 0.000000e+00 : f32
    %broadcast_in_dim3A_479 = vector.broadcast %jit3A_478 : f32 to vector<32x8192xf32>
    %select_n3A_480 = arith.select %eq3A_474, %broadcast_in_dim3A_479, %roll3A_477 : vector<32x8192xi1>, vector<32x8192xf32>
    %add3A_481 = arith.addf %add3A_471, %select_n3A_480 : vector<32x8192xf32>
    %get3A_482 = arith.constant 0 : index
    %get3A_483 = arith.constant 0 : index
    %get3A_484 = vector.load %arg6[%get3A_482, %get3A_483] : memref<32x1xf32, #tpu.memory_space<vmem>>, vector<32x1xf32>
    %add3A_485 = vector.broadcast %get3A_484 : vector<32x1xf32> to vector<32x8192xf32>
    %add3A_486 = arith.addf %add3A_481, %add3A_485 : vector<32x8192xf32>
    %max3A_487 = arith.constant 0.000000e+00 : f32
    %max3A_488 = vector.broadcast %max3A_487 : f32 to vector<32x8192xf32>
    %max3A_489 = arith.maximumf %add3A_486, %max3A_488 : vector<32x8192xf32>
    %get3A_490 = arith.constant 0 : index
    %get3A_491 = arith.constant 0 : index
    %get3A_492 = vector.load %arg7[%get3A_490, %get3A_491] : memref<1x32xf32, #tpu.memory_space<vmem>>, vector<1x32xf32>
    %dot_general3A_493 = arith.constant dense<0.000000e+00> : vector<1x8192xf32>
    %dot_general3A_494 = tpu.matmul %get3A_492, %max3A_489, %dot_general3A_493 {dimension_numbers = #tpu.dot_dimension_numbers<[1], [0], [0], [1], [0, 0, 1, 1], [], []>, transpose_lhs_hint = false} : vector<1x32xf32>, vector<32x8192xf32>, vector<1x8192xf32> -> vector<1x8192xf32>
    %get3A_495 = arith.constant 0 : index
    %get3A_496 = arith.constant 0 : index
    %get3A_497 = vector.load %arg8[%get3A_495, %get3A_496] : memref<1x1xf32, #tpu.memory_space<vmem>>, vector<1x1xf32>
    %add3A_498 = vector.broadcast %get3A_497 : vector<1x1xf32> to vector<1x8192xf32>
    %add3A_499 = arith.addf %dot_general3A_494, %add3A_498 : vector<1x8192xf32>
    %logistic3A_500 = arith.negf %add3A_499 : vector<1x8192xf32>
    %logistic3A_501 = math.exp %logistic3A_500 : vector<1x8192xf32>
    %logistic3A_502 = arith.constant 1.000000e+00 : f32
    %logistic3A_503 = vector.broadcast %logistic3A_502 : f32 to vector<1x8192xf32>
    %logistic3A_504 = arith.addf %logistic3A_503, %logistic3A_501 : vector<1x8192xf32>
    %logistic3A_505 = arith.divf %logistic3A_503, %logistic3A_504 : vector<1x8192xf32>
    %slice3A_506 = vector.extract_strided_slice %get3A_419 {offsets = [0, 3], sizes = [2, 8192], strides = [1, 1]} : vector<2x8196xf32> to vector<2x8192xf32>
    %slice3A_507 = vector.extract_strided_slice %get3A_419 {offsets = [0, 2], sizes = [2, 8192], strides = [1, 1]} : vector<2x8196xf32> to vector<2x8192xf32>
    %sub3A_508 = arith.subf %slice3A_506, %slice3A_507 : vector<2x8192xf32>
    %slice3A_509 = vector.extract_strided_slice %get3A_419 {offsets = [0, 2], sizes = [2, 8192], strides = [1, 1]} : vector<2x8196xf32> to vector<2x8192xf32>
    %slice3A_510 = vector.extract_strided_slice %get3A_419 {offsets = [0, 1], sizes = [2, 8192], strides = [1, 1]} : vector<2x8196xf32> to vector<2x8192xf32>
    %sub3A_511 = arith.subf %slice3A_509, %slice3A_510 : vector<2x8192xf32>
    %slice3A_512 = vector.extract_strided_slice %sub3A_508 {offsets = [0, 0], sizes = [1, 8192], strides = [1, 1]} : vector<2x8192xf32> to vector<1x8192xf32>
    %slice3A_513 = vector.extract_strided_slice %sub3A_511 {offsets = [1, 0], sizes = [1, 8192], strides = [1, 1]} : vector<2x8192xf32> to vector<1x8192xf32>
    %mul3A_514 = arith.mulf %slice3A_512, %slice3A_513 : vector<1x8192xf32>
    %slice3A_515 = vector.extract_strided_slice %sub3A_508 {offsets = [1, 0], sizes = [1, 8192], strides = [1, 1]} : vector<2x8192xf32> to vector<1x8192xf32>
    %slice3A_516 = vector.extract_strided_slice %sub3A_511 {offsets = [0, 0], sizes = [1, 8192], strides = [1, 1]} : vector<2x8192xf32> to vector<1x8192xf32>
    %mul3A_517 = arith.mulf %slice3A_515, %slice3A_516 : vector<1x8192xf32>
    %sub3A_518 = arith.subf %mul3A_514, %mul3A_517 : vector<1x8192xf32>
    %abs3A_519 = math.absf %sub3A_518 : vector<1x8192xf32>
    %mul3A_520 = arith.constant 3.000000e-01 : f32
    %mul3A_521 = vector.broadcast %mul3A_520 : f32 to vector<1x8192xf32>
    %mul3A_522 = arith.mulf %mul3A_521, %abs3A_519 : vector<1x8192xf32>
    %add3A_523 = arith.addf %logistic3A_505, %mul3A_522 : vector<1x8192xf32>
    %get3A_524 = arith.constant 5 : index
    %get3A_525 = arith.constant 0 : index
    %get3A_526 = arith.constant 0 : index
    %get3A_527 = vector.load %arg1[%get3A_524, %get3A_525, %get3A_526] : memref<16x2x8196xf32, #tpu.memory_space<vmem>>, vector<1x2x8196xf32>
    %get3A_528 = vector.shape_cast %get3A_527 : vector<1x2x8196xf32> to vector<2x8196xf32>
    %slice3A_529 = vector.extract_strided_slice %get3A_528 {offsets = [0, 2], sizes = [2, 8192], strides = [1, 1]} : vector<2x8196xf32> to vector<2x8192xf32>
    %reshape3A_530 = vector.shape_cast %slice3A_529 : vector<2x8192xf32> to vector<128x128xf32>
    %swap3A_531 = arith.constant 640 : index
    %swap3A_532 = arith.constant 0 : index
    %swap3A_533 = vector.load %arg10[%swap3A_531, %swap3A_532] : memref<2048x128xf32, #tpu.memory_space<vmem>>, vector<128x128xf32>
    tpu.vector_store %arg10[%swap3A_531, %swap3A_532], %reshape3A_530 {strides = array<i32>} : memref<2048x128xf32, #tpu.memory_space<vmem>>, vector<128x128xf32>,
    %iota3A_534 = tpu.iota {dimensions = array<i32: 1>} : vector<2x8196xi32>
    %ge3A_535 = arith.constant 2 : i32
    %ge3A_536 = vector.broadcast %ge3A_535 : i32 to vector<2x8196xi32>
    %ge3A_537 = arith.cmpi sge, %iota3A_534, %ge3A_536 : vector<2x8196xi32>
    %lt3A_538 = arith.constant 8194 : i32
    %lt3A_539 = vector.broadcast %lt3A_538 : i32 to vector<2x8196xi32>
    %lt3A_540 = arith.cmpi slt, %iota3A_534, %lt3A_539 : vector<2x8196xi32>
    %and3A_541 = arith.andi %ge3A_537, %lt3A_540 : vector<2x8196xi1>
    %jit3A_542 = arith.constant 0.000000e+00 : f32
    %broadcast_in_dim3A_543 = vector.broadcast %jit3A_542 : f32 to vector<2x8196xf32>
    %select_n3A_544 = arith.select %and3A_541, %get3A_528, %broadcast_in_dim3A_543 : vector<2x8196xi1>, vector<2x8196xf32>
    %slice3A_545 = vector.extract_strided_slice %select_n3A_544 {offsets = [0, 0], sizes = [2, 8192], strides = [1, 1]} : vector<2x8196xf32> to vector<2x8192xf32>
    %slice3A_546 = vector.extract_strided_slice %select_n3A_544 {offsets = [0, 1], sizes = [2, 8192], strides = [1, 1]} : vector<2x8196xf32> to vector<2x8192xf32>
    %slice3A_547 = vector.extract_strided_slice %select_n3A_544 {offsets = [0, 2], sizes = [2, 8192], strides = [1, 1]} : vector<2x8196xf32> to vector<2x8192xf32>
    %slice3A_548 = vector.extract_strided_slice %select_n3A_544 {offsets = [0, 3], sizes = [2, 8192], strides = [1, 1]} : vector<2x8196xf32> to vector<2x8192xf32>
    %slice3A_549 = vector.extract_strided_slice %select_n3A_544 {offsets = [0, 4], sizes = [2, 8192], strides = [1, 1]} : vector<2x8196xf32> to vector<2x8192xf32>
    %concatenate3A_550 = tpu.concatenate %slice3A_545, %slice3A_546, %slice3A_547, %slice3A_548, %slice3A_549 in 0 : vector<2x8192xf32>, vector<2x8192xf32>, vector<2x8192xf32>, vector<2x8192xf32>, vector<2x8192xf32> -> vector<10x8192xf32>
    %get3A_551 = arith.constant 0 : index
    %get3A_552 = arith.constant 0 : index
    %get3A_553 = vector.load %arg3[%get3A_551, %get3A_552] : memref<64x10xf32, #tpu.memory_space<vmem>>, vector<64x10xf32>
    %dot_general3A_554 = arith.constant dense<0.000000e+00> : vector<64x8192xf32>
    %dot_general3A_555 = tpu.matmul %get3A_553, %concatenate3A_550, %dot_general3A_554 {dimension_numbers = #tpu.dot_dimension_numbers<[1], [0], [0], [1], [0, 0, 1, 1], [], []>, transpose_lhs_hint = false} : vector<64x10xf32>, vector<10x8192xf32>, vector<64x8192xf32> -> vector<64x8192xf32>
    %get3A_556 = arith.constant 0 : index
    %get3A_557 = arith.constant 0 : index
    %get3A_558 = vector.load %arg4[%get3A_556, %get3A_557] : memref<64x1xf32, #tpu.memory_space<vmem>>, vector<64x1xf32>
    %add3A_559 = vector.broadcast %get3A_558 : vector<64x1xf32> to vector<64x8192xf32>
    %add3A_560 = arith.addf %dot_general3A_555, %add3A_559 : vector<64x8192xf32>
    %max3A_561 = arith.constant 0.000000e+00 : f32
    %max3A_562 = vector.broadcast %max3A_561 : f32 to vector<64x8192xf32>
    %max3A_563 = arith.maximumf %add3A_560, %max3A_562 : vector<64x8192xf32>
    %get3A_564 = arith.constant 0 : index
    %get3A_565 = arith.constant 0 : index
    %get3A_566 = vector.load %arg5[%get3A_564, %get3A_565] : memref<96x64xf32, #tpu.memory_space<vmem>>, vector<96x64xf32>
    %dot_general3A_567 = arith.constant dense<0.000000e+00> : vector<96x8192xf32>
    %dot_general3A_568 = tpu.matmul %get3A_566, %max3A_563, %dot_general3A_567 {dimension_numbers = #tpu.dot_dimension_numbers<[1], [0], [0], [1], [0, 0, 1, 1], [], []>, transpose_lhs_hint = false} : vector<96x64xf32>, vector<64x8192xf32>, vector<96x8192xf32> -> vector<96x8192xf32>
    %iota3A_569 = tpu.iota {dimensions = array<i32: 1>} : vector<32x8192xi32>
    %slice3A_570 = vector.extract_strided_slice %dot_general3A_568 {offsets = [32, 0], sizes = [32, 8192], strides = [1, 1]} : vector<96x8192xf32> to vector<32x8192xf32>
    %eq3A_571 = arith.constant 0 : i32
    %eq3A_572 = vector.broadcast %eq3A_571 : i32 to vector<32x8192xi32>
    %eq3A_573 = arith.cmpi eq, %iota3A_569, %eq3A_572 : vector<32x8192xi32>
    %slice3A_574 = vector.extract_strided_slice %dot_general3A_568 {offsets = [0, 0], sizes = [32, 8192], strides = [1, 1]} : vector<96x8192xf32> to vector<32x8192xf32>
    %roll3A_575 = arith.constant 1 : i32
    %roll3A_576 = tpu.dynamic_rotate %slice3A_574 by %roll3A_575 dim 1 : vector<32x8192xf32>, i32 -> vector<32x8192xf32>
    %jit3A_577 = arith.constant 0.000000e+00 : f32
    %broadcast_in_dim3A_578 = vector.broadcast %jit3A_577 : f32 to vector<32x8192xf32>
    %select_n3A_579 = arith.select %eq3A_573, %broadcast_in_dim3A_578, %roll3A_576 : vector<32x8192xi1>, vector<32x8192xf32>
    %add3A_580 = arith.addf %slice3A_570, %select_n3A_579 : vector<32x8192xf32>
    %eq3A_581 = arith.constant 8191 : i32
    %eq3A_582 = vector.broadcast %eq3A_581 : i32 to vector<32x8192xi32>
    %eq3A_583 = arith.cmpi eq, %iota3A_569, %eq3A_582 : vector<32x8192xi32>
    %slice3A_584 = vector.extract_strided_slice %dot_general3A_568 {offsets = [64, 0], sizes = [32, 8192], strides = [1, 1]} : vector<96x8192xf32> to vector<32x8192xf32>
    %roll3A_585 = arith.constant 8191 : i32
    %roll3A_586 = tpu.dynamic_rotate %slice3A_584 by %roll3A_585 dim 1 : vector<32x8192xf32>, i32 -> vector<32x8192xf32>
    %jit3A_587 = arith.constant 0.000000e+00 : f32
    %broadcast_in_dim3A_588 = vector.broadcast %jit3A_587 : f32 to vector<32x8192xf32>
    %select_n3A_589 = arith.select %eq3A_583, %broadcast_in_dim3A_588, %roll3A_586 : vector<32x8192xi1>, vector<32x8192xf32>
    %add3A_590 = arith.addf %add3A_580, %select_n3A_589 : vector<32x8192xf32>
    %get3A_591 = arith.constant 0 : index
    %get3A_592 = arith.constant 0 : index
    %get3A_593 = vector.load %arg6[%get3A_591, %get3A_592] : memref<32x1xf32, #tpu.memory_space<vmem>>, vector<32x1xf32>
    %add3A_594 = vector.broadcast %get3A_593 : vector<32x1xf32> to vector<32x8192xf32>
    %add3A_595 = arith.addf %add3A_590, %add3A_594 : vector<32x8192xf32>
    %max3A_596 = arith.constant 0.000000e+00 : f32
    %max3A_597 = vector.broadcast %max3A_596 : f32 to vector<32x8192xf32>
    %max3A_598 = arith.maximumf %add3A_595, %max3A_597 : vector<32x8192xf32>
    %get3A_599 = arith.constant 0 : index
    %get3A_600 = arith.constant 0 : index
    %get3A_601 = vector.load %arg7[%get3A_599, %get3A_600] : memref<1x32xf32, #tpu.memory_space<vmem>>, vector<1x32xf32>
    %dot_general3A_602 = arith.constant dense<0.000000e+00> : vector<1x8192xf32>
    %dot_general3A_603 = tpu.matmul %get3A_601, %max3A_598, %dot_general3A_602 {dimension_numbers = #tpu.dot_dimension_numbers<[1], [0], [0], [1], [0, 0, 1, 1], [], []>, transpose_lhs_hint = false} : vector<1x32xf32>, vector<32x8192xf32>, vector<1x8192xf32> -> vector<1x8192xf32>
    %get3A_604 = arith.constant 0 : index
    %get3A_605 = arith.constant 0 : index
    %get3A_606 = vector.load %arg8[%get3A_604, %get3A_605] : memref<1x1xf32, #tpu.memory_space<vmem>>, vector<1x1xf32>
    %add3A_607 = vector.broadcast %get3A_606 : vector<1x1xf32> to vector<1x8192xf32>
    %add3A_608 = arith.addf %dot_general3A_603, %add3A_607 : vector<1x8192xf32>
    %logistic3A_609 = arith.negf %add3A_608 : vector<1x8192xf32>
    %logistic3A_610 = math.exp %logistic3A_609 : vector<1x8192xf32>
    %logistic3A_611 = arith.constant 1.000000e+00 : f32
    %logistic3A_612 = vector.broadcast %logistic3A_611 : f32 to vector<1x8192xf32>
    %logistic3A_613 = arith.addf %logistic3A_612, %logistic3A_610 : vector<1x8192xf32>
    %logistic3A_614 = arith.divf %logistic3A_612, %logistic3A_613 : vector<1x8192xf32>
    %slice3A_615 = vector.extract_strided_slice %get3A_528 {offsets = [0, 3], sizes = [2, 8192], strides = [1, 1]} : vector<2x8196xf32> to vector<2x8192xf32>
    %slice3A_616 = vector.extract_strided_slice %get3A_528 {offsets = [0, 2], sizes = [2, 8192], strides = [1, 1]} : vector<2x8196xf32> to vector<2x8192xf32>
    %sub3A_617 = arith.subf %slice3A_615, %slice3A_616 : vector<2x8192xf32>
    %slice3A_618 = vector.extract_strided_slice %get3A_528 {offsets = [0, 2], sizes = [2, 8192], strides = [1, 1]} : vector<2x8196xf32> to vector<2x8192xf32>
    %slice3A_619 = vector.extract_strided_slice %get3A_528 {offsets = [0, 1], sizes = [2, 8192], strides = [1, 1]} : vector<2x8196xf32> to vector<2x8192xf32>
    %sub3A_620 = arith.subf %slice3A_618, %slice3A_619 : vector<2x8192xf32>
    %slice3A_621 = vector.extract_strided_slice %sub3A_617 {offsets = [0, 0], sizes = [1, 8192], strides = [1, 1]} : vector<2x8192xf32> to vector<1x8192xf32>
    %slice3A_622 = vector.extract_strided_slice %sub3A_620 {offsets = [1, 0], sizes = [1, 8192], strides = [1, 1]} : vector<2x8192xf32> to vector<1x8192xf32>
    %mul3A_623 = arith.mulf %slice3A_621, %slice3A_622 : vector<1x8192xf32>
    %slice3A_624 = vector.extract_strided_slice %sub3A_617 {offsets = [1, 0], sizes = [1, 8192], strides = [1, 1]} : vector<2x8192xf32> to vector<1x8192xf32>
    %slice3A_625 = vector.extract_strided_slice %sub3A_620 {offsets = [0, 0], sizes = [1, 8192], strides = [1, 1]} : vector<2x8192xf32> to vector<1x8192xf32>
    %mul3A_626 = arith.mulf %slice3A_624, %slice3A_625 : vector<1x8192xf32>
    %sub3A_627 = arith.subf %mul3A_623, %mul3A_626 : vector<1x8192xf32>
    %abs3A_628 = math.absf %sub3A_627 : vector<1x8192xf32>
    %mul3A_629 = arith.constant 3.000000e-01 : f32
    %mul3A_630 = vector.broadcast %mul3A_629 : f32 to vector<1x8192xf32>
    %mul3A_631 = arith.mulf %mul3A_630, %abs3A_628 : vector<1x8192xf32>
    %add3A_632 = arith.addf %logistic3A_614, %mul3A_631 : vector<1x8192xf32>
    %get3A_633 = arith.constant 6 : index
    %get3A_634 = arith.constant 0 : index
    %get3A_635 = arith.constant 0 : index
    %get3A_636 = vector.load %arg1[%get3A_633, %get3A_634, %get3A_635] : memref<16x2x8196xf32, #tpu.memory_space<vmem>>, vector<1x2x8196xf32>
    %get3A_637 = vector.shape_cast %get3A_636 : vector<1x2x8196xf32> to vector<2x8196xf32>
    %slice3A_638 = vector.extract_strided_slice %get3A_637 {offsets = [0, 2], sizes = [2, 8192], strides = [1, 1]} : vector<2x8196xf32> to vector<2x8192xf32>
    %reshape3A_639 = vector.shape_cast %slice3A_638 : vector<2x8192xf32> to vector<128x128xf32>
    %swap3A_640 = arith.constant 768 : index
    %swap3A_641 = arith.constant 0 : index
    %swap3A_642 = vector.load %arg10[%swap3A_640, %swap3A_641] : memref<2048x128xf32, #tpu.memory_space<vmem>>, vector<128x128xf32>
    tpu.vector_store %arg10[%swap3A_640, %swap3A_641], %reshape3A_639 {strides = array<i32>} : memref<2048x128xf32, #tpu.memory_space<vmem>>, vector<128x128xf32>,
    %iota3A_643 = tpu.iota {dimensions = array<i32: 1>} : vector<2x8196xi32>
    %ge3A_644 = arith.constant 2 : i32
    %ge3A_645 = vector.broadcast %ge3A_644 : i32 to vector<2x8196xi32>
    %ge3A_646 = arith.cmpi sge, %iota3A_643, %ge3A_645 : vector<2x8196xi32>
    %lt3A_647 = arith.constant 8194 : i32
    %lt3A_648 = vector.broadcast %lt3A_647 : i32 to vector<2x8196xi32>
    %lt3A_649 = arith.cmpi slt, %iota3A_643, %lt3A_648 : vector<2x8196xi32>
    %and3A_650 = arith.andi %ge3A_646, %lt3A_649 : vector<2x8196xi1>
    %jit3A_651 = arith.constant 0.000000e+00 : f32
    %broadcast_in_dim3A_652 = vector.broadcast %jit3A_651 : f32 to vector<2x8196xf32>
    %select_n3A_653 = arith.select %and3A_650, %get3A_637, %broadcast_in_dim3A_652 : vector<2x8196xi1>, vector<2x8196xf32>
    %slice3A_654 = vector.extract_strided_slice %select_n3A_653 {offsets = [0, 0], sizes = [2, 8192], strides = [1, 1]} : vector<2x8196xf32> to vector<2x8192xf32>
    %slice3A_655 = vector.extract_strided_slice %select_n3A_653 {offsets = [0, 1], sizes = [2, 8192], strides = [1, 1]} : vector<2x8196xf32> to vector<2x8192xf32>
    %slice3A_656 = vector.extract_strided_slice %select_n3A_653 {offsets = [0, 2], sizes = [2, 8192], strides = [1, 1]} : vector<2x8196xf32> to vector<2x8192xf32>
    %slice3A_657 = vector.extract_strided_slice %select_n3A_653 {offsets = [0, 3], sizes = [2, 8192], strides = [1, 1]} : vector<2x8196xf32> to vector<2x8192xf32>
    %slice3A_658 = vector.extract_strided_slice %select_n3A_653 {offsets = [0, 4], sizes = [2, 8192], strides = [1, 1]} : vector<2x8196xf32> to vector<2x8192xf32>
    %concatenate3A_659 = tpu.concatenate %slice3A_654, %slice3A_655, %slice3A_656, %slice3A_657, %slice3A_658 in 0 : vector<2x8192xf32>, vector<2x8192xf32>, vector<2x8192xf32>, vector<2x8192xf32>, vector<2x8192xf32> -> vector<10x8192xf32>
    %get3A_660 = arith.constant 0 : index
    %get3A_661 = arith.constant 0 : index
    %get3A_662 = vector.load %arg3[%get3A_660, %get3A_661] : memref<64x10xf32, #tpu.memory_space<vmem>>, vector<64x10xf32>
    %dot_general3A_663 = arith.constant dense<0.000000e+00> : vector<64x8192xf32>
    %dot_general3A_664 = tpu.matmul %get3A_662, %concatenate3A_659, %dot_general3A_663 {dimension_numbers = #tpu.dot_dimension_numbers<[1], [0], [0], [1], [0, 0, 1, 1], [], []>, transpose_lhs_hint = false} : vector<64x10xf32>, vector<10x8192xf32>, vector<64x8192xf32> -> vector<64x8192xf32>
    %get3A_665 = arith.constant 0 : index
    %get3A_666 = arith.constant 0 : index
    %get3A_667 = vector.load %arg4[%get3A_665, %get3A_666] : memref<64x1xf32, #tpu.memory_space<vmem>>, vector<64x1xf32>
    %add3A_668 = vector.broadcast %get3A_667 : vector<64x1xf32> to vector<64x8192xf32>
    %add3A_669 = arith.addf %dot_general3A_664, %add3A_668 : vector<64x8192xf32>
    %max3A_670 = arith.constant 0.000000e+00 : f32
    %max3A_671 = vector.broadcast %max3A_670 : f32 to vector<64x8192xf32>
    %max3A_672 = arith.maximumf %add3A_669, %max3A_671 : vector<64x8192xf32>
    %get3A_673 = arith.constant 0 : index
    %get3A_674 = arith.constant 0 : index
    %get3A_675 = vector.load %arg5[%get3A_673, %get3A_674] : memref<96x64xf32, #tpu.memory_space<vmem>>, vector<96x64xf32>
    %dot_general3A_676 = arith.constant dense<0.000000e+00> : vector<96x8192xf32>
    %dot_general3A_677 = tpu.matmul %get3A_675, %max3A_672, %dot_general3A_676 {dimension_numbers = #tpu.dot_dimension_numbers<[1], [0], [0], [1], [0, 0, 1, 1], [], []>, transpose_lhs_hint = false} : vector<96x64xf32>, vector<64x8192xf32>, vector<96x8192xf32> -> vector<96x8192xf32>
    %iota3A_678 = tpu.iota {dimensions = array<i32: 1>} : vector<32x8192xi32>
    %slice3A_679 = vector.extract_strided_slice %dot_general3A_677 {offsets = [32, 0], sizes = [32, 8192], strides = [1, 1]} : vector<96x8192xf32> to vector<32x8192xf32>
    %eq3A_680 = arith.constant 0 : i32
    %eq3A_681 = vector.broadcast %eq3A_680 : i32 to vector<32x8192xi32>
    %eq3A_682 = arith.cmpi eq, %iota3A_678, %eq3A_681 : vector<32x8192xi32>
    %slice3A_683 = vector.extract_strided_slice %dot_general3A_677 {offsets = [0, 0], sizes = [32, 8192], strides = [1, 1]} : vector<96x8192xf32> to vector<32x8192xf32>
    %roll3A_684 = arith.constant 1 : i32
    %roll3A_685 = tpu.dynamic_rotate %slice3A_683 by %roll3A_684 dim 1 : vector<32x8192xf32>, i32 -> vector<32x8192xf32>
    %jit3A_686 = arith.constant 0.000000e+00 : f32
    %broadcast_in_dim3A_687 = vector.broadcast %jit3A_686 : f32 to vector<32x8192xf32>
    %select_n3A_688 = arith.select %eq3A_682, %broadcast_in_dim3A_687, %roll3A_685 : vector<32x8192xi1>, vector<32x8192xf32>
    %add3A_689 = arith.addf %slice3A_679, %select_n3A_688 : vector<32x8192xf32>
    %eq3A_690 = arith.constant 8191 : i32
    %eq3A_691 = vector.broadcast %eq3A_690 : i32 to vector<32x8192xi32>
    %eq3A_692 = arith.cmpi eq, %iota3A_678, %eq3A_691 : vector<32x8192xi32>
    %slice3A_693 = vector.extract_strided_slice %dot_general3A_677 {offsets = [64, 0], sizes = [32, 8192], strides = [1, 1]} : vector<96x8192xf32> to vector<32x8192xf32>
    %roll3A_694 = arith.constant 8191 : i32
    %roll3A_695 = tpu.dynamic_rotate %slice3A_693 by %roll3A_694 dim 1 : vector<32x8192xf32>, i32 -> vector<32x8192xf32>
    %jit3A_696 = arith.constant 0.000000e+00 : f32
    %broadcast_in_dim3A_697 = vector.broadcast %jit3A_696 : f32 to vector<32x8192xf32>
    %select_n3A_698 = arith.select %eq3A_692, %broadcast_in_dim3A_697, %roll3A_695 : vector<32x8192xi1>, vector<32x8192xf32>
    %add3A_699 = arith.addf %add3A_689, %select_n3A_698 : vector<32x8192xf32>
    %get3A_700 = arith.constant 0 : index
    %get3A_701 = arith.constant 0 : index
    %get3A_702 = vector.load %arg6[%get3A_700, %get3A_701] : memref<32x1xf32, #tpu.memory_space<vmem>>, vector<32x1xf32>
    %add3A_703 = vector.broadcast %get3A_702 : vector<32x1xf32> to vector<32x8192xf32>
    %add3A_704 = arith.addf %add3A_699, %add3A_703 : vector<32x8192xf32>
    %max3A_705 = arith.constant 0.000000e+00 : f32
    %max3A_706 = vector.broadcast %max3A_705 : f32 to vector<32x8192xf32>
    %max3A_707 = arith.maximumf %add3A_704, %max3A_706 : vector<32x8192xf32>
    %get3A_708 = arith.constant 0 : index
    %get3A_709 = arith.constant 0 : index
    %get3A_710 = vector.load %arg7[%get3A_708, %get3A_709] : memref<1x32xf32, #tpu.memory_space<vmem>>, vector<1x32xf32>
    %dot_general3A_711 = arith.constant dense<0.000000e+00> : vector<1x8192xf32>
    %dot_general3A_712 = tpu.matmul %get3A_710, %max3A_707, %dot_general3A_711 {dimension_numbers = #tpu.dot_dimension_numbers<[1], [0], [0], [1], [0, 0, 1, 1], [], []>, transpose_lhs_hint = false} : vector<1x32xf32>, vector<32x8192xf32>, vector<1x8192xf32> -> vector<1x8192xf32>
    %get3A_713 = arith.constant 0 : index
    %get3A_714 = arith.constant 0 : index
    %get3A_715 = vector.load %arg8[%get3A_713, %get3A_714] : memref<1x1xf32, #tpu.memory_space<vmem>>, vector<1x1xf32>
    %add3A_716 = vector.broadcast %get3A_715 : vector<1x1xf32> to vector<1x8192xf32>
    %add3A_717 = arith.addf %dot_general3A_712, %add3A_716 : vector<1x8192xf32>
    %logistic3A_718 = arith.negf %add3A_717 : vector<1x8192xf32>
    %logistic3A_719 = math.exp %logistic3A_718 : vector<1x8192xf32>
    %logistic3A_720 = arith.constant 1.000000e+00 : f32
    %logistic3A_721 = vector.broadcast %logistic3A_720 : f32 to vector<1x8192xf32>
    %logistic3A_722 = arith.addf %logistic3A_721, %logistic3A_719 : vector<1x8192xf32>
    %logistic3A_723 = arith.divf %logistic3A_721, %logistic3A_722 : vector<1x8192xf32>
    %slice3A_724 = vector.extract_strided_slice %get3A_637 {offsets = [0, 3], sizes = [2, 8192], strides = [1, 1]} : vector<2x8196xf32> to vector<2x8192xf32>
    %slice3A_725 = vector.extract_strided_slice %get3A_637 {offsets = [0, 2], sizes = [2, 8192], strides = [1, 1]} : vector<2x8196xf32> to vector<2x8192xf32>
    %sub3A_726 = arith.subf %slice3A_724, %slice3A_725 : vector<2x8192xf32>
    %slice3A_727 = vector.extract_strided_slice %get3A_637 {offsets = [0, 2], sizes = [2, 8192], strides = [1, 1]} : vector<2x8196xf32> to vector<2x8192xf32>
    %slice3A_728 = vector.extract_strided_slice %get3A_637 {offsets = [0, 1], sizes = [2, 8192], strides = [1, 1]} : vector<2x8196xf32> to vector<2x8192xf32>
    %sub3A_729 = arith.subf %slice3A_727, %slice3A_728 : vector<2x8192xf32>
    %slice3A_730 = vector.extract_strided_slice %sub3A_726 {offsets = [0, 0], sizes = [1, 8192], strides = [1, 1]} : vector<2x8192xf32> to vector<1x8192xf32>
    %slice3A_731 = vector.extract_strided_slice %sub3A_729 {offsets = [1, 0], sizes = [1, 8192], strides = [1, 1]} : vector<2x8192xf32> to vector<1x8192xf32>
    %mul3A_732 = arith.mulf %slice3A_730, %slice3A_731 : vector<1x8192xf32>
    %slice3A_733 = vector.extract_strided_slice %sub3A_726 {offsets = [1, 0], sizes = [1, 8192], strides = [1, 1]} : vector<2x8192xf32> to vector<1x8192xf32>
    %slice3A_734 = vector.extract_strided_slice %sub3A_729 {offsets = [0, 0], sizes = [1, 8192], strides = [1, 1]} : vector<2x8192xf32> to vector<1x8192xf32>
    %mul3A_735 = arith.mulf %slice3A_733, %slice3A_734 : vector<1x8192xf32>
    %sub3A_736 = arith.subf %mul3A_732, %mul3A_735 : vector<1x8192xf32>
    %abs3A_737 = math.absf %sub3A_736 : vector<1x8192xf32>
    %mul3A_738 = arith.constant 3.000000e-01 : f32
    %mul3A_739 = vector.broadcast %mul3A_738 : f32 to vector<1x8192xf32>
    %mul3A_740 = arith.mulf %mul3A_739, %abs3A_737 : vector<1x8192xf32>
    %add3A_741 = arith.addf %logistic3A_723, %mul3A_740 : vector<1x8192xf32>
    %get3A_742 = arith.constant 7 : index
    %get3A_743 = arith.constant 0 : index
    %get3A_744 = arith.constant 0 : index
    %get3A_745 = vector.load %arg1[%get3A_742, %get3A_743, %get3A_744] : memref<16x2x8196xf32, #tpu.memory_space<vmem>>, vector<1x2x8196xf32>
    %get3A_746 = vector.shape_cast %get3A_745 : vector<1x2x8196xf32> to vector<2x8196xf32>
    %slice3A_747 = vector.extract_strided_slice %get3A_746 {offsets = [0, 2], sizes = [2, 8192], strides = [1, 1]} : vector<2x8196xf32> to vector<2x8192xf32>
    %reshape3A_748 = vector.shape_cast %slice3A_747 : vector<2x8192xf32> to vector<128x128xf32>
    %swap3A_749 = arith.constant 896 : index
    %swap3A_750 = arith.constant 0 : index
    %swap3A_751 = vector.load %arg10[%swap3A_749, %swap3A_750] : memref<2048x128xf32, #tpu.memory_space<vmem>>, vector<128x128xf32>
    tpu.vector_store %arg10[%swap3A_749, %swap3A_750], %reshape3A_748 {strides = array<i32>} : memref<2048x128xf32, #tpu.memory_space<vmem>>, vector<128x128xf32>,
    %iota3A_752 = tpu.iota {dimensions = array<i32: 1>} : vector<2x8196xi32>
    %ge3A_753 = arith.constant 2 : i32
    %ge3A_754 = vector.broadcast %ge3A_753 : i32 to vector<2x8196xi32>
    %ge3A_755 = arith.cmpi sge, %iota3A_752, %ge3A_754 : vector<2x8196xi32>
    %lt3A_756 = arith.constant 8194 : i32
    %lt3A_757 = vector.broadcast %lt3A_756 : i32 to vector<2x8196xi32>
    %lt3A_758 = arith.cmpi slt, %iota3A_752, %lt3A_757 : vector<2x8196xi32>
    %and3A_759 = arith.andi %ge3A_755, %lt3A_758 : vector<2x8196xi1>
    %jit3A_760 = arith.constant 0.000000e+00 : f32
    %broadcast_in_dim3A_761 = vector.broadcast %jit3A_760 : f32 to vector<2x8196xf32>
    %select_n3A_762 = arith.select %and3A_759, %get3A_746, %broadcast_in_dim3A_761 : vector<2x8196xi1>, vector<2x8196xf32>
    %slice3A_763 = vector.extract_strided_slice %select_n3A_762 {offsets = [0, 0], sizes = [2, 8192], strides = [1, 1]} : vector<2x8196xf32> to vector<2x8192xf32>
    %slice3A_764 = vector.extract_strided_slice %select_n3A_762 {offsets = [0, 1], sizes = [2, 8192], strides = [1, 1]} : vector<2x8196xf32> to vector<2x8192xf32>
    %slice3A_765 = vector.extract_strided_slice %select_n3A_762 {offsets = [0, 2], sizes = [2, 8192], strides = [1, 1]} : vector<2x8196xf32> to vector<2x8192xf32>
    %slice3A_766 = vector.extract_strided_slice %select_n3A_762 {offsets = [0, 3], sizes = [2, 8192], strides = [1, 1]} : vector<2x8196xf32> to vector<2x8192xf32>
    %slice3A_767 = vector.extract_strided_slice %select_n3A_762 {offsets = [0, 4], sizes = [2, 8192], strides = [1, 1]} : vector<2x8196xf32> to vector<2x8192xf32>
    %concatenate3A_768 = tpu.concatenate %slice3A_763, %slice3A_764, %slice3A_765, %slice3A_766, %slice3A_767 in 0 : vector<2x8192xf32>, vector<2x8192xf32>, vector<2x8192xf32>, vector<2x8192xf32>, vector<2x8192xf32> -> vector<10x8192xf32>
    %get3A_769 = arith.constant 0 : index
    %get3A_770 = arith.constant 0 : index
    %get3A_771 = vector.load %arg3[%get3A_769, %get3A_770] : memref<64x10xf32, #tpu.memory_space<vmem>>, vector<64x10xf32>
    %dot_general3A_772 = arith.constant dense<0.000000e+00> : vector<64x8192xf32>
    %dot_general3A_773 = tpu.matmul %get3A_771, %concatenate3A_768, %dot_general3A_772 {dimension_numbers = #tpu.dot_dimension_numbers<[1], [0], [0], [1], [0, 0, 1, 1], [], []>, transpose_lhs_hint = false} : vector<64x10xf32>, vector<10x8192xf32>, vector<64x8192xf32> -> vector<64x8192xf32>
    %get3A_774 = arith.constant 0 : index
    %get3A_775 = arith.constant 0 : index
    %get3A_776 = vector.load %arg4[%get3A_774, %get3A_775] : memref<64x1xf32, #tpu.memory_space<vmem>>, vector<64x1xf32>
    %add3A_777 = vector.broadcast %get3A_776 : vector<64x1xf32> to vector<64x8192xf32>
    %add3A_778 = arith.addf %dot_general3A_773, %add3A_777 : vector<64x8192xf32>
    %max3A_779 = arith.constant 0.000000e+00 : f32
    %max3A_780 = vector.broadcast %max3A_779 : f32 to vector<64x8192xf32>
    %max3A_781 = arith.maximumf %add3A_778, %max3A_780 : vector<64x8192xf32>
    %get3A_782 = arith.constant 0 : index
    %get3A_783 = arith.constant 0 : index
    %get3A_784 = vector.load %arg5[%get3A_782, %get3A_783] : memref<96x64xf32, #tpu.memory_space<vmem>>, vector<96x64xf32>
    %dot_general3A_785 = arith.constant dense<0.000000e+00> : vector<96x8192xf32>
    %dot_general3A_786 = tpu.matmul %get3A_784, %max3A_781, %dot_general3A_785 {dimension_numbers = #tpu.dot_dimension_numbers<[1], [0], [0], [1], [0, 0, 1, 1], [], []>, transpose_lhs_hint = false} : vector<96x64xf32>, vector<64x8192xf32>, vector<96x8192xf32> -> vector<96x8192xf32>
    %iota3A_787 = tpu.iota {dimensions = array<i32: 1>} : vector<32x8192xi32>
    %slice3A_788 = vector.extract_strided_slice %dot_general3A_786 {offsets = [32, 0], sizes = [32, 8192], strides = [1, 1]} : vector<96x8192xf32> to vector<32x8192xf32>
    %eq3A_789 = arith.constant 0 : i32
    %eq3A_790 = vector.broadcast %eq3A_789 : i32 to vector<32x8192xi32>
    %eq3A_791 = arith.cmpi eq, %iota3A_787, %eq3A_790 : vector<32x8192xi32>
    %slice3A_792 = vector.extract_strided_slice %dot_general3A_786 {offsets = [0, 0], sizes = [32, 8192], strides = [1, 1]} : vector<96x8192xf32> to vector<32x8192xf32>
    %roll3A_793 = arith.constant 1 : i32
    %roll3A_794 = tpu.dynamic_rotate %slice3A_792 by %roll3A_793 dim 1 : vector<32x8192xf32>, i32 -> vector<32x8192xf32>
    %jit3A_795 = arith.constant 0.000000e+00 : f32
    %broadcast_in_dim3A_796 = vector.broadcast %jit3A_795 : f32 to vector<32x8192xf32>
    %select_n3A_797 = arith.select %eq3A_791, %broadcast_in_dim3A_796, %roll3A_794 : vector<32x8192xi1>, vector<32x8192xf32>
    %add3A_798 = arith.addf %slice3A_788, %select_n3A_797 : vector<32x8192xf32>
    %eq3A_799 = arith.constant 8191 : i32
    %eq3A_800 = vector.broadcast %eq3A_799 : i32 to vector<32x8192xi32>
    %eq3A_801 = arith.cmpi eq, %iota3A_787, %eq3A_800 : vector<32x8192xi32>
    %slice3A_802 = vector.extract_strided_slice %dot_general3A_786 {offsets = [64, 0], sizes = [32, 8192], strides = [1, 1]} : vector<96x8192xf32> to vector<32x8192xf32>
    %roll3A_803 = arith.constant 8191 : i32
    %roll3A_804 = tpu.dynamic_rotate %slice3A_802 by %roll3A_803 dim 1 : vector<32x8192xf32>, i32 -> vector<32x8192xf32>
    %jit3A_805 = arith.constant 0.000000e+00 : f32
    %broadcast_in_dim3A_806 = vector.broadcast %jit3A_805 : f32 to vector<32x8192xf32>
    %select_n3A_807 = arith.select %eq3A_801, %broadcast_in_dim3A_806, %roll3A_804 : vector<32x8192xi1>, vector<32x8192xf32>
    %add3A_808 = arith.addf %add3A_798, %select_n3A_807 : vector<32x8192xf32>
    %get3A_809 = arith.constant 0 : index
    %get3A_810 = arith.constant 0 : index
    %get3A_811 = vector.load %arg6[%get3A_809, %get3A_810] : memref<32x1xf32, #tpu.memory_space<vmem>>, vector<32x1xf32>
    %add3A_812 = vector.broadcast %get3A_811 : vector<32x1xf32> to vector<32x8192xf32>
    %add3A_813 = arith.addf %add3A_808, %add3A_812 : vector<32x8192xf32>
    %max3A_814 = arith.constant 0.000000e+00 : f32
    %max3A_815 = vector.broadcast %max3A_814 : f32 to vector<32x8192xf32>
    %max3A_816 = arith.maximumf %add3A_813, %max3A_815 : vector<32x8192xf32>
    %get3A_817 = arith.constant 0 : index
    %get3A_818 = arith.constant 0 : index
    %get3A_819 = vector.load %arg7[%get3A_817, %get3A_818] : memref<1x32xf32, #tpu.memory_space<vmem>>, vector<1x32xf32>
    %dot_general3A_820 = arith.constant dense<0.000000e+00> : vector<1x8192xf32>
    %dot_general3A_821 = tpu.matmul %get3A_819, %max3A_816, %dot_general3A_820 {dimension_numbers = #tpu.dot_dimension_numbers<[1], [0], [0], [1], [0, 0, 1, 1], [], []>, transpose_lhs_hint = false} : vector<1x32xf32>, vector<32x8192xf32>, vector<1x8192xf32> -> vector<1x8192xf32>
    %get3A_822 = arith.constant 0 : index
    %get3A_823 = arith.constant 0 : index
    %get3A_824 = vector.load %arg8[%get3A_822, %get3A_823] : memref<1x1xf32, #tpu.memory_space<vmem>>, vector<1x1xf32>
    %add3A_825 = vector.broadcast %get3A_824 : vector<1x1xf32> to vector<1x8192xf32>
    %add3A_826 = arith.addf %dot_general3A_821, %add3A_825 : vector<1x8192xf32>
    %logistic3A_827 = arith.negf %add3A_826 : vector<1x8192xf32>
    %logistic3A_828 = math.exp %logistic3A_827 : vector<1x8192xf32>
    %logistic3A_829 = arith.constant 1.000000e+00 : f32
    %logistic3A_830 = vector.broadcast %logistic3A_829 : f32 to vector<1x8192xf32>
    %logistic3A_831 = arith.addf %logistic3A_830, %logistic3A_828 : vector<1x8192xf32>
    %logistic3A_832 = arith.divf %logistic3A_830, %logistic3A_831 : vector<1x8192xf32>
    %slice3A_833 = vector.extract_strided_slice %get3A_746 {offsets = [0, 3], sizes = [2, 8192], strides = [1, 1]} : vector<2x8196xf32> to vector<2x8192xf32>
    %slice3A_834 = vector.extract_strided_slice %get3A_746 {offsets = [0, 2], sizes = [2, 8192], strides = [1, 1]} : vector<2x8196xf32> to vector<2x8192xf32>
    %sub3A_835 = arith.subf %slice3A_833, %slice3A_834 : vector<2x8192xf32>
    %slice3A_836 = vector.extract_strided_slice %get3A_746 {offsets = [0, 2], sizes = [2, 8192], strides = [1, 1]} : vector<2x8196xf32> to vector<2x8192xf32>
    %slice3A_837 = vector.extract_strided_slice %get3A_746 {offsets = [0, 1], sizes = [2, 8192], strides = [1, 1]} : vector<2x8196xf32> to vector<2x8192xf32>
    %sub3A_838 = arith.subf %slice3A_836, %slice3A_837 : vector<2x8192xf32>
    %slice3A_839 = vector.extract_strided_slice %sub3A_835 {offsets = [0, 0], sizes = [1, 8192], strides = [1, 1]} : vector<2x8192xf32> to vector<1x8192xf32>
    %slice3A_840 = vector.extract_strided_slice %sub3A_838 {offsets = [1, 0], sizes = [1, 8192], strides = [1, 1]} : vector<2x8192xf32> to vector<1x8192xf32>
    %mul3A_841 = arith.mulf %slice3A_839, %slice3A_840 : vector<1x8192xf32>
    %slice3A_842 = vector.extract_strided_slice %sub3A_835 {offsets = [1, 0], sizes = [1, 8192], strides = [1, 1]} : vector<2x8192xf32> to vector<1x8192xf32>
    %slice3A_843 = vector.extract_strided_slice %sub3A_838 {offsets = [0, 0], sizes = [1, 8192], strides = [1, 1]} : vector<2x8192xf32> to vector<1x8192xf32>
    %mul3A_844 = arith.mulf %slice3A_842, %slice3A_843 : vector<1x8192xf32>
    %sub3A_845 = arith.subf %mul3A_841, %mul3A_844 : vector<1x8192xf32>
    %abs3A_846 = math.absf %sub3A_845 : vector<1x8192xf32>
    %mul3A_847 = arith.constant 3.000000e-01 : f32
    %mul3A_848 = vector.broadcast %mul3A_847 : f32 to vector<1x8192xf32>
    %mul3A_849 = arith.mulf %mul3A_848, %abs3A_846 : vector<1x8192xf32>
    %add3A_850 = arith.addf %logistic3A_832, %mul3A_849 : vector<1x8192xf32>
    %get3A_851 = arith.constant 8 : index
    %get3A_852 = arith.constant 0 : index
    %get3A_853 = arith.constant 0 : index
    %get3A_854 = vector.load %arg1[%get3A_851, %get3A_852, %get3A_853] : memref<16x2x8196xf32, #tpu.memory_space<vmem>>, vector<1x2x8196xf32>
    %get3A_855 = vector.shape_cast %get3A_854 : vector<1x2x8196xf32> to vector<2x8196xf32>
    %slice3A_856 = vector.extract_strided_slice %get3A_855 {offsets = [0, 2], sizes = [2, 8192], strides = [1, 1]} : vector<2x8196xf32> to vector<2x8192xf32>
    %reshape3A_857 = vector.shape_cast %slice3A_856 : vector<2x8192xf32> to vector<128x128xf32>
    %swap3A_858 = arith.constant 1024 : index
    %swap3A_859 = arith.constant 0 : index
    %swap3A_860 = vector.load %arg10[%swap3A_858, %swap3A_859] : memref<2048x128xf32, #tpu.memory_space<vmem>>, vector<128x128xf32>
    tpu.vector_store %arg10[%swap3A_858, %swap3A_859], %reshape3A_857 {strides = array<i32>} : memref<2048x128xf32, #tpu.memory_space<vmem>>, vector<128x128xf32>,
    %iota3A_861 = tpu.iota {dimensions = array<i32: 1>} : vector<2x8196xi32>
    %ge3A_862 = arith.constant 2 : i32
    %ge3A_863 = vector.broadcast %ge3A_862 : i32 to vector<2x8196xi32>
    %ge3A_864 = arith.cmpi sge, %iota3A_861, %ge3A_863 : vector<2x8196xi32>
    %lt3A_865 = arith.constant 8194 : i32
    %lt3A_866 = vector.broadcast %lt3A_865 : i32 to vector<2x8196xi32>
    %lt3A_867 = arith.cmpi slt, %iota3A_861, %lt3A_866 : vector<2x8196xi32>
    %and3A_868 = arith.andi %ge3A_864, %lt3A_867 : vector<2x8196xi1>
    %jit3A_869 = arith.constant 0.000000e+00 : f32
    %broadcast_in_dim3A_870 = vector.broadcast %jit3A_869 : f32 to vector<2x8196xf32>
    %select_n3A_871 = arith.select %and3A_868, %get3A_855, %broadcast_in_dim3A_870 : vector<2x8196xi1>, vector<2x8196xf32>
    %slice3A_872 = vector.extract_strided_slice %select_n3A_871 {offsets = [0, 0], sizes = [2, 8192], strides = [1, 1]} : vector<2x8196xf32> to vector<2x8192xf32>
    %slice3A_873 = vector.extract_strided_slice %select_n3A_871 {offsets = [0, 1], sizes = [2, 8192], strides = [1, 1]} : vector<2x8196xf32> to vector<2x8192xf32>
    %slice3A_874 = vector.extract_strided_slice %select_n3A_871 {offsets = [0, 2], sizes = [2, 8192], strides = [1, 1]} : vector<2x8196xf32> to vector<2x8192xf32>
    %slice3A_875 = vector.extract_strided_slice %select_n3A_871 {offsets = [0, 3], sizes = [2, 8192], strides = [1, 1]} : vector<2x8196xf32> to vector<2x8192xf32>
    %slice3A_876 = vector.extract_strided_slice %select_n3A_871 {offsets = [0, 4], sizes = [2, 8192], strides = [1, 1]} : vector<2x8196xf32> to vector<2x8192xf32>
    %concatenate3A_877 = tpu.concatenate %slice3A_872, %slice3A_873, %slice3A_874, %slice3A_875, %slice3A_876 in 0 : vector<2x8192xf32>, vector<2x8192xf32>, vector<2x8192xf32>, vector<2x8192xf32>, vector<2x8192xf32> -> vector<10x8192xf32>
    %get3A_878 = arith.constant 0 : index
    %get3A_879 = arith.constant 0 : index
    %get3A_880 = vector.load %arg3[%get3A_878, %get3A_879] : memref<64x10xf32, #tpu.memory_space<vmem>>, vector<64x10xf32>
    %dot_general3A_881 = arith.constant dense<0.000000e+00> : vector<64x8192xf32>
    %dot_general3A_882 = tpu.matmul %get3A_880, %concatenate3A_877, %dot_general3A_881 {dimension_numbers = #tpu.dot_dimension_numbers<[1], [0], [0], [1], [0, 0, 1, 1], [], []>, transpose_lhs_hint = false} : vector<64x10xf32>, vector<10x8192xf32>, vector<64x8192xf32> -> vector<64x8192xf32>
    %get3A_883 = arith.constant 0 : index
    %get3A_884 = arith.constant 0 : index
    %get3A_885 = vector.load %arg4[%get3A_883, %get3A_884] : memref<64x1xf32, #tpu.memory_space<vmem>>, vector<64x1xf32>
    %add3A_886 = vector.broadcast %get3A_885 : vector<64x1xf32> to vector<64x8192xf32>
    %add3A_887 = arith.addf %dot_general3A_882, %add3A_886 : vector<64x8192xf32>
    %max3A_888 = arith.constant 0.000000e+00 : f32
    %max3A_889 = vector.broadcast %max3A_888 : f32 to vector<64x8192xf32>
    %max3A_890 = arith.maximumf %add3A_887, %max3A_889 : vector<64x8192xf32>
    %get3A_891 = arith.constant 0 : index
    %get3A_892 = arith.constant 0 : index
    %get3A_893 = vector.load %arg5[%get3A_891, %get3A_892] : memref<96x64xf32, #tpu.memory_space<vmem>>, vector<96x64xf32>
    %dot_general3A_894 = arith.constant dense<0.000000e+00> : vector<96x8192xf32>
    %dot_general3A_895 = tpu.matmul %get3A_893, %max3A_890, %dot_general3A_894 {dimension_numbers = #tpu.dot_dimension_numbers<[1], [0], [0], [1], [0, 0, 1, 1], [], []>, transpose_lhs_hint = false} : vector<96x64xf32>, vector<64x8192xf32>, vector<96x8192xf32> -> vector<96x8192xf32>
    %iota3A_896 = tpu.iota {dimensions = array<i32: 1>} : vector<32x8192xi32>
    %slice3A_897 = vector.extract_strided_slice %dot_general3A_895 {offsets = [32, 0], sizes = [32, 8192], strides = [1, 1]} : vector<96x8192xf32> to vector<32x8192xf32>
    %eq3A_898 = arith.constant 0 : i32
    %eq3A_899 = vector.broadcast %eq3A_898 : i32 to vector<32x8192xi32>
    %eq3A_900 = arith.cmpi eq, %iota3A_896, %eq3A_899 : vector<32x8192xi32>
    %slice3A_901 = vector.extract_strided_slice %dot_general3A_895 {offsets = [0, 0], sizes = [32, 8192], strides = [1, 1]} : vector<96x8192xf32> to vector<32x8192xf32>
    %roll3A_902 = arith.constant 1 : i32
    %roll3A_903 = tpu.dynamic_rotate %slice3A_901 by %roll3A_902 dim 1 : vector<32x8192xf32>, i32 -> vector<32x8192xf32>
    %jit3A_904 = arith.constant 0.000000e+00 : f32
    %broadcast_in_dim3A_905 = vector.broadcast %jit3A_904 : f32 to vector<32x8192xf32>
    %select_n3A_906 = arith.select %eq3A_900, %broadcast_in_dim3A_905, %roll3A_903 : vector<32x8192xi1>, vector<32x8192xf32>
    %add3A_907 = arith.addf %slice3A_897, %select_n3A_906 : vector<32x8192xf32>
    %eq3A_908 = arith.constant 8191 : i32
    %eq3A_909 = vector.broadcast %eq3A_908 : i32 to vector<32x8192xi32>
    %eq3A_910 = arith.cmpi eq, %iota3A_896, %eq3A_909 : vector<32x8192xi32>
    %slice3A_911 = vector.extract_strided_slice %dot_general3A_895 {offsets = [64, 0], sizes = [32, 8192], strides = [1, 1]} : vector<96x8192xf32> to vector<32x8192xf32>
    %roll3A_912 = arith.constant 8191 : i32
    %roll3A_913 = tpu.dynamic_rotate %slice3A_911 by %roll3A_912 dim 1 : vector<32x8192xf32>, i32 -> vector<32x8192xf32>
    %jit3A_914 = arith.constant 0.000000e+00 : f32
    %broadcast_in_dim3A_915 = vector.broadcast %jit3A_914 : f32 to vector<32x8192xf32>
    %select_n3A_916 = arith.select %eq3A_910, %broadcast_in_dim3A_915, %roll3A_913 : vector<32x8192xi1>, vector<32x8192xf32>
    %add3A_917 = arith.addf %add3A_907, %select_n3A_916 : vector<32x8192xf32>
    %get3A_918 = arith.constant 0 : index
    %get3A_919 = arith.constant 0 : index
    %get3A_920 = vector.load %arg6[%get3A_918, %get3A_919] : memref<32x1xf32, #tpu.memory_space<vmem>>, vector<32x1xf32>
    %add3A_921 = vector.broadcast %get3A_920 : vector<32x1xf32> to vector<32x8192xf32>
    %add3A_922 = arith.addf %add3A_917, %add3A_921 : vector<32x8192xf32>
    %max3A_923 = arith.constant 0.000000e+00 : f32
    %max3A_924 = vector.broadcast %max3A_923 : f32 to vector<32x8192xf32>
    %max3A_925 = arith.maximumf %add3A_922, %max3A_924 : vector<32x8192xf32>
    %get3A_926 = arith.constant 0 : index
    %get3A_927 = arith.constant 0 : index
    %get3A_928 = vector.load %arg7[%get3A_926, %get3A_927] : memref<1x32xf32, #tpu.memory_space<vmem>>, vector<1x32xf32>
    %dot_general3A_929 = arith.constant dense<0.000000e+00> : vector<1x8192xf32>
    %dot_general3A_930 = tpu.matmul %get3A_928, %max3A_925, %dot_general3A_929 {dimension_numbers = #tpu.dot_dimension_numbers<[1], [0], [0], [1], [0, 0, 1, 1], [], []>, transpose_lhs_hint = false} : vector<1x32xf32>, vector<32x8192xf32>, vector<1x8192xf32> -> vector<1x8192xf32>
    %get3A_931 = arith.constant 0 : index
    %get3A_932 = arith.constant 0 : index
    %get3A_933 = vector.load %arg8[%get3A_931, %get3A_932] : memref<1x1xf32, #tpu.memory_space<vmem>>, vector<1x1xf32>
    %add3A_934 = vector.broadcast %get3A_933 : vector<1x1xf32> to vector<1x8192xf32>
    %add3A_935 = arith.addf %dot_general3A_930, %add3A_934 : vector<1x8192xf32>
    %logistic3A_936 = arith.negf %add3A_935 : vector<1x8192xf32>
    %logistic3A_937 = math.exp %logistic3A_936 : vector<1x8192xf32>
    %logistic3A_938 = arith.constant 1.000000e+00 : f32
    %logistic3A_939 = vector.broadcast %logistic3A_938 : f32 to vector<1x8192xf32>
    %logistic3A_940 = arith.addf %logistic3A_939, %logistic3A_937 : vector<1x8192xf32>
    %logistic3A_941 = arith.divf %logistic3A_939, %logistic3A_940 : vector<1x8192xf32>
    %slice3A_942 = vector.extract_strided_slice %get3A_855 {offsets = [0, 3], sizes = [2, 8192], strides = [1, 1]} : vector<2x8196xf32> to vector<2x8192xf32>
    %slice3A_943 = vector.extract_strided_slice %get3A_855 {offsets = [0, 2], sizes = [2, 8192], strides = [1, 1]} : vector<2x8196xf32> to vector<2x8192xf32>
    %sub3A_944 = arith.subf %slice3A_942, %slice3A_943 : vector<2x8192xf32>
    %slice3A_945 = vector.extract_strided_slice %get3A_855 {offsets = [0, 2], sizes = [2, 8192], strides = [1, 1]} : vector<2x8196xf32> to vector<2x8192xf32>
    %slice3A_946 = vector.extract_strided_slice %get3A_855 {offsets = [0, 1], sizes = [2, 8192], strides = [1, 1]} : vector<2x8196xf32> to vector<2x8192xf32>
    %sub3A_947 = arith.subf %slice3A_945, %slice3A_946 : vector<2x8192xf32>
    %slice3A_948 = vector.extract_strided_slice %sub3A_944 {offsets = [0, 0], sizes = [1, 8192], strides = [1, 1]} : vector<2x8192xf32> to vector<1x8192xf32>
    %slice3A_949 = vector.extract_strided_slice %sub3A_947 {offsets = [1, 0], sizes = [1, 8192], strides = [1, 1]} : vector<2x8192xf32> to vector<1x8192xf32>
    %mul3A_950 = arith.mulf %slice3A_948, %slice3A_949 : vector<1x8192xf32>
    %slice3A_951 = vector.extract_strided_slice %sub3A_944 {offsets = [1, 0], sizes = [1, 8192], strides = [1, 1]} : vector<2x8192xf32> to vector<1x8192xf32>
    %slice3A_952 = vector.extract_strided_slice %sub3A_947 {offsets = [0, 0], sizes = [1, 8192], strides = [1, 1]} : vector<2x8192xf32> to vector<1x8192xf32>
    %mul3A_953 = arith.mulf %slice3A_951, %slice3A_952 : vector<1x8192xf32>
    %sub3A_954 = arith.subf %mul3A_950, %mul3A_953 : vector<1x8192xf32>
    %abs3A_955 = math.absf %sub3A_954 : vector<1x8192xf32>
    %mul3A_956 = arith.constant 3.000000e-01 : f32
    %mul3A_957 = vector.broadcast %mul3A_956 : f32 to vector<1x8192xf32>
    %mul3A_958 = arith.mulf %mul3A_957, %abs3A_955 : vector<1x8192xf32>
    %add3A_959 = arith.addf %logistic3A_941, %mul3A_958 : vector<1x8192xf32>
    %get3A_960 = arith.constant 9 : index
    %get3A_961 = arith.constant 0 : index
    %get3A_962 = arith.constant 0 : index
    %get3A_963 = vector.load %arg1[%get3A_960, %get3A_961, %get3A_962] : memref<16x2x8196xf32, #tpu.memory_space<vmem>>, vector<1x2x8196xf32>
    %get3A_964 = vector.shape_cast %get3A_963 : vector<1x2x8196xf32> to vector<2x8196xf32>
    %slice3A_965 = vector.extract_strided_slice %get3A_964 {offsets = [0, 2], sizes = [2, 8192], strides = [1, 1]} : vector<2x8196xf32> to vector<2x8192xf32>
    %reshape3A_966 = vector.shape_cast %slice3A_965 : vector<2x8192xf32> to vector<128x128xf32>
    %swap3A_967 = arith.constant 1152 : index
    %swap3A_968 = arith.constant 0 : index
    %swap3A_969 = vector.load %arg10[%swap3A_967, %swap3A_968] : memref<2048x128xf32, #tpu.memory_space<vmem>>, vector<128x128xf32>
    tpu.vector_store %arg10[%swap3A_967, %swap3A_968], %reshape3A_966 {strides = array<i32>} : memref<2048x128xf32, #tpu.memory_space<vmem>>, vector<128x128xf32>,
    %iota3A_970 = tpu.iota {dimensions = array<i32: 1>} : vector<2x8196xi32>
    %ge3A_971 = arith.constant 2 : i32
    %ge3A_972 = vector.broadcast %ge3A_971 : i32 to vector<2x8196xi32>
    %ge3A_973 = arith.cmpi sge, %iota3A_970, %ge3A_972 : vector<2x8196xi32>
    %lt3A_974 = arith.constant 8194 : i32
    %lt3A_975 = vector.broadcast %lt3A_974 : i32 to vector<2x8196xi32>
    %lt3A_976 = arith.cmpi slt, %iota3A_970, %lt3A_975 : vector<2x8196xi32>
    %and3A_977 = arith.andi %ge3A_973, %lt3A_976 : vector<2x8196xi1>
    %jit3A_978 = arith.constant 0.000000e+00 : f32
    %broadcast_in_dim3A_979 = vector.broadcast %jit3A_978 : f32 to vector<2x8196xf32>
    %select_n3A_980 = arith.select %and3A_977, %get3A_964, %broadcast_in_dim3A_979 : vector<2x8196xi1>, vector<2x8196xf32>
    %slice3A_981 = vector.extract_strided_slice %select_n3A_980 {offsets = [0, 0], sizes = [2, 8192], strides = [1, 1]} : vector<2x8196xf32> to vector<2x8192xf32>
    %slice3A_982 = vector.extract_strided_slice %select_n3A_980 {offsets = [0, 1], sizes = [2, 8192], strides = [1, 1]} : vector<2x8196xf32> to vector<2x8192xf32>
    %slice3A_983 = vector.extract_strided_slice %select_n3A_980 {offsets = [0, 2], sizes = [2, 8192], strides = [1, 1]} : vector<2x8196xf32> to vector<2x8192xf32>
    %slice3A_984 = vector.extract_strided_slice %select_n3A_980 {offsets = [0, 3], sizes = [2, 8192], strides = [1, 1]} : vector<2x8196xf32> to vector<2x8192xf32>
    %slice3A_985 = vector.extract_strided_slice %select_n3A_980 {offsets = [0, 4], sizes = [2, 8192], strides = [1, 1]} : vector<2x8196xf32> to vector<2x8192xf32>
    %concatenate3A_986 = tpu.concatenate %slice3A_981, %slice3A_982, %slice3A_983, %slice3A_984, %slice3A_985 in 0 : vector<2x8192xf32>, vector<2x8192xf32>, vector<2x8192xf32>, vector<2x8192xf32>, vector<2x8192xf32> -> vector<10x8192xf32>
    %get3A_987 = arith.constant 0 : index
    %get3A_988 = arith.constant 0 : index
    %get3A_989 = vector.load %arg3[%get3A_987, %get3A_988] : memref<64x10xf32, #tpu.memory_space<vmem>>, vector<64x10xf32>
    %dot_general3A_990 = arith.constant dense<0.000000e+00> : vector<64x8192xf32>
    %dot_general3A_991 = tpu.matmul %get3A_989, %concatenate3A_986, %dot_general3A_990 {dimension_numbers = #tpu.dot_dimension_numbers<[1], [0], [0], [1], [0, 0, 1, 1], [], []>, transpose_lhs_hint = false} : vector<64x10xf32>, vector<10x8192xf32>, vector<64x8192xf32> -> vector<64x8192xf32>
    %get3A_992 = arith.constant 0 : index
    %get3A_993 = arith.constant 0 : index
    %get3A_994 = vector.load %arg4[%get3A_992, %get3A_993] : memref<64x1xf32, #tpu.memory_space<vmem>>, vector<64x1xf32>
    %add3A_995 = vector.broadcast %get3A_994 : vector<64x1xf32> to vector<64x8192xf32>
    %add3A_996 = arith.addf %dot_general3A_991, %add3A_995 : vector<64x8192xf32>
    %max3A_997 = arith.constant 0.000000e+00 : f32
    %max3A_998 = vector.broadcast %max3A_997 : f32 to vector<64x8192xf32>
    %max3A_999 = arith.maximumf %add3A_996, %max3A_998 : vector<64x8192xf32>
    %get3A_1000 = arith.constant 0 : index
    %get3A_1001 = arith.constant 0 : index
    %get3A_1002 = vector.load %arg5[%get3A_1000, %get3A_1001] : memref<96x64xf32, #tpu.memory_space<vmem>>, vector<96x64xf32>
    %dot_general3A_1003 = arith.constant dense<0.000000e+00> : vector<96x8192xf32>
    %dot_general3A_1004 = tpu.matmul %get3A_1002, %max3A_999, %dot_general3A_1003 {dimension_numbers = #tpu.dot_dimension_numbers<[1], [0], [0], [1], [0, 0, 1, 1], [], []>, transpose_lhs_hint = false} : vector<96x64xf32>, vector<64x8192xf32>, vector<96x8192xf32> -> vector<96x8192xf32>
    %iota3A_1005 = tpu.iota {dimensions = array<i32: 1>} : vector<32x8192xi32>
    %slice3A_1006 = vector.extract_strided_slice %dot_general3A_1004 {offsets = [32, 0], sizes = [32, 8192], strides = [1, 1]} : vector<96x8192xf32> to vector<32x8192xf32>
    %eq3A_1007 = arith.constant 0 : i32
    %eq3A_1008 = vector.broadcast %eq3A_1007 : i32 to vector<32x8192xi32>
    %eq3A_1009 = arith.cmpi eq, %iota3A_1005, %eq3A_1008 : vector<32x8192xi32>
    %slice3A_1010 = vector.extract_strided_slice %dot_general3A_1004 {offsets = [0, 0], sizes = [32, 8192], strides = [1, 1]} : vector<96x8192xf32> to vector<32x8192xf32>
    %roll3A_1011 = arith.constant 1 : i32
    %roll3A_1012 = tpu.dynamic_rotate %slice3A_1010 by %roll3A_1011 dim 1 : vector<32x8192xf32>, i32 -> vector<32x8192xf32>
    %jit3A_1013 = arith.constant 0.000000e+00 : f32
    %broadcast_in_dim3A_1014 = vector.broadcast %jit3A_1013 : f32 to vector<32x8192xf32>
    %select_n3A_1015 = arith.select %eq3A_1009, %broadcast_in_dim3A_1014, %roll3A_1012 : vector<32x8192xi1>, vector<32x8192xf32>
    %add3A_1016 = arith.addf %slice3A_1006, %select_n3A_1015 : vector<32x8192xf32>
    %eq3A_1017 = arith.constant 8191 : i32
    %eq3A_1018 = vector.broadcast %eq3A_1017 : i32 to vector<32x8192xi32>
    %eq3A_1019 = arith.cmpi eq, %iota3A_1005, %eq3A_1018 : vector<32x8192xi32>
    %slice3A_1020 = vector.extract_strided_slice %dot_general3A_1004 {offsets = [64, 0], sizes = [32, 8192], strides = [1, 1]} : vector<96x8192xf32> to vector<32x8192xf32>
    %roll3A_1021 = arith.constant 8191 : i32
    %roll3A_1022 = tpu.dynamic_rotate %slice3A_1020 by %roll3A_1021 dim 1 : vector<32x8192xf32>, i32 -> vector<32x8192xf32>
    %jit3A_1023 = arith.constant 0.000000e+00 : f32
    %broadcast_in_dim3A_1024 = vector.broadcast %jit3A_1023 : f32 to vector<32x8192xf32>
    %select_n3A_1025 = arith.select %eq3A_1019, %broadcast_in_dim3A_1024, %roll3A_1022 : vector<32x8192xi1>, vector<32x8192xf32>
    %add3A_1026 = arith.addf %add3A_1016, %select_n3A_1025 : vector<32x8192xf32>
    %get3A_1027 = arith.constant 0 : index
    %get3A_1028 = arith.constant 0 : index
    %get3A_1029 = vector.load %arg6[%get3A_1027, %get3A_1028] : memref<32x1xf32, #tpu.memory_space<vmem>>, vector<32x1xf32>
    %add3A_1030 = vector.broadcast %get3A_1029 : vector<32x1xf32> to vector<32x8192xf32>
    %add3A_1031 = arith.addf %add3A_1026, %add3A_1030 : vector<32x8192xf32>
    %max3A_1032 = arith.constant 0.000000e+00 : f32
    %max3A_1033 = vector.broadcast %max3A_1032 : f32 to vector<32x8192xf32>
    %max3A_1034 = arith.maximumf %add3A_1031, %max3A_1033 : vector<32x8192xf32>
    %get3A_1035 = arith.constant 0 : index
    %get3A_1036 = arith.constant 0 : index
    %get3A_1037 = vector.load %arg7[%get3A_1035, %get3A_1036] : memref<1x32xf32, #tpu.memory_space<vmem>>, vector<1x32xf32>
    %dot_general3A_1038 = arith.constant dense<0.000000e+00> : vector<1x8192xf32>
    %dot_general3A_1039 = tpu.matmul %get3A_1037, %max3A_1034, %dot_general3A_1038 {dimension_numbers = #tpu.dot_dimension_numbers<[1], [0], [0], [1], [0, 0, 1, 1], [], []>, transpose_lhs_hint = false} : vector<1x32xf32>, vector<32x8192xf32>, vector<1x8192xf32> -> vector<1x8192xf32>
    %get3A_1040 = arith.constant 0 : index
    %get3A_1041 = arith.constant 0 : index
    %get3A_1042 = vector.load %arg8[%get3A_1040, %get3A_1041] : memref<1x1xf32, #tpu.memory_space<vmem>>, vector<1x1xf32>
    %add3A_1043 = vector.broadcast %get3A_1042 : vector<1x1xf32> to vector<1x8192xf32>
    %add3A_1044 = arith.addf %dot_general3A_1039, %add3A_1043 : vector<1x8192xf32>
    %logistic3A_1045 = arith.negf %add3A_1044 : vector<1x8192xf32>
    %logistic3A_1046 = math.exp %logistic3A_1045 : vector<1x8192xf32>
    %logistic3A_1047 = arith.constant 1.000000e+00 : f32
    %logistic3A_1048 = vector.broadcast %logistic3A_1047 : f32 to vector<1x8192xf32>
    %logistic3A_1049 = arith.addf %logistic3A_1048, %logistic3A_1046 : vector<1x8192xf32>
    %logistic3A_1050 = arith.divf %logistic3A_1048, %logistic3A_1049 : vector<1x8192xf32>
    %slice3A_1051 = vector.extract_strided_slice %get3A_964 {offsets = [0, 3], sizes = [2, 8192], strides = [1, 1]} : vector<2x8196xf32> to vector<2x8192xf32>
    %slice3A_1052 = vector.extract_strided_slice %get3A_964 {offsets = [0, 2], sizes = [2, 8192], strides = [1, 1]} : vector<2x8196xf32> to vector<2x8192xf32>
    %sub3A_1053 = arith.subf %slice3A_1051, %slice3A_1052 : vector<2x8192xf32>
    %slice3A_1054 = vector.extract_strided_slice %get3A_964 {offsets = [0, 2], sizes = [2, 8192], strides = [1, 1]} : vector<2x8196xf32> to vector<2x8192xf32>
    %slice3A_1055 = vector.extract_strided_slice %get3A_964 {offsets = [0, 1], sizes = [2, 8192], strides = [1, 1]} : vector<2x8196xf32> to vector<2x8192xf32>
    %sub3A_1056 = arith.subf %slice3A_1054, %slice3A_1055 : vector<2x8192xf32>
    %slice3A_1057 = vector.extract_strided_slice %sub3A_1053 {offsets = [0, 0], sizes = [1, 8192], strides = [1, 1]} : vector<2x8192xf32> to vector<1x8192xf32>
    %slice3A_1058 = vector.extract_strided_slice %sub3A_1056 {offsets = [1, 0], sizes = [1, 8192], strides = [1, 1]} : vector<2x8192xf32> to vector<1x8192xf32>
    %mul3A_1059 = arith.mulf %slice3A_1057, %slice3A_1058 : vector<1x8192xf32>
    %slice3A_1060 = vector.extract_strided_slice %sub3A_1053 {offsets = [1, 0], sizes = [1, 8192], strides = [1, 1]} : vector<2x8192xf32> to vector<1x8192xf32>
    %slice3A_1061 = vector.extract_strided_slice %sub3A_1056 {offsets = [0, 0], sizes = [1, 8192], strides = [1, 1]} : vector<2x8192xf32> to vector<1x8192xf32>
    %mul3A_1062 = arith.mulf %slice3A_1060, %slice3A_1061 : vector<1x8192xf32>
    %sub3A_1063 = arith.subf %mul3A_1059, %mul3A_1062 : vector<1x8192xf32>
    %abs3A_1064 = math.absf %sub3A_1063 : vector<1x8192xf32>
    %mul3A_1065 = arith.constant 3.000000e-01 : f32
    %mul3A_1066 = vector.broadcast %mul3A_1065 : f32 to vector<1x8192xf32>
    %mul3A_1067 = arith.mulf %mul3A_1066, %abs3A_1064 : vector<1x8192xf32>
    %add3A_1068 = arith.addf %logistic3A_1050, %mul3A_1067 : vector<1x8192xf32>
    %get3A_1069 = arith.constant 10 : index
    %get3A_1070 = arith.constant 0 : index
    %get3A_1071 = arith.constant 0 : index
    %get3A_1072 = vector.load %arg1[%get3A_1069, %get3A_1070, %get3A_1071] : memref<16x2x8196xf32, #tpu.memory_space<vmem>>, vector<1x2x8196xf32>
    %get3A_1073 = vector.shape_cast %get3A_1072 : vector<1x2x8196xf32> to vector<2x8196xf32>
    %slice3A_1074 = vector.extract_strided_slice %get3A_1073 {offsets = [0, 2], sizes = [2, 8192], strides = [1, 1]} : vector<2x8196xf32> to vector<2x8192xf32>
    %reshape3A_1075 = vector.shape_cast %slice3A_1074 : vector<2x8192xf32> to vector<128x128xf32>
    %swap3A_1076 = arith.constant 1280 : index
    %swap3A_1077 = arith.constant 0 : index
    %swap3A_1078 = vector.load %arg10[%swap3A_1076, %swap3A_1077] : memref<2048x128xf32, #tpu.memory_space<vmem>>, vector<128x128xf32>
    tpu.vector_store %arg10[%swap3A_1076, %swap3A_1077], %reshape3A_1075 {strides = array<i32>} : memref<2048x128xf32, #tpu.memory_space<vmem>>, vector<128x128xf32>,
    %iota3A_1079 = tpu.iota {dimensions = array<i32: 1>} : vector<2x8196xi32>
    %ge3A_1080 = arith.constant 2 : i32
    %ge3A_1081 = vector.broadcast %ge3A_1080 : i32 to vector<2x8196xi32>
    %ge3A_1082 = arith.cmpi sge, %iota3A_1079, %ge3A_1081 : vector<2x8196xi32>
    %lt3A_1083 = arith.constant 8194 : i32
    %lt3A_1084 = vector.broadcast %lt3A_1083 : i32 to vector<2x8196xi32>
    %lt3A_1085 = arith.cmpi slt, %iota3A_1079, %lt3A_1084 : vector<2x8196xi32>
    %and3A_1086 = arith.andi %ge3A_1082, %lt3A_1085 : vector<2x8196xi1>
    %jit3A_1087 = arith.constant 0.000000e+00 : f32
    %broadcast_in_dim3A_1088 = vector.broadcast %jit3A_1087 : f32 to vector<2x8196xf32>
    %select_n3A_1089 = arith.select %and3A_1086, %get3A_1073, %broadcast_in_dim3A_1088 : vector<2x8196xi1>, vector<2x8196xf32>
    %slice3A_1090 = vector.extract_strided_slice %select_n3A_1089 {offsets = [0, 0], sizes = [2, 8192], strides = [1, 1]} : vector<2x8196xf32> to vector<2x8192xf32>
    %slice3A_1091 = vector.extract_strided_slice %select_n3A_1089 {offsets = [0, 1], sizes = [2, 8192], strides = [1, 1]} : vector<2x8196xf32> to vector<2x8192xf32>
    %slice3A_1092 = vector.extract_strided_slice %select_n3A_1089 {offsets = [0, 2], sizes = [2, 8192], strides = [1, 1]} : vector<2x8196xf32> to vector<2x8192xf32>
    %slice3A_1093 = vector.extract_strided_slice %select_n3A_1089 {offsets = [0, 3], sizes = [2, 8192], strides = [1, 1]} : vector<2x8196xf32> to vector<2x8192xf32>
    %slice3A_1094 = vector.extract_strided_slice %select_n3A_1089 {offsets = [0, 4], sizes = [2, 8192], strides = [1, 1]} : vector<2x8196xf32> to vector<2x8192xf32>
    %concatenate3A_1095 = tpu.concatenate %slice3A_1090, %slice3A_1091, %slice3A_1092, %slice3A_1093, %slice3A_1094 in 0 : vector<2x8192xf32>, vector<2x8192xf32>, vector<2x8192xf32>, vector<2x8192xf32>, vector<2x8192xf32> -> vector<10x8192xf32>
    %get3A_1096 = arith.constant 0 : index
    %get3A_1097 = arith.constant 0 : index
    %get3A_1098 = vector.load %arg3[%get3A_1096, %get3A_1097] : memref<64x10xf32, #tpu.memory_space<vmem>>, vector<64x10xf32>
    %dot_general3A_1099 = arith.constant dense<0.000000e+00> : vector<64x8192xf32>
    %dot_general3A_1100 = tpu.matmul %get3A_1098, %concatenate3A_1095, %dot_general3A_1099 {dimension_numbers = #tpu.dot_dimension_numbers<[1], [0], [0], [1], [0, 0, 1, 1], [], []>, transpose_lhs_hint = false} : vector<64x10xf32>, vector<10x8192xf32>, vector<64x8192xf32> -> vector<64x8192xf32>
    %get3A_1101 = arith.constant 0 : index
    %get3A_1102 = arith.constant 0 : index
    %get3A_1103 = vector.load %arg4[%get3A_1101, %get3A_1102] : memref<64x1xf32, #tpu.memory_space<vmem>>, vector<64x1xf32>
    %add3A_1104 = vector.broadcast %get3A_1103 : vector<64x1xf32> to vector<64x8192xf32>
    %add3A_1105 = arith.addf %dot_general3A_1100, %add3A_1104 : vector<64x8192xf32>
    %max3A_1106 = arith.constant 0.000000e+00 : f32
    %max3A_1107 = vector.broadcast %max3A_1106 : f32 to vector<64x8192xf32>
    %max3A_1108 = arith.maximumf %add3A_1105, %max3A_1107 : vector<64x8192xf32>
    %get3A_1109 = arith.constant 0 : index
    %get3A_1110 = arith.constant 0 : index
    %get3A_1111 = vector.load %arg5[%get3A_1109, %get3A_1110] : memref<96x64xf32, #tpu.memory_space<vmem>>, vector<96x64xf32>
    %dot_general3A_1112 = arith.constant dense<0.000000e+00> : vector<96x8192xf32>
    %dot_general3A_1113 = tpu.matmul %get3A_1111, %max3A_1108, %dot_general3A_1112 {dimension_numbers = #tpu.dot_dimension_numbers<[1], [0], [0], [1], [0, 0, 1, 1], [], []>, transpose_lhs_hint = false} : vector<96x64xf32>, vector<64x8192xf32>, vector<96x8192xf32> -> vector<96x8192xf32>
    %iota3A_1114 = tpu.iota {dimensions = array<i32: 1>} : vector<32x8192xi32>
    %slice3A_1115 = vector.extract_strided_slice %dot_general3A_1113 {offsets = [32, 0], sizes = [32, 8192], strides = [1, 1]} : vector<96x8192xf32> to vector<32x8192xf32>
    %eq3A_1116 = arith.constant 0 : i32
    %eq3A_1117 = vector.broadcast %eq3A_1116 : i32 to vector<32x8192xi32>
    %eq3A_1118 = arith.cmpi eq, %iota3A_1114, %eq3A_1117 : vector<32x8192xi32>
    %slice3A_1119 = vector.extract_strided_slice %dot_general3A_1113 {offsets = [0, 0], sizes = [32, 8192], strides = [1, 1]} : vector<96x8192xf32> to vector<32x8192xf32>
    %roll3A_1120 = arith.constant 1 : i32
    %roll3A_1121 = tpu.dynamic_rotate %slice3A_1119 by %roll3A_1120 dim 1 : vector<32x8192xf32>, i32 -> vector<32x8192xf32>
    %jit3A_1122 = arith.constant 0.000000e+00 : f32
    %broadcast_in_dim3A_1123 = vector.broadcast %jit3A_1122 : f32 to vector<32x8192xf32>
    %select_n3A_1124 = arith.select %eq3A_1118, %broadcast_in_dim3A_1123, %roll3A_1121 : vector<32x8192xi1>, vector<32x8192xf32>
    %add3A_1125 = arith.addf %slice3A_1115, %select_n3A_1124 : vector<32x8192xf32>
    %eq3A_1126 = arith.constant 8191 : i32
    %eq3A_1127 = vector.broadcast %eq3A_1126 : i32 to vector<32x8192xi32>
    %eq3A_1128 = arith.cmpi eq, %iota3A_1114, %eq3A_1127 : vector<32x8192xi32>
    %slice3A_1129 = vector.extract_strided_slice %dot_general3A_1113 {offsets = [64, 0], sizes = [32, 8192], strides = [1, 1]} : vector<96x8192xf32> to vector<32x8192xf32>
    %roll3A_1130 = arith.constant 8191 : i32
    %roll3A_1131 = tpu.dynamic_rotate %slice3A_1129 by %roll3A_1130 dim 1 : vector<32x8192xf32>, i32 -> vector<32x8192xf32>
    %jit3A_1132 = arith.constant 0.000000e+00 : f32
    %broadcast_in_dim3A_1133 = vector.broadcast %jit3A_1132 : f32 to vector<32x8192xf32>
    %select_n3A_1134 = arith.select %eq3A_1128, %broadcast_in_dim3A_1133, %roll3A_1131 : vector<32x8192xi1>, vector<32x8192xf32>
    %add3A_1135 = arith.addf %add3A_1125, %select_n3A_1134 : vector<32x8192xf32>
    %get3A_1136 = arith.constant 0 : index
    %get3A_1137 = arith.constant 0 : index
    %get3A_1138 = vector.load %arg6[%get3A_1136, %get3A_1137] : memref<32x1xf32, #tpu.memory_space<vmem>>, vector<32x1xf32>
    %add3A_1139 = vector.broadcast %get3A_1138 : vector<32x1xf32> to vector<32x8192xf32>
    %add3A_1140 = arith.addf %add3A_1135, %add3A_1139 : vector<32x8192xf32>
    %max3A_1141 = arith.constant 0.000000e+00 : f32
    %max3A_1142 = vector.broadcast %max3A_1141 : f32 to vector<32x8192xf32>
    %max3A_1143 = arith.maximumf %add3A_1140, %max3A_1142 : vector<32x8192xf32>
    %get3A_1144 = arith.constant 0 : index
    %get3A_1145 = arith.constant 0 : index
    %get3A_1146 = vector.load %arg7[%get3A_1144, %get3A_1145] : memref<1x32xf32, #tpu.memory_space<vmem>>, vector<1x32xf32>
    %dot_general3A_1147 = arith.constant dense<0.000000e+00> : vector<1x8192xf32>
    %dot_general3A_1148 = tpu.matmul %get3A_1146, %max3A_1143, %dot_general3A_1147 {dimension_numbers = #tpu.dot_dimension_numbers<[1], [0], [0], [1], [0, 0, 1, 1], [], []>, transpose_lhs_hint = false} : vector<1x32xf32>, vector<32x8192xf32>, vector<1x8192xf32> -> vector<1x8192xf32>
    %get3A_1149 = arith.constant 0 : index
    %get3A_1150 = arith.constant 0 : index
    %get3A_1151 = vector.load %arg8[%get3A_1149, %get3A_1150] : memref<1x1xf32, #tpu.memory_space<vmem>>, vector<1x1xf32>
    %add3A_1152 = vector.broadcast %get3A_1151 : vector<1x1xf32> to vector<1x8192xf32>
    %add3A_1153 = arith.addf %dot_general3A_1148, %add3A_1152 : vector<1x8192xf32>
    %logistic3A_1154 = arith.negf %add3A_1153 : vector<1x8192xf32>
    %logistic3A_1155 = math.exp %logistic3A_1154 : vector<1x8192xf32>
    %logistic3A_1156 = arith.constant 1.000000e+00 : f32
    %logistic3A_1157 = vector.broadcast %logistic3A_1156 : f32 to vector<1x8192xf32>
    %logistic3A_1158 = arith.addf %logistic3A_1157, %logistic3A_1155 : vector<1x8192xf32>
    %logistic3A_1159 = arith.divf %logistic3A_1157, %logistic3A_1158 : vector<1x8192xf32>
    %slice3A_1160 = vector.extract_strided_slice %get3A_1073 {offsets = [0, 3], sizes = [2, 8192], strides = [1, 1]} : vector<2x8196xf32> to vector<2x8192xf32>
    %slice3A_1161 = vector.extract_strided_slice %get3A_1073 {offsets = [0, 2], sizes = [2, 8192], strides = [1, 1]} : vector<2x8196xf32> to vector<2x8192xf32>
    %sub3A_1162 = arith.subf %slice3A_1160, %slice3A_1161 : vector<2x8192xf32>
    %slice3A_1163 = vector.extract_strided_slice %get3A_1073 {offsets = [0, 2], sizes = [2, 8192], strides = [1, 1]} : vector<2x8196xf32> to vector<2x8192xf32>
    %slice3A_1164 = vector.extract_strided_slice %get3A_1073 {offsets = [0, 1], sizes = [2, 8192], strides = [1, 1]} : vector<2x8196xf32> to vector<2x8192xf32>
    %sub3A_1165 = arith.subf %slice3A_1163, %slice3A_1164 : vector<2x8192xf32>
    %slice3A_1166 = vector.extract_strided_slice %sub3A_1162 {offsets = [0, 0], sizes = [1, 8192], strides = [1, 1]} : vector<2x8192xf32> to vector<1x8192xf32>
    %slice3A_1167 = vector.extract_strided_slice %sub3A_1165 {offsets = [1, 0], sizes = [1, 8192], strides = [1, 1]} : vector<2x8192xf32> to vector<1x8192xf32>
    %mul3A_1168 = arith.mulf %slice3A_1166, %slice3A_1167 : vector<1x8192xf32>
    %slice3A_1169 = vector.extract_strided_slice %sub3A_1162 {offsets = [1, 0], sizes = [1, 8192], strides = [1, 1]} : vector<2x8192xf32> to vector<1x8192xf32>
    %slice3A_1170 = vector.extract_strided_slice %sub3A_1165 {offsets = [0, 0], sizes = [1, 8192], strides = [1, 1]} : vector<2x8192xf32> to vector<1x8192xf32>
    %mul3A_1171 = arith.mulf %slice3A_1169, %slice3A_1170 : vector<1x8192xf32>
    %sub3A_1172 = arith.subf %mul3A_1168, %mul3A_1171 : vector<1x8192xf32>
    %abs3A_1173 = math.absf %sub3A_1172 : vector<1x8192xf32>
    %mul3A_1174 = arith.constant 3.000000e-01 : f32
    %mul3A_1175 = vector.broadcast %mul3A_1174 : f32 to vector<1x8192xf32>
    %mul3A_1176 = arith.mulf %mul3A_1175, %abs3A_1173 : vector<1x8192xf32>
    %add3A_1177 = arith.addf %logistic3A_1159, %mul3A_1176 : vector<1x8192xf32>
    %get3A_1178 = arith.constant 11 : index
    %get3A_1179 = arith.constant 0 : index
    %get3A_1180 = arith.constant 0 : index
    %get3A_1181 = vector.load %arg1[%get3A_1178, %get3A_1179, %get3A_1180] : memref<16x2x8196xf32, #tpu.memory_space<vmem>>, vector<1x2x8196xf32>
    %get3A_1182 = vector.shape_cast %get3A_1181 : vector<1x2x8196xf32> to vector<2x8196xf32>
    %slice3A_1183 = vector.extract_strided_slice %get3A_1182 {offsets = [0, 2], sizes = [2, 8192], strides = [1, 1]} : vector<2x8196xf32> to vector<2x8192xf32>
    %reshape3A_1184 = vector.shape_cast %slice3A_1183 : vector<2x8192xf32> to vector<128x128xf32>
    %swap3A_1185 = arith.constant 1408 : index
    %swap3A_1186 = arith.constant 0 : index
    %swap3A_1187 = vector.load %arg10[%swap3A_1185, %swap3A_1186] : memref<2048x128xf32, #tpu.memory_space<vmem>>, vector<128x128xf32>
    tpu.vector_store %arg10[%swap3A_1185, %swap3A_1186], %reshape3A_1184 {strides = array<i32>} : memref<2048x128xf32, #tpu.memory_space<vmem>>, vector<128x128xf32>,
    %iota3A_1188 = tpu.iota {dimensions = array<i32: 1>} : vector<2x8196xi32>
    %ge3A_1189 = arith.constant 2 : i32
    %ge3A_1190 = vector.broadcast %ge3A_1189 : i32 to vector<2x8196xi32>
    %ge3A_1191 = arith.cmpi sge, %iota3A_1188, %ge3A_1190 : vector<2x8196xi32>
    %lt3A_1192 = arith.constant 8194 : i32
    %lt3A_1193 = vector.broadcast %lt3A_1192 : i32 to vector<2x8196xi32>
    %lt3A_1194 = arith.cmpi slt, %iota3A_1188, %lt3A_1193 : vector<2x8196xi32>
    %and3A_1195 = arith.andi %ge3A_1191, %lt3A_1194 : vector<2x8196xi1>
    %jit3A_1196 = arith.constant 0.000000e+00 : f32
    %broadcast_in_dim3A_1197 = vector.broadcast %jit3A_1196 : f32 to vector<2x8196xf32>
    %select_n3A_1198 = arith.select %and3A_1195, %get3A_1182, %broadcast_in_dim3A_1197 : vector<2x8196xi1>, vector<2x8196xf32>
    %slice3A_1199 = vector.extract_strided_slice %select_n3A_1198 {offsets = [0, 0], sizes = [2, 8192], strides = [1, 1]} : vector<2x8196xf32> to vector<2x8192xf32>
    %slice3A_1200 = vector.extract_strided_slice %select_n3A_1198 {offsets = [0, 1], sizes = [2, 8192], strides = [1, 1]} : vector<2x8196xf32> to vector<2x8192xf32>
    %slice3A_1201 = vector.extract_strided_slice %select_n3A_1198 {offsets = [0, 2], sizes = [2, 8192], strides = [1, 1]} : vector<2x8196xf32> to vector<2x8192xf32>
    %slice3A_1202 = vector.extract_strided_slice %select_n3A_1198 {offsets = [0, 3], sizes = [2, 8192], strides = [1, 1]} : vector<2x8196xf32> to vector<2x8192xf32>
    %slice3A_1203 = vector.extract_strided_slice %select_n3A_1198 {offsets = [0, 4], sizes = [2, 8192], strides = [1, 1]} : vector<2x8196xf32> to vector<2x8192xf32>
    %concatenate3A_1204 = tpu.concatenate %slice3A_1199, %slice3A_1200, %slice3A_1201, %slice3A_1202, %slice3A_1203 in 0 : vector<2x8192xf32>, vector<2x8192xf32>, vector<2x8192xf32>, vector<2x8192xf32>, vector<2x8192xf32> -> vector<10x8192xf32>
    %get3A_1205 = arith.constant 0 : index
    %get3A_1206 = arith.constant 0 : index
    %get3A_1207 = vector.load %arg3[%get3A_1205, %get3A_1206] : memref<64x10xf32, #tpu.memory_space<vmem>>, vector<64x10xf32>
    %dot_general3A_1208 = arith.constant dense<0.000000e+00> : vector<64x8192xf32>
    %dot_general3A_1209 = tpu.matmul %get3A_1207, %concatenate3A_1204, %dot_general3A_1208 {dimension_numbers = #tpu.dot_dimension_numbers<[1], [0], [0], [1], [0, 0, 1, 1], [], []>, transpose_lhs_hint = false} : vector<64x10xf32>, vector<10x8192xf32>, vector<64x8192xf32> -> vector<64x8192xf32>
    %get3A_1210 = arith.constant 0 : index
    %get3A_1211 = arith.constant 0 : index
    %get3A_1212 = vector.load %arg4[%get3A_1210, %get3A_1211] : memref<64x1xf32, #tpu.memory_space<vmem>>, vector<64x1xf32>
    %add3A_1213 = vector.broadcast %get3A_1212 : vector<64x1xf32> to vector<64x8192xf32>
    %add3A_1214 = arith.addf %dot_general3A_1209, %add3A_1213 : vector<64x8192xf32>
    %max3A_1215 = arith.constant 0.000000e+00 : f32
    %max3A_1216 = vector.broadcast %max3A_1215 : f32 to vector<64x8192xf32>
    %max3A_1217 = arith.maximumf %add3A_1214, %max3A_1216 : vector<64x8192xf32>
    %get3A_1218 = arith.constant 0 : index
    %get3A_1219 = arith.constant 0 : index
    %get3A_1220 = vector.load %arg5[%get3A_1218, %get3A_1219] : memref<96x64xf32, #tpu.memory_space<vmem>>, vector<96x64xf32>
    %dot_general3A_1221 = arith.constant dense<0.000000e+00> : vector<96x8192xf32>
    %dot_general3A_1222 = tpu.matmul %get3A_1220, %max3A_1217, %dot_general3A_1221 {dimension_numbers = #tpu.dot_dimension_numbers<[1], [0], [0], [1], [0, 0, 1, 1], [], []>, transpose_lhs_hint = false} : vector<96x64xf32>, vector<64x8192xf32>, vector<96x8192xf32> -> vector<96x8192xf32>
    %iota3A_1223 = tpu.iota {dimensions = array<i32: 1>} : vector<32x8192xi32>
    %slice3A_1224 = vector.extract_strided_slice %dot_general3A_1222 {offsets = [32, 0], sizes = [32, 8192], strides = [1, 1]} : vector<96x8192xf32> to vector<32x8192xf32>
    %eq3A_1225 = arith.constant 0 : i32
    %eq3A_1226 = vector.broadcast %eq3A_1225 : i32 to vector<32x8192xi32>
    %eq3A_1227 = arith.cmpi eq, %iota3A_1223, %eq3A_1226 : vector<32x8192xi32>
    %slice3A_1228 = vector.extract_strided_slice %dot_general3A_1222 {offsets = [0, 0], sizes = [32, 8192], strides = [1, 1]} : vector<96x8192xf32> to vector<32x8192xf32>
    %roll3A_1229 = arith.constant 1 : i32
    %roll3A_1230 = tpu.dynamic_rotate %slice3A_1228 by %roll3A_1229 dim 1 : vector<32x8192xf32>, i32 -> vector<32x8192xf32>
    %jit3A_1231 = arith.constant 0.000000e+00 : f32
    %broadcast_in_dim3A_1232 = vector.broadcast %jit3A_1231 : f32 to vector<32x8192xf32>
    %select_n3A_1233 = arith.select %eq3A_1227, %broadcast_in_dim3A_1232, %roll3A_1230 : vector<32x8192xi1>, vector<32x8192xf32>
    %add3A_1234 = arith.addf %slice3A_1224, %select_n3A_1233 : vector<32x8192xf32>
    %eq3A_1235 = arith.constant 8191 : i32
    %eq3A_1236 = vector.broadcast %eq3A_1235 : i32 to vector<32x8192xi32>
    %eq3A_1237 = arith.cmpi eq, %iota3A_1223, %eq3A_1236 : vector<32x8192xi32>
    %slice3A_1238 = vector.extract_strided_slice %dot_general3A_1222 {offsets = [64, 0], sizes = [32, 8192], strides = [1, 1]} : vector<96x8192xf32> to vector<32x8192xf32>
    %roll3A_1239 = arith.constant 8191 : i32
    %roll3A_1240 = tpu.dynamic_rotate %slice3A_1238 by %roll3A_1239 dim 1 : vector<32x8192xf32>, i32 -> vector<32x8192xf32>
    %jit3A_1241 = arith.constant 0.000000e+00 : f32
    %broadcast_in_dim3A_1242 = vector.broadcast %jit3A_1241 : f32 to vector<32x8192xf32>
    %select_n3A_1243 = arith.select %eq3A_1237, %broadcast_in_dim3A_1242, %roll3A_1240 : vector<32x8192xi1>, vector<32x8192xf32>
    %add3A_1244 = arith.addf %add3A_1234, %select_n3A_1243 : vector<32x8192xf32>
    %get3A_1245 = arith.constant 0 : index
    %get3A_1246 = arith.constant 0 : index
    %get3A_1247 = vector.load %arg6[%get3A_1245, %get3A_1246] : memref<32x1xf32, #tpu.memory_space<vmem>>, vector<32x1xf32>
    %add3A_1248 = vector.broadcast %get3A_1247 : vector<32x1xf32> to vector<32x8192xf32>
    %add3A_1249 = arith.addf %add3A_1244, %add3A_1248 : vector<32x8192xf32>
    %max3A_1250 = arith.constant 0.000000e+00 : f32
    %max3A_1251 = vector.broadcast %max3A_1250 : f32 to vector<32x8192xf32>
    %max3A_1252 = arith.maximumf %add3A_1249, %max3A_1251 : vector<32x8192xf32>
    %get3A_1253 = arith.constant 0 : index
    %get3A_1254 = arith.constant 0 : index
    %get3A_1255 = vector.load %arg7[%get3A_1253, %get3A_1254] : memref<1x32xf32, #tpu.memory_space<vmem>>, vector<1x32xf32>
    %dot_general3A_1256 = arith.constant dense<0.000000e+00> : vector<1x8192xf32>
    %dot_general3A_1257 = tpu.matmul %get3A_1255, %max3A_1252, %dot_general3A_1256 {dimension_numbers = #tpu.dot_dimension_numbers<[1], [0], [0], [1], [0, 0, 1, 1], [], []>, transpose_lhs_hint = false} : vector<1x32xf32>, vector<32x8192xf32>, vector<1x8192xf32> -> vector<1x8192xf32>
    %get3A_1258 = arith.constant 0 : index
    %get3A_1259 = arith.constant 0 : index
    %get3A_1260 = vector.load %arg8[%get3A_1258, %get3A_1259] : memref<1x1xf32, #tpu.memory_space<vmem>>, vector<1x1xf32>
    %add3A_1261 = vector.broadcast %get3A_1260 : vector<1x1xf32> to vector<1x8192xf32>
    %add3A_1262 = arith.addf %dot_general3A_1257, %add3A_1261 : vector<1x8192xf32>
    %logistic3A_1263 = arith.negf %add3A_1262 : vector<1x8192xf32>
    %logistic3A_1264 = math.exp %logistic3A_1263 : vector<1x8192xf32>
    %logistic3A_1265 = arith.constant 1.000000e+00 : f32
    %logistic3A_1266 = vector.broadcast %logistic3A_1265 : f32 to vector<1x8192xf32>
    %logistic3A_1267 = arith.addf %logistic3A_1266, %logistic3A_1264 : vector<1x8192xf32>
    %logistic3A_1268 = arith.divf %logistic3A_1266, %logistic3A_1267 : vector<1x8192xf32>
    %slice3A_1269 = vector.extract_strided_slice %get3A_1182 {offsets = [0, 3], sizes = [2, 8192], strides = [1, 1]} : vector<2x8196xf32> to vector<2x8192xf32>
    %slice3A_1270 = vector.extract_strided_slice %get3A_1182 {offsets = [0, 2], sizes = [2, 8192], strides = [1, 1]} : vector<2x8196xf32> to vector<2x8192xf32>
    %sub3A_1271 = arith.subf %slice3A_1269, %slice3A_1270 : vector<2x8192xf32>
    %slice3A_1272 = vector.extract_strided_slice %get3A_1182 {offsets = [0, 2], sizes = [2, 8192], strides = [1, 1]} : vector<2x8196xf32> to vector<2x8192xf32>
    %slice3A_1273 = vector.extract_strided_slice %get3A_1182 {offsets = [0, 1], sizes = [2, 8192], strides = [1, 1]} : vector<2x8196xf32> to vector<2x8192xf32>
    %sub3A_1274 = arith.subf %slice3A_1272, %slice3A_1273 : vector<2x8192xf32>
    %slice3A_1275 = vector.extract_strided_slice %sub3A_1271 {offsets = [0, 0], sizes = [1, 8192], strides = [1, 1]} : vector<2x8192xf32> to vector<1x8192xf32>
    %slice3A_1276 = vector.extract_strided_slice %sub3A_1274 {offsets = [1, 0], sizes = [1, 8192], strides = [1, 1]} : vector<2x8192xf32> to vector<1x8192xf32>
    %mul3A_1277 = arith.mulf %slice3A_1275, %slice3A_1276 : vector<1x8192xf32>
    %slice3A_1278 = vector.extract_strided_slice %sub3A_1271 {offsets = [1, 0], sizes = [1, 8192], strides = [1, 1]} : vector<2x8192xf32> to vector<1x8192xf32>
    %slice3A_1279 = vector.extract_strided_slice %sub3A_1274 {offsets = [0, 0], sizes = [1, 8192], strides = [1, 1]} : vector<2x8192xf32> to vector<1x8192xf32>
    %mul3A_1280 = arith.mulf %slice3A_1278, %slice3A_1279 : vector<1x8192xf32>
    %sub3A_1281 = arith.subf %mul3A_1277, %mul3A_1280 : vector<1x8192xf32>
    %abs3A_1282 = math.absf %sub3A_1281 : vector<1x8192xf32>
    %mul3A_1283 = arith.constant 3.000000e-01 : f32
    %mul3A_1284 = vector.broadcast %mul3A_1283 : f32 to vector<1x8192xf32>
    %mul3A_1285 = arith.mulf %mul3A_1284, %abs3A_1282 : vector<1x8192xf32>
    %add3A_1286 = arith.addf %logistic3A_1268, %mul3A_1285 : vector<1x8192xf32>
    %get3A_1287 = arith.constant 12 : index
    %get3A_1288 = arith.constant 0 : index
    %get3A_1289 = arith.constant 0 : index
    %get3A_1290 = vector.load %arg1[%get3A_1287, %get3A_1288, %get3A_1289] : memref<16x2x8196xf32, #tpu.memory_space<vmem>>, vector<1x2x8196xf32>
    %get3A_1291 = vector.shape_cast %get3A_1290 : vector<1x2x8196xf32> to vector<2x8196xf32>
    %slice3A_1292 = vector.extract_strided_slice %get3A_1291 {offsets = [0, 2], sizes = [2, 8192], strides = [1, 1]} : vector<2x8196xf32> to vector<2x8192xf32>
    %reshape3A_1293 = vector.shape_cast %slice3A_1292 : vector<2x8192xf32> to vector<128x128xf32>
    %swap3A_1294 = arith.constant 1536 : index
    %swap3A_1295 = arith.constant 0 : index
    %swap3A_1296 = vector.load %arg10[%swap3A_1294, %swap3A_1295] : memref<2048x128xf32, #tpu.memory_space<vmem>>, vector<128x128xf32>
    tpu.vector_store %arg10[%swap3A_1294, %swap3A_1295], %reshape3A_1293 {strides = array<i32>} : memref<2048x128xf32, #tpu.memory_space<vmem>>, vector<128x128xf32>,
    %iota3A_1297 = tpu.iota {dimensions = array<i32: 1>} : vector<2x8196xi32>
    %ge3A_1298 = arith.constant 2 : i32
    %ge3A_1299 = vector.broadcast %ge3A_1298 : i32 to vector<2x8196xi32>
    %ge3A_1300 = arith.cmpi sge, %iota3A_1297, %ge3A_1299 : vector<2x8196xi32>
    %lt3A_1301 = arith.constant 8194 : i32
    %lt3A_1302 = vector.broadcast %lt3A_1301 : i32 to vector<2x8196xi32>
    %lt3A_1303 = arith.cmpi slt, %iota3A_1297, %lt3A_1302 : vector<2x8196xi32>
    %and3A_1304 = arith.andi %ge3A_1300, %lt3A_1303 : vector<2x8196xi1>
    %jit3A_1305 = arith.constant 0.000000e+00 : f32
    %broadcast_in_dim3A_1306 = vector.broadcast %jit3A_1305 : f32 to vector<2x8196xf32>
    %select_n3A_1307 = arith.select %and3A_1304, %get3A_1291, %broadcast_in_dim3A_1306 : vector<2x8196xi1>, vector<2x8196xf32>
    %slice3A_1308 = vector.extract_strided_slice %select_n3A_1307 {offsets = [0, 0], sizes = [2, 8192], strides = [1, 1]} : vector<2x8196xf32> to vector<2x8192xf32>
    %slice3A_1309 = vector.extract_strided_slice %select_n3A_1307 {offsets = [0, 1], sizes = [2, 8192], strides = [1, 1]} : vector<2x8196xf32> to vector<2x8192xf32>
    %slice3A_1310 = vector.extract_strided_slice %select_n3A_1307 {offsets = [0, 2], sizes = [2, 8192], strides = [1, 1]} : vector<2x8196xf32> to vector<2x8192xf32>
    %slice3A_1311 = vector.extract_strided_slice %select_n3A_1307 {offsets = [0, 3], sizes = [2, 8192], strides = [1, 1]} : vector<2x8196xf32> to vector<2x8192xf32>
    %slice3A_1312 = vector.extract_strided_slice %select_n3A_1307 {offsets = [0, 4], sizes = [2, 8192], strides = [1, 1]} : vector<2x8196xf32> to vector<2x8192xf32>
    %concatenate3A_1313 = tpu.concatenate %slice3A_1308, %slice3A_1309, %slice3A_1310, %slice3A_1311, %slice3A_1312 in 0 : vector<2x8192xf32>, vector<2x8192xf32>, vector<2x8192xf32>, vector<2x8192xf32>, vector<2x8192xf32> -> vector<10x8192xf32>
    %get3A_1314 = arith.constant 0 : index
    %get3A_1315 = arith.constant 0 : index
    %get3A_1316 = vector.load %arg3[%get3A_1314, %get3A_1315] : memref<64x10xf32, #tpu.memory_space<vmem>>, vector<64x10xf32>
    %dot_general3A_1317 = arith.constant dense<0.000000e+00> : vector<64x8192xf32>
    %dot_general3A_1318 = tpu.matmul %get3A_1316, %concatenate3A_1313, %dot_general3A_1317 {dimension_numbers = #tpu.dot_dimension_numbers<[1], [0], [0], [1], [0, 0, 1, 1], [], []>, transpose_lhs_hint = false} : vector<64x10xf32>, vector<10x8192xf32>, vector<64x8192xf32> -> vector<64x8192xf32>
    %get3A_1319 = arith.constant 0 : index
    %get3A_1320 = arith.constant 0 : index
    %get3A_1321 = vector.load %arg4[%get3A_1319, %get3A_1320] : memref<64x1xf32, #tpu.memory_space<vmem>>, vector<64x1xf32>
    %add3A_1322 = vector.broadcast %get3A_1321 : vector<64x1xf32> to vector<64x8192xf32>
    %add3A_1323 = arith.addf %dot_general3A_1318, %add3A_1322 : vector<64x8192xf32>
    %max3A_1324 = arith.constant 0.000000e+00 : f32
    %max3A_1325 = vector.broadcast %max3A_1324 : f32 to vector<64x8192xf32>
    %max3A_1326 = arith.maximumf %add3A_1323, %max3A_1325 : vector<64x8192xf32>
    %get3A_1327 = arith.constant 0 : index
    %get3A_1328 = arith.constant 0 : index
    %get3A_1329 = vector.load %arg5[%get3A_1327, %get3A_1328] : memref<96x64xf32, #tpu.memory_space<vmem>>, vector<96x64xf32>
    %dot_general3A_1330 = arith.constant dense<0.000000e+00> : vector<96x8192xf32>
    %dot_general3A_1331 = tpu.matmul %get3A_1329, %max3A_1326, %dot_general3A_1330 {dimension_numbers = #tpu.dot_dimension_numbers<[1], [0], [0], [1], [0, 0, 1, 1], [], []>, transpose_lhs_hint = false} : vector<96x64xf32>, vector<64x8192xf32>, vector<96x8192xf32> -> vector<96x8192xf32>
    %iota3A_1332 = tpu.iota {dimensions = array<i32: 1>} : vector<32x8192xi32>
    %slice3A_1333 = vector.extract_strided_slice %dot_general3A_1331 {offsets = [32, 0], sizes = [32, 8192], strides = [1, 1]} : vector<96x8192xf32> to vector<32x8192xf32>
    %eq3A_1334 = arith.constant 0 : i32
    %eq3A_1335 = vector.broadcast %eq3A_1334 : i32 to vector<32x8192xi32>
    %eq3A_1336 = arith.cmpi eq, %iota3A_1332, %eq3A_1335 : vector<32x8192xi32>
    %slice3A_1337 = vector.extract_strided_slice %dot_general3A_1331 {offsets = [0, 0], sizes = [32, 8192], strides = [1, 1]} : vector<96x8192xf32> to vector<32x8192xf32>
    %roll3A_1338 = arith.constant 1 : i32
    %roll3A_1339 = tpu.dynamic_rotate %slice3A_1337 by %roll3A_1338 dim 1 : vector<32x8192xf32>, i32 -> vector<32x8192xf32>
    %jit3A_1340 = arith.constant 0.000000e+00 : f32
    %broadcast_in_dim3A_1341 = vector.broadcast %jit3A_1340 : f32 to vector<32x8192xf32>
    %select_n3A_1342 = arith.select %eq3A_1336, %broadcast_in_dim3A_1341, %roll3A_1339 : vector<32x8192xi1>, vector<32x8192xf32>
    %add3A_1343 = arith.addf %slice3A_1333, %select_n3A_1342 : vector<32x8192xf32>
    %eq3A_1344 = arith.constant 8191 : i32
    %eq3A_1345 = vector.broadcast %eq3A_1344 : i32 to vector<32x8192xi32>
    %eq3A_1346 = arith.cmpi eq, %iota3A_1332, %eq3A_1345 : vector<32x8192xi32>
    %slice3A_1347 = vector.extract_strided_slice %dot_general3A_1331 {offsets = [64, 0], sizes = [32, 8192], strides = [1, 1]} : vector<96x8192xf32> to vector<32x8192xf32>
    %roll3A_1348 = arith.constant 8191 : i32
    %roll3A_1349 = tpu.dynamic_rotate %slice3A_1347 by %roll3A_1348 dim 1 : vector<32x8192xf32>, i32 -> vector<32x8192xf32>
    %jit3A_1350 = arith.constant 0.000000e+00 : f32
    %broadcast_in_dim3A_1351 = vector.broadcast %jit3A_1350 : f32 to vector<32x8192xf32>
    %select_n3A_1352 = arith.select %eq3A_1346, %broadcast_in_dim3A_1351, %roll3A_1349 : vector<32x8192xi1>, vector<32x8192xf32>
    %add3A_1353 = arith.addf %add3A_1343, %select_n3A_1352 : vector<32x8192xf32>
    %get3A_1354 = arith.constant 0 : index
    %get3A_1355 = arith.constant 0 : index
    %get3A_1356 = vector.load %arg6[%get3A_1354, %get3A_1355] : memref<32x1xf32, #tpu.memory_space<vmem>>, vector<32x1xf32>
    %add3A_1357 = vector.broadcast %get3A_1356 : vector<32x1xf32> to vector<32x8192xf32>
    %add3A_1358 = arith.addf %add3A_1353, %add3A_1357 : vector<32x8192xf32>
    %max3A_1359 = arith.constant 0.000000e+00 : f32
    %max3A_1360 = vector.broadcast %max3A_1359 : f32 to vector<32x8192xf32>
    %max3A_1361 = arith.maximumf %add3A_1358, %max3A_1360 : vector<32x8192xf32>
    %get3A_1362 = arith.constant 0 : index
    %get3A_1363 = arith.constant 0 : index
    %get3A_1364 = vector.load %arg7[%get3A_1362, %get3A_1363] : memref<1x32xf32, #tpu.memory_space<vmem>>, vector<1x32xf32>
    %dot_general3A_1365 = arith.constant dense<0.000000e+00> : vector<1x8192xf32>
    %dot_general3A_1366 = tpu.matmul %get3A_1364, %max3A_1361, %dot_general3A_1365 {dimension_numbers = #tpu.dot_dimension_numbers<[1], [0], [0], [1], [0, 0, 1, 1], [], []>, transpose_lhs_hint = false} : vector<1x32xf32>, vector<32x8192xf32>, vector<1x8192xf32> -> vector<1x8192xf32>
    %get3A_1367 = arith.constant 0 : index
    %get3A_1368 = arith.constant 0 : index
    %get3A_1369 = vector.load %arg8[%get3A_1367, %get3A_1368] : memref<1x1xf32, #tpu.memory_space<vmem>>, vector<1x1xf32>
    %add3A_1370 = vector.broadcast %get3A_1369 : vector<1x1xf32> to vector<1x8192xf32>
    %add3A_1371 = arith.addf %dot_general3A_1366, %add3A_1370 : vector<1x8192xf32>
    %logistic3A_1372 = arith.negf %add3A_1371 : vector<1x8192xf32>
    %logistic3A_1373 = math.exp %logistic3A_1372 : vector<1x8192xf32>
    %logistic3A_1374 = arith.constant 1.000000e+00 : f32
    %logistic3A_1375 = vector.broadcast %logistic3A_1374 : f32 to vector<1x8192xf32>
    %logistic3A_1376 = arith.addf %logistic3A_1375, %logistic3A_1373 : vector<1x8192xf32>
    %logistic3A_1377 = arith.divf %logistic3A_1375, %logistic3A_1376 : vector<1x8192xf32>
    %slice3A_1378 = vector.extract_strided_slice %get3A_1291 {offsets = [0, 3], sizes = [2, 8192], strides = [1, 1]} : vector<2x8196xf32> to vector<2x8192xf32>
    %slice3A_1379 = vector.extract_strided_slice %get3A_1291 {offsets = [0, 2], sizes = [2, 8192], strides = [1, 1]} : vector<2x8196xf32> to vector<2x8192xf32>
    %sub3A_1380 = arith.subf %slice3A_1378, %slice3A_1379 : vector<2x8192xf32>
    %slice3A_1381 = vector.extract_strided_slice %get3A_1291 {offsets = [0, 2], sizes = [2, 8192], strides = [1, 1]} : vector<2x8196xf32> to vector<2x8192xf32>
    %slice3A_1382 = vector.extract_strided_slice %get3A_1291 {offsets = [0, 1], sizes = [2, 8192], strides = [1, 1]} : vector<2x8196xf32> to vector<2x8192xf32>
    %sub3A_1383 = arith.subf %slice3A_1381, %slice3A_1382 : vector<2x8192xf32>
    %slice3A_1384 = vector.extract_strided_slice %sub3A_1380 {offsets = [0, 0], sizes = [1, 8192], strides = [1, 1]} : vector<2x8192xf32> to vector<1x8192xf32>
    %slice3A_1385 = vector.extract_strided_slice %sub3A_1383 {offsets = [1, 0], sizes = [1, 8192], strides = [1, 1]} : vector<2x8192xf32> to vector<1x8192xf32>
    %mul3A_1386 = arith.mulf %slice3A_1384, %slice3A_1385 : vector<1x8192xf32>
    %slice3A_1387 = vector.extract_strided_slice %sub3A_1380 {offsets = [1, 0], sizes = [1, 8192], strides = [1, 1]} : vector<2x8192xf32> to vector<1x8192xf32>
    %slice3A_1388 = vector.extract_strided_slice %sub3A_1383 {offsets = [0, 0], sizes = [1, 8192], strides = [1, 1]} : vector<2x8192xf32> to vector<1x8192xf32>
    %mul3A_1389 = arith.mulf %slice3A_1387, %slice3A_1388 : vector<1x8192xf32>
    %sub3A_1390 = arith.subf %mul3A_1386, %mul3A_1389 : vector<1x8192xf32>
    %abs3A_1391 = math.absf %sub3A_1390 : vector<1x8192xf32>
    %mul3A_1392 = arith.constant 3.000000e-01 : f32
    %mul3A_1393 = vector.broadcast %mul3A_1392 : f32 to vector<1x8192xf32>
    %mul3A_1394 = arith.mulf %mul3A_1393, %abs3A_1391 : vector<1x8192xf32>
    %add3A_1395 = arith.addf %logistic3A_1377, %mul3A_1394 : vector<1x8192xf32>
    %get3A_1396 = arith.constant 13 : index
    %get3A_1397 = arith.constant 0 : index
    %get3A_1398 = arith.constant 0 : index
    %get3A_1399 = vector.load %arg1[%get3A_1396, %get3A_1397, %get3A_1398] : memref<16x2x8196xf32, #tpu.memory_space<vmem>>, vector<1x2x8196xf32>
    %get3A_1400 = vector.shape_cast %get3A_1399 : vector<1x2x8196xf32> to vector<2x8196xf32>
    %slice3A_1401 = vector.extract_strided_slice %get3A_1400 {offsets = [0, 2], sizes = [2, 8192], strides = [1, 1]} : vector<2x8196xf32> to vector<2x8192xf32>
    %reshape3A_1402 = vector.shape_cast %slice3A_1401 : vector<2x8192xf32> to vector<128x128xf32>
    %swap3A_1403 = arith.constant 1664 : index
    %swap3A_1404 = arith.constant 0 : index
    %swap3A_1405 = vector.load %arg10[%swap3A_1403, %swap3A_1404] : memref<2048x128xf32, #tpu.memory_space<vmem>>, vector<128x128xf32>
    tpu.vector_store %arg10[%swap3A_1403, %swap3A_1404], %reshape3A_1402 {strides = array<i32>} : memref<2048x128xf32, #tpu.memory_space<vmem>>, vector<128x128xf32>,
    %iota3A_1406 = tpu.iota {dimensions = array<i32: 1>} : vector<2x8196xi32>
    %ge3A_1407 = arith.constant 2 : i32
    %ge3A_1408 = vector.broadcast %ge3A_1407 : i32 to vector<2x8196xi32>
    %ge3A_1409 = arith.cmpi sge, %iota3A_1406, %ge3A_1408 : vector<2x8196xi32>
    %lt3A_1410 = arith.constant 8194 : i32
    %lt3A_1411 = vector.broadcast %lt3A_1410 : i32 to vector<2x8196xi32>
    %lt3A_1412 = arith.cmpi slt, %iota3A_1406, %lt3A_1411 : vector<2x8196xi32>
    %and3A_1413 = arith.andi %ge3A_1409, %lt3A_1412 : vector<2x8196xi1>
    %jit3A_1414 = arith.constant 0.000000e+00 : f32
    %broadcast_in_dim3A_1415 = vector.broadcast %jit3A_1414 : f32 to vector<2x8196xf32>
    %select_n3A_1416 = arith.select %and3A_1413, %get3A_1400, %broadcast_in_dim3A_1415 : vector<2x8196xi1>, vector<2x8196xf32>
    %slice3A_1417 = vector.extract_strided_slice %select_n3A_1416 {offsets = [0, 0], sizes = [2, 8192], strides = [1, 1]} : vector<2x8196xf32> to vector<2x8192xf32>
    %slice3A_1418 = vector.extract_strided_slice %select_n3A_1416 {offsets = [0, 1], sizes = [2, 8192], strides = [1, 1]} : vector<2x8196xf32> to vector<2x8192xf32>
    %slice3A_1419 = vector.extract_strided_slice %select_n3A_1416 {offsets = [0, 2], sizes = [2, 8192], strides = [1, 1]} : vector<2x8196xf32> to vector<2x8192xf32>
    %slice3A_1420 = vector.extract_strided_slice %select_n3A_1416 {offsets = [0, 3], sizes = [2, 8192], strides = [1, 1]} : vector<2x8196xf32> to vector<2x8192xf32>
    %slice3A_1421 = vector.extract_strided_slice %select_n3A_1416 {offsets = [0, 4], sizes = [2, 8192], strides = [1, 1]} : vector<2x8196xf32> to vector<2x8192xf32>
    %concatenate3A_1422 = tpu.concatenate %slice3A_1417, %slice3A_1418, %slice3A_1419, %slice3A_1420, %slice3A_1421 in 0 : vector<2x8192xf32>, vector<2x8192xf32>, vector<2x8192xf32>, vector<2x8192xf32>, vector<2x8192xf32> -> vector<10x8192xf32>
    %get3A_1423 = arith.constant 0 : index
    %get3A_1424 = arith.constant 0 : index
    %get3A_1425 = vector.load %arg3[%get3A_1423, %get3A_1424] : memref<64x10xf32, #tpu.memory_space<vmem>>, vector<64x10xf32>
    %dot_general3A_1426 = arith.constant dense<0.000000e+00> : vector<64x8192xf32>
    %dot_general3A_1427 = tpu.matmul %get3A_1425, %concatenate3A_1422, %dot_general3A_1426 {dimension_numbers = #tpu.dot_dimension_numbers<[1], [0], [0], [1], [0, 0, 1, 1], [], []>, transpose_lhs_hint = false} : vector<64x10xf32>, vector<10x8192xf32>, vector<64x8192xf32> -> vector<64x8192xf32>
    %get3A_1428 = arith.constant 0 : index
    %get3A_1429 = arith.constant 0 : index
    %get3A_1430 = vector.load %arg4[%get3A_1428, %get3A_1429] : memref<64x1xf32, #tpu.memory_space<vmem>>, vector<64x1xf32>
    %add3A_1431 = vector.broadcast %get3A_1430 : vector<64x1xf32> to vector<64x8192xf32>
    %add3A_1432 = arith.addf %dot_general3A_1427, %add3A_1431 : vector<64x8192xf32>
    %max3A_1433 = arith.constant 0.000000e+00 : f32
    %max3A_1434 = vector.broadcast %max3A_1433 : f32 to vector<64x8192xf32>
    %max3A_1435 = arith.maximumf %add3A_1432, %max3A_1434 : vector<64x8192xf32>
    %get3A_1436 = arith.constant 0 : index
    %get3A_1437 = arith.constant 0 : index
    %get3A_1438 = vector.load %arg5[%get3A_1436, %get3A_1437] : memref<96x64xf32, #tpu.memory_space<vmem>>, vector<96x64xf32>
    %dot_general3A_1439 = arith.constant dense<0.000000e+00> : vector<96x8192xf32>
    %dot_general3A_1440 = tpu.matmul %get3A_1438, %max3A_1435, %dot_general3A_1439 {dimension_numbers = #tpu.dot_dimension_numbers<[1], [0], [0], [1], [0, 0, 1, 1], [], []>, transpose_lhs_hint = false} : vector<96x64xf32>, vector<64x8192xf32>, vector<96x8192xf32> -> vector<96x8192xf32>
    %iota3A_1441 = tpu.iota {dimensions = array<i32: 1>} : vector<32x8192xi32>
    %slice3A_1442 = vector.extract_strided_slice %dot_general3A_1440 {offsets = [32, 0], sizes = [32, 8192], strides = [1, 1]} : vector<96x8192xf32> to vector<32x8192xf32>
    %eq3A_1443 = arith.constant 0 : i32
    %eq3A_1444 = vector.broadcast %eq3A_1443 : i32 to vector<32x8192xi32>
    %eq3A_1445 = arith.cmpi eq, %iota3A_1441, %eq3A_1444 : vector<32x8192xi32>
    %slice3A_1446 = vector.extract_strided_slice %dot_general3A_1440 {offsets = [0, 0], sizes = [32, 8192], strides = [1, 1]} : vector<96x8192xf32> to vector<32x8192xf32>
    %roll3A_1447 = arith.constant 1 : i32
    %roll3A_1448 = tpu.dynamic_rotate %slice3A_1446 by %roll3A_1447 dim 1 : vector<32x8192xf32>, i32 -> vector<32x8192xf32>
    %jit3A_1449 = arith.constant 0.000000e+00 : f32
    %broadcast_in_dim3A_1450 = vector.broadcast %jit3A_1449 : f32 to vector<32x8192xf32>
    %select_n3A_1451 = arith.select %eq3A_1445, %broadcast_in_dim3A_1450, %roll3A_1448 : vector<32x8192xi1>, vector<32x8192xf32>
    %add3A_1452 = arith.addf %slice3A_1442, %select_n3A_1451 : vector<32x8192xf32>
    %eq3A_1453 = arith.constant 8191 : i32
    %eq3A_1454 = vector.broadcast %eq3A_1453 : i32 to vector<32x8192xi32>
    %eq3A_1455 = arith.cmpi eq, %iota3A_1441, %eq3A_1454 : vector<32x8192xi32>
    %slice3A_1456 = vector.extract_strided_slice %dot_general3A_1440 {offsets = [64, 0], sizes = [32, 8192], strides = [1, 1]} : vector<96x8192xf32> to vector<32x8192xf32>
    %roll3A_1457 = arith.constant 8191 : i32
    %roll3A_1458 = tpu.dynamic_rotate %slice3A_1456 by %roll3A_1457 dim 1 : vector<32x8192xf32>, i32 -> vector<32x8192xf32>
    %jit3A_1459 = arith.constant 0.000000e+00 : f32
    %broadcast_in_dim3A_1460 = vector.broadcast %jit3A_1459 : f32 to vector<32x8192xf32>
    %select_n3A_1461 = arith.select %eq3A_1455, %broadcast_in_dim3A_1460, %roll3A_1458 : vector<32x8192xi1>, vector<32x8192xf32>
    %add3A_1462 = arith.addf %add3A_1452, %select_n3A_1461 : vector<32x8192xf32>
    %get3A_1463 = arith.constant 0 : index
    %get3A_1464 = arith.constant 0 : index
    %get3A_1465 = vector.load %arg6[%get3A_1463, %get3A_1464] : memref<32x1xf32, #tpu.memory_space<vmem>>, vector<32x1xf32>
    %add3A_1466 = vector.broadcast %get3A_1465 : vector<32x1xf32> to vector<32x8192xf32>
    %add3A_1467 = arith.addf %add3A_1462, %add3A_1466 : vector<32x8192xf32>
    %max3A_1468 = arith.constant 0.000000e+00 : f32
    %max3A_1469 = vector.broadcast %max3A_1468 : f32 to vector<32x8192xf32>
    %max3A_1470 = arith.maximumf %add3A_1467, %max3A_1469 : vector<32x8192xf32>
    %get3A_1471 = arith.constant 0 : index
    %get3A_1472 = arith.constant 0 : index
    %get3A_1473 = vector.load %arg7[%get3A_1471, %get3A_1472] : memref<1x32xf32, #tpu.memory_space<vmem>>, vector<1x32xf32>
    %dot_general3A_1474 = arith.constant dense<0.000000e+00> : vector<1x8192xf32>
    %dot_general3A_1475 = tpu.matmul %get3A_1473, %max3A_1470, %dot_general3A_1474 {dimension_numbers = #tpu.dot_dimension_numbers<[1], [0], [0], [1], [0, 0, 1, 1], [], []>, transpose_lhs_hint = false} : vector<1x32xf32>, vector<32x8192xf32>, vector<1x8192xf32> -> vector<1x8192xf32>
    %get3A_1476 = arith.constant 0 : index
    %get3A_1477 = arith.constant 0 : index
    %get3A_1478 = vector.load %arg8[%get3A_1476, %get3A_1477] : memref<1x1xf32, #tpu.memory_space<vmem>>, vector<1x1xf32>
    %add3A_1479 = vector.broadcast %get3A_1478 : vector<1x1xf32> to vector<1x8192xf32>
    %add3A_1480 = arith.addf %dot_general3A_1475, %add3A_1479 : vector<1x8192xf32>
    %logistic3A_1481 = arith.negf %add3A_1480 : vector<1x8192xf32>
    %logistic3A_1482 = math.exp %logistic3A_1481 : vector<1x8192xf32>
    %logistic3A_1483 = arith.constant 1.000000e+00 : f32
    %logistic3A_1484 = vector.broadcast %logistic3A_1483 : f32 to vector<1x8192xf32>
    %logistic3A_1485 = arith.addf %logistic3A_1484, %logistic3A_1482 : vector<1x8192xf32>
    %logistic3A_1486 = arith.divf %logistic3A_1484, %logistic3A_1485 : vector<1x8192xf32>
    %slice3A_1487 = vector.extract_strided_slice %get3A_1400 {offsets = [0, 3], sizes = [2, 8192], strides = [1, 1]} : vector<2x8196xf32> to vector<2x8192xf32>
    %slice3A_1488 = vector.extract_strided_slice %get3A_1400 {offsets = [0, 2], sizes = [2, 8192], strides = [1, 1]} : vector<2x8196xf32> to vector<2x8192xf32>
    %sub3A_1489 = arith.subf %slice3A_1487, %slice3A_1488 : vector<2x8192xf32>
    %slice3A_1490 = vector.extract_strided_slice %get3A_1400 {offsets = [0, 2], sizes = [2, 8192], strides = [1, 1]} : vector<2x8196xf32> to vector<2x8192xf32>
    %slice3A_1491 = vector.extract_strided_slice %get3A_1400 {offsets = [0, 1], sizes = [2, 8192], strides = [1, 1]} : vector<2x8196xf32> to vector<2x8192xf32>
    %sub3A_1492 = arith.subf %slice3A_1490, %slice3A_1491 : vector<2x8192xf32>
    %slice3A_1493 = vector.extract_strided_slice %sub3A_1489 {offsets = [0, 0], sizes = [1, 8192], strides = [1, 1]} : vector<2x8192xf32> to vector<1x8192xf32>
    %slice3A_1494 = vector.extract_strided_slice %sub3A_1492 {offsets = [1, 0], sizes = [1, 8192], strides = [1, 1]} : vector<2x8192xf32> to vector<1x8192xf32>
    %mul3A_1495 = arith.mulf %slice3A_1493, %slice3A_1494 : vector<1x8192xf32>
    %slice3A_1496 = vector.extract_strided_slice %sub3A_1489 {offsets = [1, 0], sizes = [1, 8192], strides = [1, 1]} : vector<2x8192xf32> to vector<1x8192xf32>
    %slice3A_1497 = vector.extract_strided_slice %sub3A_1492 {offsets = [0, 0], sizes = [1, 8192], strides = [1, 1]} : vector<2x8192xf32> to vector<1x8192xf32>
    %mul3A_1498 = arith.mulf %slice3A_1496, %slice3A_1497 : vector<1x8192xf32>
    %sub3A_1499 = arith.subf %mul3A_1495, %mul3A_1498 : vector<1x8192xf32>
    %abs3A_1500 = math.absf %sub3A_1499 : vector<1x8192xf32>
    %mul3A_1501 = arith.constant 3.000000e-01 : f32
    %mul3A_1502 = vector.broadcast %mul3A_1501 : f32 to vector<1x8192xf32>
    %mul3A_1503 = arith.mulf %mul3A_1502, %abs3A_1500 : vector<1x8192xf32>
    %add3A_1504 = arith.addf %logistic3A_1486, %mul3A_1503 : vector<1x8192xf32>
    %get3A_1505 = arith.constant 14 : index
    %get3A_1506 = arith.constant 0 : index
    %get3A_1507 = arith.constant 0 : index
    %get3A_1508 = vector.load %arg1[%get3A_1505, %get3A_1506, %get3A_1507] : memref<16x2x8196xf32, #tpu.memory_space<vmem>>, vector<1x2x8196xf32>
    %get3A_1509 = vector.shape_cast %get3A_1508 : vector<1x2x8196xf32> to vector<2x8196xf32>
    %slice3A_1510 = vector.extract_strided_slice %get3A_1509 {offsets = [0, 2], sizes = [2, 8192], strides = [1, 1]} : vector<2x8196xf32> to vector<2x8192xf32>
    %reshape3A_1511 = vector.shape_cast %slice3A_1510 : vector<2x8192xf32> to vector<128x128xf32>
    %swap3A_1512 = arith.constant 1792 : index
    %swap3A_1513 = arith.constant 0 : index
    %swap3A_1514 = vector.load %arg10[%swap3A_1512, %swap3A_1513] : memref<2048x128xf32, #tpu.memory_space<vmem>>, vector<128x128xf32>
    tpu.vector_store %arg10[%swap3A_1512, %swap3A_1513], %reshape3A_1511 {strides = array<i32>} : memref<2048x128xf32, #tpu.memory_space<vmem>>, vector<128x128xf32>,
    %iota3A_1515 = tpu.iota {dimensions = array<i32: 1>} : vector<2x8196xi32>
    %ge3A_1516 = arith.constant 2 : i32
    %ge3A_1517 = vector.broadcast %ge3A_1516 : i32 to vector<2x8196xi32>
    %ge3A_1518 = arith.cmpi sge, %iota3A_1515, %ge3A_1517 : vector<2x8196xi32>
    %lt3A_1519 = arith.constant 8194 : i32
    %lt3A_1520 = vector.broadcast %lt3A_1519 : i32 to vector<2x8196xi32>
    %lt3A_1521 = arith.cmpi slt, %iota3A_1515, %lt3A_1520 : vector<2x8196xi32>
    %and3A_1522 = arith.andi %ge3A_1518, %lt3A_1521 : vector<2x8196xi1>
    %jit3A_1523 = arith.constant 0.000000e+00 : f32
    %broadcast_in_dim3A_1524 = vector.broadcast %jit3A_1523 : f32 to vector<2x8196xf32>
    %select_n3A_1525 = arith.select %and3A_1522, %get3A_1509, %broadcast_in_dim3A_1524 : vector<2x8196xi1>, vector<2x8196xf32>
    %slice3A_1526 = vector.extract_strided_slice %select_n3A_1525 {offsets = [0, 0], sizes = [2, 8192], strides = [1, 1]} : vector<2x8196xf32> to vector<2x8192xf32>
    %slice3A_1527 = vector.extract_strided_slice %select_n3A_1525 {offsets = [0, 1], sizes = [2, 8192], strides = [1, 1]} : vector<2x8196xf32> to vector<2x8192xf32>
    %slice3A_1528 = vector.extract_strided_slice %select_n3A_1525 {offsets = [0, 2], sizes = [2, 8192], strides = [1, 1]} : vector<2x8196xf32> to vector<2x8192xf32>
    %slice3A_1529 = vector.extract_strided_slice %select_n3A_1525 {offsets = [0, 3], sizes = [2, 8192], strides = [1, 1]} : vector<2x8196xf32> to vector<2x8192xf32>
    %slice3A_1530 = vector.extract_strided_slice %select_n3A_1525 {offsets = [0, 4], sizes = [2, 8192], strides = [1, 1]} : vector<2x8196xf32> to vector<2x8192xf32>
    %concatenate3A_1531 = tpu.concatenate %slice3A_1526, %slice3A_1527, %slice3A_1528, %slice3A_1529, %slice3A_1530 in 0 : vector<2x8192xf32>, vector<2x8192xf32>, vector<2x8192xf32>, vector<2x8192xf32>, vector<2x8192xf32> -> vector<10x8192xf32>
    %get3A_1532 = arith.constant 0 : index
    %get3A_1533 = arith.constant 0 : index
    %get3A_1534 = vector.load %arg3[%get3A_1532, %get3A_1533] : memref<64x10xf32, #tpu.memory_space<vmem>>, vector<64x10xf32>
    %dot_general3A_1535 = arith.constant dense<0.000000e+00> : vector<64x8192xf32>
    %dot_general3A_1536 = tpu.matmul %get3A_1534, %concatenate3A_1531, %dot_general3A_1535 {dimension_numbers = #tpu.dot_dimension_numbers<[1], [0], [0], [1], [0, 0, 1, 1], [], []>, transpose_lhs_hint = false} : vector<64x10xf32>, vector<10x8192xf32>, vector<64x8192xf32> -> vector<64x8192xf32>
    %get3A_1537 = arith.constant 0 : index
    %get3A_1538 = arith.constant 0 : index
    %get3A_1539 = vector.load %arg4[%get3A_1537, %get3A_1538] : memref<64x1xf32, #tpu.memory_space<vmem>>, vector<64x1xf32>
    %add3A_1540 = vector.broadcast %get3A_1539 : vector<64x1xf32> to vector<64x8192xf32>
    %add3A_1541 = arith.addf %dot_general3A_1536, %add3A_1540 : vector<64x8192xf32>
    %max3A_1542 = arith.constant 0.000000e+00 : f32
    %max3A_1543 = vector.broadcast %max3A_1542 : f32 to vector<64x8192xf32>
    %max3A_1544 = arith.maximumf %add3A_1541, %max3A_1543 : vector<64x8192xf32>
    %get3A_1545 = arith.constant 0 : index
    %get3A_1546 = arith.constant 0 : index
    %get3A_1547 = vector.load %arg5[%get3A_1545, %get3A_1546] : memref<96x64xf32, #tpu.memory_space<vmem>>, vector<96x64xf32>
    %dot_general3A_1548 = arith.constant dense<0.000000e+00> : vector<96x8192xf32>
    %dot_general3A_1549 = tpu.matmul %get3A_1547, %max3A_1544, %dot_general3A_1548 {dimension_numbers = #tpu.dot_dimension_numbers<[1], [0], [0], [1], [0, 0, 1, 1], [], []>, transpose_lhs_hint = false} : vector<96x64xf32>, vector<64x8192xf32>, vector<96x8192xf32> -> vector<96x8192xf32>
    %iota3A_1550 = tpu.iota {dimensions = array<i32: 1>} : vector<32x8192xi32>
    %slice3A_1551 = vector.extract_strided_slice %dot_general3A_1549 {offsets = [32, 0], sizes = [32, 8192], strides = [1, 1]} : vector<96x8192xf32> to vector<32x8192xf32>
    %eq3A_1552 = arith.constant 0 : i32
    %eq3A_1553 = vector.broadcast %eq3A_1552 : i32 to vector<32x8192xi32>
    %eq3A_1554 = arith.cmpi eq, %iota3A_1550, %eq3A_1553 : vector<32x8192xi32>
    %slice3A_1555 = vector.extract_strided_slice %dot_general3A_1549 {offsets = [0, 0], sizes = [32, 8192], strides = [1, 1]} : vector<96x8192xf32> to vector<32x8192xf32>
    %roll3A_1556 = arith.constant 1 : i32
    %roll3A_1557 = tpu.dynamic_rotate %slice3A_1555 by %roll3A_1556 dim 1 : vector<32x8192xf32>, i32 -> vector<32x8192xf32>
    %jit3A_1558 = arith.constant 0.000000e+00 : f32
    %broadcast_in_dim3A_1559 = vector.broadcast %jit3A_1558 : f32 to vector<32x8192xf32>
    %select_n3A_1560 = arith.select %eq3A_1554, %broadcast_in_dim3A_1559, %roll3A_1557 : vector<32x8192xi1>, vector<32x8192xf32>
    %add3A_1561 = arith.addf %slice3A_1551, %select_n3A_1560 : vector<32x8192xf32>
    %eq3A_1562 = arith.constant 8191 : i32
    %eq3A_1563 = vector.broadcast %eq3A_1562 : i32 to vector<32x8192xi32>
    %eq3A_1564 = arith.cmpi eq, %iota3A_1550, %eq3A_1563 : vector<32x8192xi32>
    %slice3A_1565 = vector.extract_strided_slice %dot_general3A_1549 {offsets = [64, 0], sizes = [32, 8192], strides = [1, 1]} : vector<96x8192xf32> to vector<32x8192xf32>
    %roll3A_1566 = arith.constant 8191 : i32
    %roll3A_1567 = tpu.dynamic_rotate %slice3A_1565 by %roll3A_1566 dim 1 : vector<32x8192xf32>, i32 -> vector<32x8192xf32>
    %jit3A_1568 = arith.constant 0.000000e+00 : f32
    %broadcast_in_dim3A_1569 = vector.broadcast %jit3A_1568 : f32 to vector<32x8192xf32>
    %select_n3A_1570 = arith.select %eq3A_1564, %broadcast_in_dim3A_1569, %roll3A_1567 : vector<32x8192xi1>, vector<32x8192xf32>
    %add3A_1571 = arith.addf %add3A_1561, %select_n3A_1570 : vector<32x8192xf32>
    %get3A_1572 = arith.constant 0 : index
    %get3A_1573 = arith.constant 0 : index
    %get3A_1574 = vector.load %arg6[%get3A_1572, %get3A_1573] : memref<32x1xf32, #tpu.memory_space<vmem>>, vector<32x1xf32>
    %add3A_1575 = vector.broadcast %get3A_1574 : vector<32x1xf32> to vector<32x8192xf32>
    %add3A_1576 = arith.addf %add3A_1571, %add3A_1575 : vector<32x8192xf32>
    %max3A_1577 = arith.constant 0.000000e+00 : f32
    %max3A_1578 = vector.broadcast %max3A_1577 : f32 to vector<32x8192xf32>
    %max3A_1579 = arith.maximumf %add3A_1576, %max3A_1578 : vector<32x8192xf32>
    %get3A_1580 = arith.constant 0 : index
    %get3A_1581 = arith.constant 0 : index
    %get3A_1582 = vector.load %arg7[%get3A_1580, %get3A_1581] : memref<1x32xf32, #tpu.memory_space<vmem>>, vector<1x32xf32>
    %dot_general3A_1583 = arith.constant dense<0.000000e+00> : vector<1x8192xf32>
    %dot_general3A_1584 = tpu.matmul %get3A_1582, %max3A_1579, %dot_general3A_1583 {dimension_numbers = #tpu.dot_dimension_numbers<[1], [0], [0], [1], [0, 0, 1, 1], [], []>, transpose_lhs_hint = false} : vector<1x32xf32>, vector<32x8192xf32>, vector<1x8192xf32> -> vector<1x8192xf32>
    %get3A_1585 = arith.constant 0 : index
    %get3A_1586 = arith.constant 0 : index
    %get3A_1587 = vector.load %arg8[%get3A_1585, %get3A_1586] : memref<1x1xf32, #tpu.memory_space<vmem>>, vector<1x1xf32>
    %add3A_1588 = vector.broadcast %get3A_1587 : vector<1x1xf32> to vector<1x8192xf32>
    %add3A_1589 = arith.addf %dot_general3A_1584, %add3A_1588 : vector<1x8192xf32>
    %logistic3A_1590 = arith.negf %add3A_1589 : vector<1x8192xf32>
    %logistic3A_1591 = math.exp %logistic3A_1590 : vector<1x8192xf32>
    %logistic3A_1592 = arith.constant 1.000000e+00 : f32
    %logistic3A_1593 = vector.broadcast %logistic3A_1592 : f32 to vector<1x8192xf32>
    %logistic3A_1594 = arith.addf %logistic3A_1593, %logistic3A_1591 : vector<1x8192xf32>
    %logistic3A_1595 = arith.divf %logistic3A_1593, %logistic3A_1594 : vector<1x8192xf32>
    %slice3A_1596 = vector.extract_strided_slice %get3A_1509 {offsets = [0, 3], sizes = [2, 8192], strides = [1, 1]} : vector<2x8196xf32> to vector<2x8192xf32>
    %slice3A_1597 = vector.extract_strided_slice %get3A_1509 {offsets = [0, 2], sizes = [2, 8192], strides = [1, 1]} : vector<2x8196xf32> to vector<2x8192xf32>
    %sub3A_1598 = arith.subf %slice3A_1596, %slice3A_1597 : vector<2x8192xf32>
    %slice3A_1599 = vector.extract_strided_slice %get3A_1509 {offsets = [0, 2], sizes = [2, 8192], strides = [1, 1]} : vector<2x8196xf32> to vector<2x8192xf32>
    %slice3A_1600 = vector.extract_strided_slice %get3A_1509 {offsets = [0, 1], sizes = [2, 8192], strides = [1, 1]} : vector<2x8196xf32> to vector<2x8192xf32>
    %sub3A_1601 = arith.subf %slice3A_1599, %slice3A_1600 : vector<2x8192xf32>
    %slice3A_1602 = vector.extract_strided_slice %sub3A_1598 {offsets = [0, 0], sizes = [1, 8192], strides = [1, 1]} : vector<2x8192xf32> to vector<1x8192xf32>
    %slice3A_1603 = vector.extract_strided_slice %sub3A_1601 {offsets = [1, 0], sizes = [1, 8192], strides = [1, 1]} : vector<2x8192xf32> to vector<1x8192xf32>
    %mul3A_1604 = arith.mulf %slice3A_1602, %slice3A_1603 : vector<1x8192xf32>
    %slice3A_1605 = vector.extract_strided_slice %sub3A_1598 {offsets = [1, 0], sizes = [1, 8192], strides = [1, 1]} : vector<2x8192xf32> to vector<1x8192xf32>
    %slice3A_1606 = vector.extract_strided_slice %sub3A_1601 {offsets = [0, 0], sizes = [1, 8192], strides = [1, 1]} : vector<2x8192xf32> to vector<1x8192xf32>
    %mul3A_1607 = arith.mulf %slice3A_1605, %slice3A_1606 : vector<1x8192xf32>
    %sub3A_1608 = arith.subf %mul3A_1604, %mul3A_1607 : vector<1x8192xf32>
    %abs3A_1609 = math.absf %sub3A_1608 : vector<1x8192xf32>
    %mul3A_1610 = arith.constant 3.000000e-01 : f32
    %mul3A_1611 = vector.broadcast %mul3A_1610 : f32 to vector<1x8192xf32>
    %mul3A_1612 = arith.mulf %mul3A_1611, %abs3A_1609 : vector<1x8192xf32>
    %add3A_1613 = arith.addf %logistic3A_1595, %mul3A_1612 : vector<1x8192xf32>
    %get3A_1614 = arith.constant 15 : index
    %get3A_1615 = arith.constant 0 : index
    %get3A_1616 = arith.constant 0 : index
    %get3A_1617 = vector.load %arg1[%get3A_1614, %get3A_1615, %get3A_1616] : memref<16x2x8196xf32, #tpu.memory_space<vmem>>, vector<1x2x8196xf32>
    %get3A_1618 = vector.shape_cast %get3A_1617 : vector<1x2x8196xf32> to vector<2x8196xf32>
    %slice3A_1619 = vector.extract_strided_slice %get3A_1618 {offsets = [0, 2], sizes = [2, 8192], strides = [1, 1]} : vector<2x8196xf32> to vector<2x8192xf32>
    %reshape3A_1620 = vector.shape_cast %slice3A_1619 : vector<2x8192xf32> to vector<128x128xf32>
    %swap3A_1621 = arith.constant 1920 : index
    %swap3A_1622 = arith.constant 0 : index
    %swap3A_1623 = vector.load %arg10[%swap3A_1621, %swap3A_1622] : memref<2048x128xf32, #tpu.memory_space<vmem>>, vector<128x128xf32>
    tpu.vector_store %arg10[%swap3A_1621, %swap3A_1622], %reshape3A_1620 {strides = array<i32>} : memref<2048x128xf32, #tpu.memory_space<vmem>>, vector<128x128xf32>,
    %iota3A_1624 = tpu.iota {dimensions = array<i32: 1>} : vector<2x8196xi32>
    %ge3A_1625 = arith.constant 2 : i32
    %ge3A_1626 = vector.broadcast %ge3A_1625 : i32 to vector<2x8196xi32>
    %ge3A_1627 = arith.cmpi sge, %iota3A_1624, %ge3A_1626 : vector<2x8196xi32>
    %lt3A_1628 = arith.constant 8194 : i32
    %lt3A_1629 = vector.broadcast %lt3A_1628 : i32 to vector<2x8196xi32>
    %lt3A_1630 = arith.cmpi slt, %iota3A_1624, %lt3A_1629 : vector<2x8196xi32>
    %and3A_1631 = arith.andi %ge3A_1627, %lt3A_1630 : vector<2x8196xi1>
    %jit3A_1632 = arith.constant 0.000000e+00 : f32
    %broadcast_in_dim3A_1633 = vector.broadcast %jit3A_1632 : f32 to vector<2x8196xf32>
    %select_n3A_1634 = arith.select %and3A_1631, %get3A_1618, %broadcast_in_dim3A_1633 : vector<2x8196xi1>, vector<2x8196xf32>
    %slice3A_1635 = vector.extract_strided_slice %select_n3A_1634 {offsets = [0, 0], sizes = [2, 8192], strides = [1, 1]} : vector<2x8196xf32> to vector<2x8192xf32>
    %slice3A_1636 = vector.extract_strided_slice %select_n3A_1634 {offsets = [0, 1], sizes = [2, 8192], strides = [1, 1]} : vector<2x8196xf32> to vector<2x8192xf32>
    %slice3A_1637 = vector.extract_strided_slice %select_n3A_1634 {offsets = [0, 2], sizes = [2, 8192], strides = [1, 1]} : vector<2x8196xf32> to vector<2x8192xf32>
    %slice3A_1638 = vector.extract_strided_slice %select_n3A_1634 {offsets = [0, 3], sizes = [2, 8192], strides = [1, 1]} : vector<2x8196xf32> to vector<2x8192xf32>
    %slice3A_1639 = vector.extract_strided_slice %select_n3A_1634 {offsets = [0, 4], sizes = [2, 8192], strides = [1, 1]} : vector<2x8196xf32> to vector<2x8192xf32>
    %concatenate3A_1640 = tpu.concatenate %slice3A_1635, %slice3A_1636, %slice3A_1637, %slice3A_1638, %slice3A_1639 in 0 : vector<2x8192xf32>, vector<2x8192xf32>, vector<2x8192xf32>, vector<2x8192xf32>, vector<2x8192xf32> -> vector<10x8192xf32>
    %get3A_1641 = arith.constant 0 : index
    %get3A_1642 = arith.constant 0 : index
    %get3A_1643 = vector.load %arg3[%get3A_1641, %get3A_1642] : memref<64x10xf32, #tpu.memory_space<vmem>>, vector<64x10xf32>
    %dot_general3A_1644 = arith.constant dense<0.000000e+00> : vector<64x8192xf32>
    %dot_general3A_1645 = tpu.matmul %get3A_1643, %concatenate3A_1640, %dot_general3A_1644 {dimension_numbers = #tpu.dot_dimension_numbers<[1], [0], [0], [1], [0, 0, 1, 1], [], []>, transpose_lhs_hint = false} : vector<64x10xf32>, vector<10x8192xf32>, vector<64x8192xf32> -> vector<64x8192xf32>
    %get3A_1646 = arith.constant 0 : index
    %get3A_1647 = arith.constant 0 : index
    %get3A_1648 = vector.load %arg4[%get3A_1646, %get3A_1647] : memref<64x1xf32, #tpu.memory_space<vmem>>, vector<64x1xf32>
    %add3A_1649 = vector.broadcast %get3A_1648 : vector<64x1xf32> to vector<64x8192xf32>
    %add3A_1650 = arith.addf %dot_general3A_1645, %add3A_1649 : vector<64x8192xf32>
    %max3A_1651 = arith.constant 0.000000e+00 : f32
    %max3A_1652 = vector.broadcast %max3A_1651 : f32 to vector<64x8192xf32>
    %max3A_1653 = arith.maximumf %add3A_1650, %max3A_1652 : vector<64x8192xf32>
    %get3A_1654 = arith.constant 0 : index
    %get3A_1655 = arith.constant 0 : index
    %get3A_1656 = vector.load %arg5[%get3A_1654, %get3A_1655] : memref<96x64xf32, #tpu.memory_space<vmem>>, vector<96x64xf32>
    %dot_general3A_1657 = arith.constant dense<0.000000e+00> : vector<96x8192xf32>
    %dot_general3A_1658 = tpu.matmul %get3A_1656, %max3A_1653, %dot_general3A_1657 {dimension_numbers = #tpu.dot_dimension_numbers<[1], [0], [0], [1], [0, 0, 1, 1], [], []>, transpose_lhs_hint = false} : vector<96x64xf32>, vector<64x8192xf32>, vector<96x8192xf32> -> vector<96x8192xf32>
    %iota3A_1659 = tpu.iota {dimensions = array<i32: 1>} : vector<32x8192xi32>
    %slice3A_1660 = vector.extract_strided_slice %dot_general3A_1658 {offsets = [32, 0], sizes = [32, 8192], strides = [1, 1]} : vector<96x8192xf32> to vector<32x8192xf32>
    %eq3A_1661 = arith.constant 0 : i32
    %eq3A_1662 = vector.broadcast %eq3A_1661 : i32 to vector<32x8192xi32>
    %eq3A_1663 = arith.cmpi eq, %iota3A_1659, %eq3A_1662 : vector<32x8192xi32>
    %slice3A_1664 = vector.extract_strided_slice %dot_general3A_1658 {offsets = [0, 0], sizes = [32, 8192], strides = [1, 1]} : vector<96x8192xf32> to vector<32x8192xf32>
    %roll3A_1665 = arith.constant 1 : i32
    %roll3A_1666 = tpu.dynamic_rotate %slice3A_1664 by %roll3A_1665 dim 1 : vector<32x8192xf32>, i32 -> vector<32x8192xf32>
    %jit3A_1667 = arith.constant 0.000000e+00 : f32
    %broadcast_in_dim3A_1668 = vector.broadcast %jit3A_1667 : f32 to vector<32x8192xf32>
    %select_n3A_1669 = arith.select %eq3A_1663, %broadcast_in_dim3A_1668, %roll3A_1666 : vector<32x8192xi1>, vector<32x8192xf32>
    %add3A_1670 = arith.addf %slice3A_1660, %select_n3A_1669 : vector<32x8192xf32>
    %eq3A_1671 = arith.constant 8191 : i32
    %eq3A_1672 = vector.broadcast %eq3A_1671 : i32 to vector<32x8192xi32>
    %eq3A_1673 = arith.cmpi eq, %iota3A_1659, %eq3A_1672 : vector<32x8192xi32>
    %slice3A_1674 = vector.extract_strided_slice %dot_general3A_1658 {offsets = [64, 0], sizes = [32, 8192], strides = [1, 1]} : vector<96x8192xf32> to vector<32x8192xf32>
    %roll3A_1675 = arith.constant 8191 : i32
    %roll3A_1676 = tpu.dynamic_rotate %slice3A_1674 by %roll3A_1675 dim 1 : vector<32x8192xf32>, i32 -> vector<32x8192xf32>
    %jit3A_1677 = arith.constant 0.000000e+00 : f32
    %broadcast_in_dim3A_1678 = vector.broadcast %jit3A_1677 : f32 to vector<32x8192xf32>
    %select_n3A_1679 = arith.select %eq3A_1673, %broadcast_in_dim3A_1678, %roll3A_1676 : vector<32x8192xi1>, vector<32x8192xf32>
    %add3A_1680 = arith.addf %add3A_1670, %select_n3A_1679 : vector<32x8192xf32>
    %get3A_1681 = arith.constant 0 : index
    %get3A_1682 = arith.constant 0 : index
    %get3A_1683 = vector.load %arg6[%get3A_1681, %get3A_1682] : memref<32x1xf32, #tpu.memory_space<vmem>>, vector<32x1xf32>
    %add3A_1684 = vector.broadcast %get3A_1683 : vector<32x1xf32> to vector<32x8192xf32>
    %add3A_1685 = arith.addf %add3A_1680, %add3A_1684 : vector<32x8192xf32>
    %max3A_1686 = arith.constant 0.000000e+00 : f32
    %max3A_1687 = vector.broadcast %max3A_1686 : f32 to vector<32x8192xf32>
    %max3A_1688 = arith.maximumf %add3A_1685, %max3A_1687 : vector<32x8192xf32>
    %get3A_1689 = arith.constant 0 : index
    %get3A_1690 = arith.constant 0 : index
    %get3A_1691 = vector.load %arg7[%get3A_1689, %get3A_1690] : memref<1x32xf32, #tpu.memory_space<vmem>>, vector<1x32xf32>
    %dot_general3A_1692 = arith.constant dense<0.000000e+00> : vector<1x8192xf32>
    %dot_general3A_1693 = tpu.matmul %get3A_1691, %max3A_1688, %dot_general3A_1692 {dimension_numbers = #tpu.dot_dimension_numbers<[1], [0], [0], [1], [0, 0, 1, 1], [], []>, transpose_lhs_hint = false} : vector<1x32xf32>, vector<32x8192xf32>, vector<1x8192xf32> -> vector<1x8192xf32>
    %get3A_1694 = arith.constant 0 : index
    %get3A_1695 = arith.constant 0 : index
    %get3A_1696 = vector.load %arg8[%get3A_1694, %get3A_1695] : memref<1x1xf32, #tpu.memory_space<vmem>>, vector<1x1xf32>
    %add3A_1697 = vector.broadcast %get3A_1696 : vector<1x1xf32> to vector<1x8192xf32>
    %add3A_1698 = arith.addf %dot_general3A_1693, %add3A_1697 : vector<1x8192xf32>
    %logistic3A_1699 = arith.negf %add3A_1698 : vector<1x8192xf32>
    %logistic3A_1700 = math.exp %logistic3A_1699 : vector<1x8192xf32>
    %logistic3A_1701 = arith.constant 1.000000e+00 : f32
    %logistic3A_1702 = vector.broadcast %logistic3A_1701 : f32 to vector<1x8192xf32>
    %logistic3A_1703 = arith.addf %logistic3A_1702, %logistic3A_1700 : vector<1x8192xf32>
    %logistic3A_1704 = arith.divf %logistic3A_1702, %logistic3A_1703 : vector<1x8192xf32>
    %slice3A_1705 = vector.extract_strided_slice %get3A_1618 {offsets = [0, 3], sizes = [2, 8192], strides = [1, 1]} : vector<2x8196xf32> to vector<2x8192xf32>
    %slice3A_1706 = vector.extract_strided_slice %get3A_1618 {offsets = [0, 2], sizes = [2, 8192], strides = [1, 1]} : vector<2x8196xf32> to vector<2x8192xf32>
    %sub3A_1707 = arith.subf %slice3A_1705, %slice3A_1706 : vector<2x8192xf32>
    %slice3A_1708 = vector.extract_strided_slice %get3A_1618 {offsets = [0, 2], sizes = [2, 8192], strides = [1, 1]} : vector<2x8196xf32> to vector<2x8192xf32>
    %slice3A_1709 = vector.extract_strided_slice %get3A_1618 {offsets = [0, 1], sizes = [2, 8192], strides = [1, 1]} : vector<2x8196xf32> to vector<2x8192xf32>
    %sub3A_1710 = arith.subf %slice3A_1708, %slice3A_1709 : vector<2x8192xf32>
    %slice3A_1711 = vector.extract_strided_slice %sub3A_1707 {offsets = [0, 0], sizes = [1, 8192], strides = [1, 1]} : vector<2x8192xf32> to vector<1x8192xf32>
    %slice3A_1712 = vector.extract_strided_slice %sub3A_1710 {offsets = [1, 0], sizes = [1, 8192], strides = [1, 1]} : vector<2x8192xf32> to vector<1x8192xf32>
    %mul3A_1713 = arith.mulf %slice3A_1711, %slice3A_1712 : vector<1x8192xf32>
    %slice3A_1714 = vector.extract_strided_slice %sub3A_1707 {offsets = [1, 0], sizes = [1, 8192], strides = [1, 1]} : vector<2x8192xf32> to vector<1x8192xf32>
    %slice3A_1715 = vector.extract_strided_slice %sub3A_1710 {offsets = [0, 0], sizes = [1, 8192], strides = [1, 1]} : vector<2x8192xf32> to vector<1x8192xf32>
    %mul3A_1716 = arith.mulf %slice3A_1714, %slice3A_1715 : vector<1x8192xf32>
    %sub3A_1717 = arith.subf %mul3A_1713, %mul3A_1716 : vector<1x8192xf32>
    %abs3A_1718 = math.absf %sub3A_1717 : vector<1x8192xf32>
    %mul3A_1719 = arith.constant 3.000000e-01 : f32
    %mul3A_1720 = vector.broadcast %mul3A_1719 : f32 to vector<1x8192xf32>
    %mul3A_1721 = arith.mulf %mul3A_1720, %abs3A_1718 : vector<1x8192xf32>
    %add3A_1722 = arith.addf %logistic3A_1704, %mul3A_1721 : vector<1x8192xf32>
    %concatenate3A_1723 = tpu.concatenate %add3A_87, %add3A_196, %add3A_305, %add3A_414, %add3A_523, %add3A_632, %add3A_741, %add3A_850, %add3A_959, %add3A_1068, %add3A_1177, %add3A_1286, %add3A_1395, %add3A_1504, %add3A_1613, %add3A_1722 in 0 : vector<1x8192xf32>, vector<1x8192xf32>, vector<1x8192xf32>, vector<1x8192xf32>, vector<1x8192xf32>, vector<1x8192xf32>, vector<1x8192xf32>, vector<1x8192xf32>, vector<1x8192xf32>, vector<1x8192xf32>, vector<1x8192xf32>, vector<1x8192xf32>, vector<1x8192xf32>, vector<1x8192xf32>, vector<1x8192xf32>, vector<1x8192xf32> -> vector<16x8192xf32>
    %iota3A_1724 = tpu.iota {dimensions = array<i32: 1>} : vector<16x8192xi32>
    %iota3A_1725 = tpu.iota {dimensions = array<i32: 1>} : vector<16x8142xi32>
    %iota3A_1726 = tpu.iota {dimensions = array<i32: 1>} : vector<16x128xi32>
    %broadcast_in_dim3A_1727 = arith.constant 0 : i32
    %broadcast_in_dim3A_1728 = vector.broadcast %broadcast_in_dim3A_1727 : i32 to vector<16x128xi32>
    %slice3A_1729 = vector.extract_strided_slice %concatenate3A_1723 {offsets = [0, 0], sizes = [16, 8142], strides = [1, 1]} : vector<16x8192xf32> to vector<16x8142xf32>
    %get3A_1730 = arith.constant 0 : index
    %get3A_1731 = arith.constant 0 : index
    %get3A_1732 = arith.constant 0 : index
    %get3A_1733 = vector.load %arg2[%get3A_1730, %get3A_1731, %get3A_1732] : memref<20x16x8142xf32, #tpu.memory_space<vmem>>, vector<1x16x8142xf32>
    %get3A_1734 = vector.shape_cast %get3A_1733 : vector<1x16x8142xf32> to vector<16x8142xf32>
    %add3A_1735 = arith.addf %slice3A_1729, %get3A_1734 : vector<16x8142xf32>
    %reduce_max3A = arith.constant dense<0xFF800000> : vector<16xf32>
    %reduce_max3A_1736 = vector.multi_reduction <maximumf>, %add3A_1735, %reduce_max3A [1] : vector<16x8142xf32> to vector<16xf32>
    %broadcast_in_dim3A_1737 = vector.shape_cast %reduce_max3A_1736 : vector<16xf32> to vector<16x1xf32>
    %eq3A_1738 = vector.broadcast %broadcast_in_dim3A_1737 : vector<16x1xf32> to vector<16x8142xf32>
    %eq3A_1739 = arith.cmpf oeq, %add3A_1735, %eq3A_1738 : vector<16x8142xf32>
    %jit3A_1740 = arith.constant 1073741824 : i32
    %broadcast_in_dim3A_1741 = vector.broadcast %jit3A_1740 : i32 to vector<16x8142xi32>
    %select_n3A_1742 = arith.select %eq3A_1739, %iota3A_1725, %broadcast_in_dim3A_1741 : vector<16x8142xi1>, vector<16x8142xi32>
    %reduce_min3A = arith.constant dense<2147483647> : vector<16xi32>
    %reduce_min3A_1743 = vector.multi_reduction <minsi>, %select_n3A_1742, %reduce_min3A [1] : vector<16x8142xi32> to vector<16xi32>
    %broadcast_in_dim3A_1744 = vector.shape_cast %reduce_min3A_1743 : vector<16xi32> to vector<16x1xi32>
    %eq3A_1745 = arith.constant 0 : i32
    %eq3A_1746 = vector.broadcast %eq3A_1745 : i32 to vector<16x128xi32>
    %eq3A_1747 = arith.cmpi eq, %iota3A_1726, %eq3A_1746 : vector<16x128xi32>
    %jit3A_1748 = arith.constant 0 : i32
    %broadcast_in_dim3A_1749 = vector.shape_cast %broadcast_in_dim3A_1744 : vector<16x1xi32> to vector<16x1xi32>
    %broadcast_in_dim3A_1750 = vector.broadcast %broadcast_in_dim3A_1749 : vector<16x1xi32> to vector<16x128xi32>
    %broadcast_in_dim3A_1751 = vector.broadcast %jit3A_1748 : i32 to vector<16x128xi32>
    %select_n3A_1752 = arith.select %eq3A_1747, %broadcast_in_dim3A_1750, %broadcast_in_dim3A_1751 : vector<16x128xi1>, vector<16x128xi32>
    %add3A_1753 = arith.addi %broadcast_in_dim3A_1728, %select_n3A_1752 : vector<16x128xi32>
    %ge3A_1754 = vector.broadcast %broadcast_in_dim3A_1744 : vector<16x1xi32> to vector<16x8192xi32>
    %ge3A_1755 = arith.cmpi sge, %iota3A_1724, %ge3A_1754 : vector<16x8192xi32>
    %add3A_1756 = arith.constant 50 : i32
    %add3A_1757 = vector.broadcast %add3A_1756 : i32 to vector<16x1xi32>
    %add3A_1758 = arith.addi %broadcast_in_dim3A_1744, %add3A_1757 : vector<16x1xi32>
    %lt3A_1759 = vector.broadcast %add3A_1758 : vector<16x1xi32> to vector<16x8192xi32>
    %lt3A_1760 = arith.cmpi slt, %iota3A_1724, %lt3A_1759 : vector<16x8192xi32>
    %and3A_1761 = arith.andi %ge3A_1755, %lt3A_1760 : vector<16x8192xi1>
    %mul3A_1762 = arith.constant 1.000000e-01 : f32
    %mul3A_1763 = vector.broadcast %mul3A_1762 : f32 to vector<16x8192xf32>
    %mul3A_1764 = arith.mulf %concatenate3A_1723, %mul3A_1763 : vector<16x8192xf32>
    %select_n3A_1765 = arith.select %and3A_1761, %mul3A_1764, %concatenate3A_1723 : vector<16x8192xi1>, vector<16x8192xf32>
    %slice3A_1766 = vector.extract_strided_slice %select_n3A_1765 {offsets = [0, 0], sizes = [16, 8142], strides = [1, 1]} : vector<16x8192xf32> to vector<16x8142xf32>
    %get3A_1767 = arith.constant 1 : index
    %get3A_1768 = arith.constant 0 : index
    %get3A_1769 = arith.constant 0 : index
    %get3A_1770 = vector.load %arg2[%get3A_1767, %get3A_1768, %get3A_1769] : memref<20x16x8142xf32, #tpu.memory_space<vmem>>, vector<1x16x8142xf32>
    %get3A_1771 = vector.shape_cast %get3A_1770 : vector<1x16x8142xf32> to vector<16x8142xf32>
    %add3A_1772 = arith.addf %slice3A_1766, %get3A_1771 : vector<16x8142xf32>
    %reduce_max3A_1773 = arith.constant dense<0xFF800000> : vector<16xf32>
    %reduce_max3A_1774 = vector.multi_reduction <maximumf>, %add3A_1772, %reduce_max3A_1773 [1] : vector<16x8142xf32> to vector<16xf32>
    %broadcast_in_dim3A_1775 = vector.shape_cast %reduce_max3A_1774 : vector<16xf32> to vector<16x1xf32>
    %eq3A_1776 = vector.broadcast %broadcast_in_dim3A_1775 : vector<16x1xf32> to vector<16x8142xf32>
    %eq3A_1777 = arith.cmpf oeq, %add3A_1772, %eq3A_1776 : vector<16x8142xf32>
    %jit3A_1778 = arith.constant 1073741824 : i32
    %broadcast_in_dim3A_1779 = vector.broadcast %jit3A_1778 : i32 to vector<16x8142xi32>
    %select_n3A_1780 = arith.select %eq3A_1777, %iota3A_1725, %broadcast_in_dim3A_1779 : vector<16x8142xi1>, vector<16x8142xi32>
    %reduce_min3A_1781 = arith.constant dense<2147483647> : vector<16xi32>
    %reduce_min3A_1782 = vector.multi_reduction <minsi>, %select_n3A_1780, %reduce_min3A_1781 [1] : vector<16x8142xi32> to vector<16xi32>
    %broadcast_in_dim3A_1783 = vector.shape_cast %reduce_min3A_1782 : vector<16xi32> to vector<16x1xi32>
    %eq3A_1784 = arith.constant 1 : i32
    %eq3A_1785 = vector.broadcast %eq3A_1784 : i32 to vector<16x128xi32>
    %eq3A_1786 = arith.cmpi eq, %iota3A_1726, %eq3A_1785 : vector<16x128xi32>
    %jit3A_1787 = arith.constant 0 : i32
    %broadcast_in_dim3A_1788 = vector.shape_cast %broadcast_in_dim3A_1783 : vector<16x1xi32> to vector<16x1xi32>
    %broadcast_in_dim3A_1789 = vector.broadcast %broadcast_in_dim3A_1788 : vector<16x1xi32> to vector<16x128xi32>
    %broadcast_in_dim3A_1790 = vector.broadcast %jit3A_1787 : i32 to vector<16x128xi32>
    %select_n3A_1791 = arith.select %eq3A_1786, %broadcast_in_dim3A_1789, %broadcast_in_dim3A_1790 : vector<16x128xi1>, vector<16x128xi32>
    %add3A_1792 = arith.addi %add3A_1753, %select_n3A_1791 : vector<16x128xi32>
    %ge3A_1793 = vector.broadcast %broadcast_in_dim3A_1783 : vector<16x1xi32> to vector<16x8192xi32>
    %ge3A_1794 = arith.cmpi sge, %iota3A_1724, %ge3A_1793 : vector<16x8192xi32>
    %add3A_1795 = arith.constant 50 : i32
    %add3A_1796 = vector.broadcast %add3A_1795 : i32 to vector<16x1xi32>
    %add3A_1797 = arith.addi %broadcast_in_dim3A_1783, %add3A_1796 : vector<16x1xi32>
    %lt3A_1798 = vector.broadcast %add3A_1797 : vector<16x1xi32> to vector<16x8192xi32>
    %lt3A_1799 = arith.cmpi slt, %iota3A_1724, %lt3A_1798 : vector<16x8192xi32>
    %and3A_1800 = arith.andi %ge3A_1794, %lt3A_1799 : vector<16x8192xi1>
    %mul3A_1801 = arith.constant 1.000000e-01 : f32
    %mul3A_1802 = vector.broadcast %mul3A_1801 : f32 to vector<16x8192xf32>
    %mul3A_1803 = arith.mulf %select_n3A_1765, %mul3A_1802 : vector<16x8192xf32>
    %select_n3A_1804 = arith.select %and3A_1800, %mul3A_1803, %select_n3A_1765 : vector<16x8192xi1>, vector<16x8192xf32>
    %slice3A_1805 = vector.extract_strided_slice %select_n3A_1804 {offsets = [0, 0], sizes = [16, 8142], strides = [1, 1]} : vector<16x8192xf32> to vector<16x8142xf32>
    %get3A_1806 = arith.constant 2 : index
    %get3A_1807 = arith.constant 0 : index
    %get3A_1808 = arith.constant 0 : index
    %get3A_1809 = vector.load %arg2[%get3A_1806, %get3A_1807, %get3A_1808] : memref<20x16x8142xf32, #tpu.memory_space<vmem>>, vector<1x16x8142xf32>
    %get3A_1810 = vector.shape_cast %get3A_1809 : vector<1x16x8142xf32> to vector<16x8142xf32>
    %add3A_1811 = arith.addf %slice3A_1805, %get3A_1810 : vector<16x8142xf32>
    %reduce_max3A_1812 = arith.constant dense<0xFF800000> : vector<16xf32>
    %reduce_max3A_1813 = vector.multi_reduction <maximumf>, %add3A_1811, %reduce_max3A_1812 [1] : vector<16x8142xf32> to vector<16xf32>
    %broadcast_in_dim3A_1814 = vector.shape_cast %reduce_max3A_1813 : vector<16xf32> to vector<16x1xf32>
    %eq3A_1815 = vector.broadcast %broadcast_in_dim3A_1814 : vector<16x1xf32> to vector<16x8142xf32>
    %eq3A_1816 = arith.cmpf oeq, %add3A_1811, %eq3A_1815 : vector<16x8142xf32>
    %jit3A_1817 = arith.constant 1073741824 : i32
    %broadcast_in_dim3A_1818 = vector.broadcast %jit3A_1817 : i32 to vector<16x8142xi32>
    %select_n3A_1819 = arith.select %eq3A_1816, %iota3A_1725, %broadcast_in_dim3A_1818 : vector<16x8142xi1>, vector<16x8142xi32>
    %reduce_min3A_1820 = arith.constant dense<2147483647> : vector<16xi32>
    %reduce_min3A_1821 = vector.multi_reduction <minsi>, %select_n3A_1819, %reduce_min3A_1820 [1] : vector<16x8142xi32> to vector<16xi32>
    %broadcast_in_dim3A_1822 = vector.shape_cast %reduce_min3A_1821 : vector<16xi32> to vector<16x1xi32>
    %eq3A_1823 = arith.constant 2 : i32
    %eq3A_1824 = vector.broadcast %eq3A_1823 : i32 to vector<16x128xi32>
    %eq3A_1825 = arith.cmpi eq, %iota3A_1726, %eq3A_1824 : vector<16x128xi32>
    %jit3A_1826 = arith.constant 0 : i32
    %broadcast_in_dim3A_1827 = vector.shape_cast %broadcast_in_dim3A_1822 : vector<16x1xi32> to vector<16x1xi32>
    %broadcast_in_dim3A_1828 = vector.broadcast %broadcast_in_dim3A_1827 : vector<16x1xi32> to vector<16x128xi32>
    %broadcast_in_dim3A_1829 = vector.broadcast %jit3A_1826 : i32 to vector<16x128xi32>
    %select_n3A_1830 = arith.select %eq3A_1825, %broadcast_in_dim3A_1828, %broadcast_in_dim3A_1829 : vector<16x128xi1>, vector<16x128xi32>
    %add3A_1831 = arith.addi %add3A_1792, %select_n3A_1830 : vector<16x128xi32>
    %ge3A_1832 = vector.broadcast %broadcast_in_dim3A_1822 : vector<16x1xi32> to vector<16x8192xi32>
    %ge3A_1833 = arith.cmpi sge, %iota3A_1724, %ge3A_1832 : vector<16x8192xi32>
    %add3A_1834 = arith.constant 50 : i32
    %add3A_1835 = vector.broadcast %add3A_1834 : i32 to vector<16x1xi32>
    %add3A_1836 = arith.addi %broadcast_in_dim3A_1822, %add3A_1835 : vector<16x1xi32>
    %lt3A_1837 = vector.broadcast %add3A_1836 : vector<16x1xi32> to vector<16x8192xi32>
    %lt3A_1838 = arith.cmpi slt, %iota3A_1724, %lt3A_1837 : vector<16x8192xi32>
    %and3A_1839 = arith.andi %ge3A_1833, %lt3A_1838 : vector<16x8192xi1>
    %mul3A_1840 = arith.constant 1.000000e-01 : f32
    %mul3A_1841 = vector.broadcast %mul3A_1840 : f32 to vector<16x8192xf32>
    %mul3A_1842 = arith.mulf %select_n3A_1804, %mul3A_1841 : vector<16x8192xf32>
    %select_n3A_1843 = arith.select %and3A_1839, %mul3A_1842, %select_n3A_1804 : vector<16x8192xi1>, vector<16x8192xf32>
    %slice3A_1844 = vector.extract_strided_slice %select_n3A_1843 {offsets = [0, 0], sizes = [16, 8142], strides = [1, 1]} : vector<16x8192xf32> to vector<16x8142xf32>
    %get3A_1845 = arith.constant 3 : index
    %get3A_1846 = arith.constant 0 : index
    %get3A_1847 = arith.constant 0 : index
    %get3A_1848 = vector.load %arg2[%get3A_1845, %get3A_1846, %get3A_1847] : memref<20x16x8142xf32, #tpu.memory_space<vmem>>, vector<1x16x8142xf32>
    %get3A_1849 = vector.shape_cast %get3A_1848 : vector<1x16x8142xf32> to vector<16x8142xf32>
    %add3A_1850 = arith.addf %slice3A_1844, %get3A_1849 : vector<16x8142xf32>
    %reduce_max3A_1851 = arith.constant dense<0xFF800000> : vector<16xf32>
    %reduce_max3A_1852 = vector.multi_reduction <maximumf>, %add3A_1850, %reduce_max3A_1851 [1] : vector<16x8142xf32> to vector<16xf32>
    %broadcast_in_dim3A_1853 = vector.shape_cast %reduce_max3A_1852 : vector<16xf32> to vector<16x1xf32>
    %eq3A_1854 = vector.broadcast %broadcast_in_dim3A_1853 : vector<16x1xf32> to vector<16x8142xf32>
    %eq3A_1855 = arith.cmpf oeq, %add3A_1850, %eq3A_1854 : vector<16x8142xf32>
    %jit3A_1856 = arith.constant 1073741824 : i32
    %broadcast_in_dim3A_1857 = vector.broadcast %jit3A_1856 : i32 to vector<16x8142xi32>
    %select_n3A_1858 = arith.select %eq3A_1855, %iota3A_1725, %broadcast_in_dim3A_1857 : vector<16x8142xi1>, vector<16x8142xi32>
    %reduce_min3A_1859 = arith.constant dense<2147483647> : vector<16xi32>
    %reduce_min3A_1860 = vector.multi_reduction <minsi>, %select_n3A_1858, %reduce_min3A_1859 [1] : vector<16x8142xi32> to vector<16xi32>
    %broadcast_in_dim3A_1861 = vector.shape_cast %reduce_min3A_1860 : vector<16xi32> to vector<16x1xi32>
    %eq3A_1862 = arith.constant 3 : i32
    %eq3A_1863 = vector.broadcast %eq3A_1862 : i32 to vector<16x128xi32>
    %eq3A_1864 = arith.cmpi eq, %iota3A_1726, %eq3A_1863 : vector<16x128xi32>
    %jit3A_1865 = arith.constant 0 : i32
    %broadcast_in_dim3A_1866 = vector.shape_cast %broadcast_in_dim3A_1861 : vector<16x1xi32> to vector<16x1xi32>
    %broadcast_in_dim3A_1867 = vector.broadcast %broadcast_in_dim3A_1866 : vector<16x1xi32> to vector<16x128xi32>
    %broadcast_in_dim3A_1868 = vector.broadcast %jit3A_1865 : i32 to vector<16x128xi32>
    %select_n3A_1869 = arith.select %eq3A_1864, %broadcast_in_dim3A_1867, %broadcast_in_dim3A_1868 : vector<16x128xi1>, vector<16x128xi32>
    %add3A_1870 = arith.addi %add3A_1831, %select_n3A_1869 : vector<16x128xi32>
    %ge3A_1871 = vector.broadcast %broadcast_in_dim3A_1861 : vector<16x1xi32> to vector<16x8192xi32>
    %ge3A_1872 = arith.cmpi sge, %iota3A_1724, %ge3A_1871 : vector<16x8192xi32>
    %add3A_1873 = arith.constant 50 : i32
    %add3A_1874 = vector.broadcast %add3A_1873 : i32 to vector<16x1xi32>
    %add3A_1875 = arith.addi %broadcast_in_dim3A_1861, %add3A_1874 : vector<16x1xi32>
    %lt3A_1876 = vector.broadcast %add3A_1875 : vector<16x1xi32> to vector<16x8192xi32>
    %lt3A_1877 = arith.cmpi slt, %iota3A_1724, %lt3A_1876 : vector<16x8192xi32>
    %and3A_1878 = arith.andi %ge3A_1872, %lt3A_1877 : vector<16x8192xi1>
    %mul3A_1879 = arith.constant 1.000000e-01 : f32
    %mul3A_1880 = vector.broadcast %mul3A_1879 : f32 to vector<16x8192xf32>
    %mul3A_1881 = arith.mulf %select_n3A_1843, %mul3A_1880 : vector<16x8192xf32>
    %select_n3A_1882 = arith.select %and3A_1878, %mul3A_1881, %select_n3A_1843 : vector<16x8192xi1>, vector<16x8192xf32>
    %slice3A_1883 = vector.extract_strided_slice %select_n3A_1882 {offsets = [0, 0], sizes = [16, 8142], strides = [1, 1]} : vector<16x8192xf32> to vector<16x8142xf32>
    %get3A_1884 = arith.constant 4 : index
    %get3A_1885 = arith.constant 0 : index
    %get3A_1886 = arith.constant 0 : index
    %get3A_1887 = vector.load %arg2[%get3A_1884, %get3A_1885, %get3A_1886] : memref<20x16x8142xf32, #tpu.memory_space<vmem>>, vector<1x16x8142xf32>
    %get3A_1888 = vector.shape_cast %get3A_1887 : vector<1x16x8142xf32> to vector<16x8142xf32>
    %add3A_1889 = arith.addf %slice3A_1883, %get3A_1888 : vector<16x8142xf32>
    %reduce_max3A_1890 = arith.constant dense<0xFF800000> : vector<16xf32>
    %reduce_max3A_1891 = vector.multi_reduction <maximumf>, %add3A_1889, %reduce_max3A_1890 [1] : vector<16x8142xf32> to vector<16xf32>
    %broadcast_in_dim3A_1892 = vector.shape_cast %reduce_max3A_1891 : vector<16xf32> to vector<16x1xf32>
    %eq3A_1893 = vector.broadcast %broadcast_in_dim3A_1892 : vector<16x1xf32> to vector<16x8142xf32>
    %eq3A_1894 = arith.cmpf oeq, %add3A_1889, %eq3A_1893 : vector<16x8142xf32>
    %jit3A_1895 = arith.constant 1073741824 : i32
    %broadcast_in_dim3A_1896 = vector.broadcast %jit3A_1895 : i32 to vector<16x8142xi32>
    %select_n3A_1897 = arith.select %eq3A_1894, %iota3A_1725, %broadcast_in_dim3A_1896 : vector<16x8142xi1>, vector<16x8142xi32>
    %reduce_min3A_1898 = arith.constant dense<2147483647> : vector<16xi32>
    %reduce_min3A_1899 = vector.multi_reduction <minsi>, %select_n3A_1897, %reduce_min3A_1898 [1] : vector<16x8142xi32> to vector<16xi32>
    %broadcast_in_dim3A_1900 = vector.shape_cast %reduce_min3A_1899 : vector<16xi32> to vector<16x1xi32>
    %eq3A_1901 = arith.constant 4 : i32
    %eq3A_1902 = vector.broadcast %eq3A_1901 : i32 to vector<16x128xi32>
    %eq3A_1903 = arith.cmpi eq, %iota3A_1726, %eq3A_1902 : vector<16x128xi32>
    %jit3A_1904 = arith.constant 0 : i32
    %broadcast_in_dim3A_1905 = vector.shape_cast %broadcast_in_dim3A_1900 : vector<16x1xi32> to vector<16x1xi32>
    %broadcast_in_dim3A_1906 = vector.broadcast %broadcast_in_dim3A_1905 : vector<16x1xi32> to vector<16x128xi32>
    %broadcast_in_dim3A_1907 = vector.broadcast %jit3A_1904 : i32 to vector<16x128xi32>
    %select_n3A_1908 = arith.select %eq3A_1903, %broadcast_in_dim3A_1906, %broadcast_in_dim3A_1907 : vector<16x128xi1>, vector<16x128xi32>
    %add3A_1909 = arith.addi %add3A_1870, %select_n3A_1908 : vector<16x128xi32>
    %ge3A_1910 = vector.broadcast %broadcast_in_dim3A_1900 : vector<16x1xi32> to vector<16x8192xi32>
    %ge3A_1911 = arith.cmpi sge, %iota3A_1724, %ge3A_1910 : vector<16x8192xi32>
    %add3A_1912 = arith.constant 50 : i32
    %add3A_1913 = vector.broadcast %add3A_1912 : i32 to vector<16x1xi32>
    %add3A_1914 = arith.addi %broadcast_in_dim3A_1900, %add3A_1913 : vector<16x1xi32>
    %lt3A_1915 = vector.broadcast %add3A_1914 : vector<16x1xi32> to vector<16x8192xi32>
    %lt3A_1916 = arith.cmpi slt, %iota3A_1724, %lt3A_1915 : vector<16x8192xi32>
    %and3A_1917 = arith.andi %ge3A_1911, %lt3A_1916 : vector<16x8192xi1>
    %mul3A_1918 = arith.constant 1.000000e-01 : f32
    %mul3A_1919 = vector.broadcast %mul3A_1918 : f32 to vector<16x8192xf32>
    %mul3A_1920 = arith.mulf %select_n3A_1882, %mul3A_1919 : vector<16x8192xf32>
    %select_n3A_1921 = arith.select %and3A_1917, %mul3A_1920, %select_n3A_1882 : vector<16x8192xi1>, vector<16x8192xf32>
    %slice3A_1922 = vector.extract_strided_slice %select_n3A_1921 {offsets = [0, 0], sizes = [16, 8142], strides = [1, 1]} : vector<16x8192xf32> to vector<16x8142xf32>
    %get3A_1923 = arith.constant 5 : index
    %get3A_1924 = arith.constant 0 : index
    %get3A_1925 = arith.constant 0 : index
    %get3A_1926 = vector.load %arg2[%get3A_1923, %get3A_1924, %get3A_1925] : memref<20x16x8142xf32, #tpu.memory_space<vmem>>, vector<1x16x8142xf32>
    %get3A_1927 = vector.shape_cast %get3A_1926 : vector<1x16x8142xf32> to vector<16x8142xf32>
    %add3A_1928 = arith.addf %slice3A_1922, %get3A_1927 : vector<16x8142xf32>
    %reduce_max3A_1929 = arith.constant dense<0xFF800000> : vector<16xf32>
    %reduce_max3A_1930 = vector.multi_reduction <maximumf>, %add3A_1928, %reduce_max3A_1929 [1] : vector<16x8142xf32> to vector<16xf32>
    %broadcast_in_dim3A_1931 = vector.shape_cast %reduce_max3A_1930 : vector<16xf32> to vector<16x1xf32>
    %eq3A_1932 = vector.broadcast %broadcast_in_dim3A_1931 : vector<16x1xf32> to vector<16x8142xf32>
    %eq3A_1933 = arith.cmpf oeq, %add3A_1928, %eq3A_1932 : vector<16x8142xf32>
    %jit3A_1934 = arith.constant 1073741824 : i32
    %broadcast_in_dim3A_1935 = vector.broadcast %jit3A_1934 : i32 to vector<16x8142xi32>
    %select_n3A_1936 = arith.select %eq3A_1933, %iota3A_1725, %broadcast_in_dim3A_1935 : vector<16x8142xi1>, vector<16x8142xi32>
    %reduce_min3A_1937 = arith.constant dense<2147483647> : vector<16xi32>
    %reduce_min3A_1938 = vector.multi_reduction <minsi>, %select_n3A_1936, %reduce_min3A_1937 [1] : vector<16x8142xi32> to vector<16xi32>
    %broadcast_in_dim3A_1939 = vector.shape_cast %reduce_min3A_1938 : vector<16xi32> to vector<16x1xi32>
    %eq3A_1940 = arith.constant 5 : i32
    %eq3A_1941 = vector.broadcast %eq3A_1940 : i32 to vector<16x128xi32>
    %eq3A_1942 = arith.cmpi eq, %iota3A_1726, %eq3A_1941 : vector<16x128xi32>
    %jit3A_1943 = arith.constant 0 : i32
    %broadcast_in_dim3A_1944 = vector.shape_cast %broadcast_in_dim3A_1939 : vector<16x1xi32> to vector<16x1xi32>
    %broadcast_in_dim3A_1945 = vector.broadcast %broadcast_in_dim3A_1944 : vector<16x1xi32> to vector<16x128xi32>
    %broadcast_in_dim3A_1946 = vector.broadcast %jit3A_1943 : i32 to vector<16x128xi32>
    %select_n3A_1947 = arith.select %eq3A_1942, %broadcast_in_dim3A_1945, %broadcast_in_dim3A_1946 : vector<16x128xi1>, vector<16x128xi32>
    %add3A_1948 = arith.addi %add3A_1909, %select_n3A_1947 : vector<16x128xi32>
    %ge3A_1949 = vector.broadcast %broadcast_in_dim3A_1939 : vector<16x1xi32> to vector<16x8192xi32>
    %ge3A_1950 = arith.cmpi sge, %iota3A_1724, %ge3A_1949 : vector<16x8192xi32>
    %add3A_1951 = arith.constant 50 : i32
    %add3A_1952 = vector.broadcast %add3A_1951 : i32 to vector<16x1xi32>
    %add3A_1953 = arith.addi %broadcast_in_dim3A_1939, %add3A_1952 : vector<16x1xi32>
    %lt3A_1954 = vector.broadcast %add3A_1953 : vector<16x1xi32> to vector<16x8192xi32>
    %lt3A_1955 = arith.cmpi slt, %iota3A_1724, %lt3A_1954 : vector<16x8192xi32>
    %and3A_1956 = arith.andi %ge3A_1950, %lt3A_1955 : vector<16x8192xi1>
    %mul3A_1957 = arith.constant 1.000000e-01 : f32
    %mul3A_1958 = vector.broadcast %mul3A_1957 : f32 to vector<16x8192xf32>
    %mul3A_1959 = arith.mulf %select_n3A_1921, %mul3A_1958 : vector<16x8192xf32>
    %select_n3A_1960 = arith.select %and3A_1956, %mul3A_1959, %select_n3A_1921 : vector<16x8192xi1>, vector<16x8192xf32>
    %slice3A_1961 = vector.extract_strided_slice %select_n3A_1960 {offsets = [0, 0], sizes = [16, 8142], strides = [1, 1]} : vector<16x8192xf32> to vector<16x8142xf32>
    %get3A_1962 = arith.constant 6 : index
    %get3A_1963 = arith.constant 0 : index
    %get3A_1964 = arith.constant 0 : index
    %get3A_1965 = vector.load %arg2[%get3A_1962, %get3A_1963, %get3A_1964] : memref<20x16x8142xf32, #tpu.memory_space<vmem>>, vector<1x16x8142xf32>
    %get3A_1966 = vector.shape_cast %get3A_1965 : vector<1x16x8142xf32> to vector<16x8142xf32>
    %add3A_1967 = arith.addf %slice3A_1961, %get3A_1966 : vector<16x8142xf32>
    %reduce_max3A_1968 = arith.constant dense<0xFF800000> : vector<16xf32>
    %reduce_max3A_1969 = vector.multi_reduction <maximumf>, %add3A_1967, %reduce_max3A_1968 [1] : vector<16x8142xf32> to vector<16xf32>
    %broadcast_in_dim3A_1970 = vector.shape_cast %reduce_max3A_1969 : vector<16xf32> to vector<16x1xf32>
    %eq3A_1971 = vector.broadcast %broadcast_in_dim3A_1970 : vector<16x1xf32> to vector<16x8142xf32>
    %eq3A_1972 = arith.cmpf oeq, %add3A_1967, %eq3A_1971 : vector<16x8142xf32>
    %jit3A_1973 = arith.constant 1073741824 : i32
    %broadcast_in_dim3A_1974 = vector.broadcast %jit3A_1973 : i32 to vector<16x8142xi32>
    %select_n3A_1975 = arith.select %eq3A_1972, %iota3A_1725, %broadcast_in_dim3A_1974 : vector<16x8142xi1>, vector<16x8142xi32>
    %reduce_min3A_1976 = arith.constant dense<2147483647> : vector<16xi32>
    %reduce_min3A_1977 = vector.multi_reduction <minsi>, %select_n3A_1975, %reduce_min3A_1976 [1] : vector<16x8142xi32> to vector<16xi32>
    %broadcast_in_dim3A_1978 = vector.shape_cast %reduce_min3A_1977 : vector<16xi32> to vector<16x1xi32>
    %eq3A_1979 = arith.constant 6 : i32
    %eq3A_1980 = vector.broadcast %eq3A_1979 : i32 to vector<16x128xi32>
    %eq3A_1981 = arith.cmpi eq, %iota3A_1726, %eq3A_1980 : vector<16x128xi32>
    %jit3A_1982 = arith.constant 0 : i32
    %broadcast_in_dim3A_1983 = vector.shape_cast %broadcast_in_dim3A_1978 : vector<16x1xi32> to vector<16x1xi32>
    %broadcast_in_dim3A_1984 = vector.broadcast %broadcast_in_dim3A_1983 : vector<16x1xi32> to vector<16x128xi32>
    %broadcast_in_dim3A_1985 = vector.broadcast %jit3A_1982 : i32 to vector<16x128xi32>
    %select_n3A_1986 = arith.select %eq3A_1981, %broadcast_in_dim3A_1984, %broadcast_in_dim3A_1985 : vector<16x128xi1>, vector<16x128xi32>
    %add3A_1987 = arith.addi %add3A_1948, %select_n3A_1986 : vector<16x128xi32>
    %ge3A_1988 = vector.broadcast %broadcast_in_dim3A_1978 : vector<16x1xi32> to vector<16x8192xi32>
    %ge3A_1989 = arith.cmpi sge, %iota3A_1724, %ge3A_1988 : vector<16x8192xi32>
    %add3A_1990 = arith.constant 50 : i32
    %add3A_1991 = vector.broadcast %add3A_1990 : i32 to vector<16x1xi32>
    %add3A_1992 = arith.addi %broadcast_in_dim3A_1978, %add3A_1991 : vector<16x1xi32>
    %lt3A_1993 = vector.broadcast %add3A_1992 : vector<16x1xi32> to vector<16x8192xi32>
    %lt3A_1994 = arith.cmpi slt, %iota3A_1724, %lt3A_1993 : vector<16x8192xi32>
    %and3A_1995 = arith.andi %ge3A_1989, %lt3A_1994 : vector<16x8192xi1>
    %mul3A_1996 = arith.constant 1.000000e-01 : f32
    %mul3A_1997 = vector.broadcast %mul3A_1996 : f32 to vector<16x8192xf32>
    %mul3A_1998 = arith.mulf %select_n3A_1960, %mul3A_1997 : vector<16x8192xf32>
    %select_n3A_1999 = arith.select %and3A_1995, %mul3A_1998, %select_n3A_1960 : vector<16x8192xi1>, vector<16x8192xf32>
    %slice3A_2000 = vector.extract_strided_slice %select_n3A_1999 {offsets = [0, 0], sizes = [16, 8142], strides = [1, 1]} : vector<16x8192xf32> to vector<16x8142xf32>
    %get3A_2001 = arith.constant 7 : index
    %get3A_2002 = arith.constant 0 : index
    %get3A_2003 = arith.constant 0 : index
    %get3A_2004 = vector.load %arg2[%get3A_2001, %get3A_2002, %get3A_2003] : memref<20x16x8142xf32, #tpu.memory_space<vmem>>, vector<1x16x8142xf32>
    %get3A_2005 = vector.shape_cast %get3A_2004 : vector<1x16x8142xf32> to vector<16x8142xf32>
    %add3A_2006 = arith.addf %slice3A_2000, %get3A_2005 : vector<16x8142xf32>
    %reduce_max3A_2007 = arith.constant dense<0xFF800000> : vector<16xf32>
    %reduce_max3A_2008 = vector.multi_reduction <maximumf>, %add3A_2006, %reduce_max3A_2007 [1] : vector<16x8142xf32> to vector<16xf32>
    %broadcast_in_dim3A_2009 = vector.shape_cast %reduce_max3A_2008 : vector<16xf32> to vector<16x1xf32>
    %eq3A_2010 = vector.broadcast %broadcast_in_dim3A_2009 : vector<16x1xf32> to vector<16x8142xf32>
    %eq3A_2011 = arith.cmpf oeq, %add3A_2006, %eq3A_2010 : vector<16x8142xf32>
    %jit3A_2012 = arith.constant 1073741824 : i32
    %broadcast_in_dim3A_2013 = vector.broadcast %jit3A_2012 : i32 to vector<16x8142xi32>
    %select_n3A_2014 = arith.select %eq3A_2011, %iota3A_1725, %broadcast_in_dim3A_2013 : vector<16x8142xi1>, vector<16x8142xi32>
    %reduce_min3A_2015 = arith.constant dense<2147483647> : vector<16xi32>
    %reduce_min3A_2016 = vector.multi_reduction <minsi>, %select_n3A_2014, %reduce_min3A_2015 [1] : vector<16x8142xi32> to vector<16xi32>
    %broadcast_in_dim3A_2017 = vector.shape_cast %reduce_min3A_2016 : vector<16xi32> to vector<16x1xi32>
    %eq3A_2018 = arith.constant 7 : i32
    %eq3A_2019 = vector.broadcast %eq3A_2018 : i32 to vector<16x128xi32>
    %eq3A_2020 = arith.cmpi eq, %iota3A_1726, %eq3A_2019 : vector<16x128xi32>
    %jit3A_2021 = arith.constant 0 : i32
    %broadcast_in_dim3A_2022 = vector.shape_cast %broadcast_in_dim3A_2017 : vector<16x1xi32> to vector<16x1xi32>
    %broadcast_in_dim3A_2023 = vector.broadcast %broadcast_in_dim3A_2022 : vector<16x1xi32> to vector<16x128xi32>
    %broadcast_in_dim3A_2024 = vector.broadcast %jit3A_2021 : i32 to vector<16x128xi32>
    %select_n3A_2025 = arith.select %eq3A_2020, %broadcast_in_dim3A_2023, %broadcast_in_dim3A_2024 : vector<16x128xi1>, vector<16x128xi32>
    %add3A_2026 = arith.addi %add3A_1987, %select_n3A_2025 : vector<16x128xi32>
    %ge3A_2027 = vector.broadcast %broadcast_in_dim3A_2017 : vector<16x1xi32> to vector<16x8192xi32>
    %ge3A_2028 = arith.cmpi sge, %iota3A_1724, %ge3A_2027 : vector<16x8192xi32>
    %add3A_2029 = arith.constant 50 : i32
    %add3A_2030 = vector.broadcast %add3A_2029 : i32 to vector<16x1xi32>
    %add3A_2031 = arith.addi %broadcast_in_dim3A_2017, %add3A_2030 : vector<16x1xi32>
    %lt3A_2032 = vector.broadcast %add3A_2031 : vector<16x1xi32> to vector<16x8192xi32>
    %lt3A_2033 = arith.cmpi slt, %iota3A_1724, %lt3A_2032 : vector<16x8192xi32>
    %and3A_2034 = arith.andi %ge3A_2028, %lt3A_2033 : vector<16x8192xi1>
    %mul3A_2035 = arith.constant 1.000000e-01 : f32
    %mul3A_2036 = vector.broadcast %mul3A_2035 : f32 to vector<16x8192xf32>
    %mul3A_2037 = arith.mulf %select_n3A_1999, %mul3A_2036 : vector<16x8192xf32>
    %select_n3A_2038 = arith.select %and3A_2034, %mul3A_2037, %select_n3A_1999 : vector<16x8192xi1>, vector<16x8192xf32>
    %slice3A_2039 = vector.extract_strided_slice %select_n3A_2038 {offsets = [0, 0], sizes = [16, 8142], strides = [1, 1]} : vector<16x8192xf32> to vector<16x8142xf32>
    %get3A_2040 = arith.constant 8 : index
    %get3A_2041 = arith.constant 0 : index
    %get3A_2042 = arith.constant 0 : index
    %get3A_2043 = vector.load %arg2[%get3A_2040, %get3A_2041, %get3A_2042] : memref<20x16x8142xf32, #tpu.memory_space<vmem>>, vector<1x16x8142xf32>
    %get3A_2044 = vector.shape_cast %get3A_2043 : vector<1x16x8142xf32> to vector<16x8142xf32>
    %add3A_2045 = arith.addf %slice3A_2039, %get3A_2044 : vector<16x8142xf32>
    %reduce_max3A_2046 = arith.constant dense<0xFF800000> : vector<16xf32>
    %reduce_max3A_2047 = vector.multi_reduction <maximumf>, %add3A_2045, %reduce_max3A_2046 [1] : vector<16x8142xf32> to vector<16xf32>
    %broadcast_in_dim3A_2048 = vector.shape_cast %reduce_max3A_2047 : vector<16xf32> to vector<16x1xf32>
    %eq3A_2049 = vector.broadcast %broadcast_in_dim3A_2048 : vector<16x1xf32> to vector<16x8142xf32>
    %eq3A_2050 = arith.cmpf oeq, %add3A_2045, %eq3A_2049 : vector<16x8142xf32>
    %jit3A_2051 = arith.constant 1073741824 : i32
    %broadcast_in_dim3A_2052 = vector.broadcast %jit3A_2051 : i32 to vector<16x8142xi32>
    %select_n3A_2053 = arith.select %eq3A_2050, %iota3A_1725, %broadcast_in_dim3A_2052 : vector<16x8142xi1>, vector<16x8142xi32>
    %reduce_min3A_2054 = arith.constant dense<2147483647> : vector<16xi32>
    %reduce_min3A_2055 = vector.multi_reduction <minsi>, %select_n3A_2053, %reduce_min3A_2054 [1] : vector<16x8142xi32> to vector<16xi32>
    %broadcast_in_dim3A_2056 = vector.shape_cast %reduce_min3A_2055 : vector<16xi32> to vector<16x1xi32>
    %eq3A_2057 = arith.constant 8 : i32
    %eq3A_2058 = vector.broadcast %eq3A_2057 : i32 to vector<16x128xi32>
    %eq3A_2059 = arith.cmpi eq, %iota3A_1726, %eq3A_2058 : vector<16x128xi32>
    %jit3A_2060 = arith.constant 0 : i32
    %broadcast_in_dim3A_2061 = vector.shape_cast %broadcast_in_dim3A_2056 : vector<16x1xi32> to vector<16x1xi32>
    %broadcast_in_dim3A_2062 = vector.broadcast %broadcast_in_dim3A_2061 : vector<16x1xi32> to vector<16x128xi32>
    %broadcast_in_dim3A_2063 = vector.broadcast %jit3A_2060 : i32 to vector<16x128xi32>
    %select_n3A_2064 = arith.select %eq3A_2059, %broadcast_in_dim3A_2062, %broadcast_in_dim3A_2063 : vector<16x128xi1>, vector<16x128xi32>
    %add3A_2065 = arith.addi %add3A_2026, %select_n3A_2064 : vector<16x128xi32>
    %ge3A_2066 = vector.broadcast %broadcast_in_dim3A_2056 : vector<16x1xi32> to vector<16x8192xi32>
    %ge3A_2067 = arith.cmpi sge, %iota3A_1724, %ge3A_2066 : vector<16x8192xi32>
    %add3A_2068 = arith.constant 50 : i32
    %add3A_2069 = vector.broadcast %add3A_2068 : i32 to vector<16x1xi32>
    %add3A_2070 = arith.addi %broadcast_in_dim3A_2056, %add3A_2069 : vector<16x1xi32>
    %lt3A_2071 = vector.broadcast %add3A_2070 : vector<16x1xi32> to vector<16x8192xi32>
    %lt3A_2072 = arith.cmpi slt, %iota3A_1724, %lt3A_2071 : vector<16x8192xi32>
    %and3A_2073 = arith.andi %ge3A_2067, %lt3A_2072 : vector<16x8192xi1>
    %mul3A_2074 = arith.constant 1.000000e-01 : f32
    %mul3A_2075 = vector.broadcast %mul3A_2074 : f32 to vector<16x8192xf32>
    %mul3A_2076 = arith.mulf %select_n3A_2038, %mul3A_2075 : vector<16x8192xf32>
    %select_n3A_2077 = arith.select %and3A_2073, %mul3A_2076, %select_n3A_2038 : vector<16x8192xi1>, vector<16x8192xf32>
    %slice3A_2078 = vector.extract_strided_slice %select_n3A_2077 {offsets = [0, 0], sizes = [16, 8142], strides = [1, 1]} : vector<16x8192xf32> to vector<16x8142xf32>
    %get3A_2079 = arith.constant 9 : index
    %get3A_2080 = arith.constant 0 : index
    %get3A_2081 = arith.constant 0 : index
    %get3A_2082 = vector.load %arg2[%get3A_2079, %get3A_2080, %get3A_2081] : memref<20x16x8142xf32, #tpu.memory_space<vmem>>, vector<1x16x8142xf32>
    %get3A_2083 = vector.shape_cast %get3A_2082 : vector<1x16x8142xf32> to vector<16x8142xf32>
    %add3A_2084 = arith.addf %slice3A_2078, %get3A_2083 : vector<16x8142xf32>
    %reduce_max3A_2085 = arith.constant dense<0xFF800000> : vector<16xf32>
    %reduce_max3A_2086 = vector.multi_reduction <maximumf>, %add3A_2084, %reduce_max3A_2085 [1] : vector<16x8142xf32> to vector<16xf32>
    %broadcast_in_dim3A_2087 = vector.shape_cast %reduce_max3A_2086 : vector<16xf32> to vector<16x1xf32>
    %eq3A_2088 = vector.broadcast %broadcast_in_dim3A_2087 : vector<16x1xf32> to vector<16x8142xf32>
    %eq3A_2089 = arith.cmpf oeq, %add3A_2084, %eq3A_2088 : vector<16x8142xf32>
    %jit3A_2090 = arith.constant 1073741824 : i32
    %broadcast_in_dim3A_2091 = vector.broadcast %jit3A_2090 : i32 to vector<16x8142xi32>
    %select_n3A_2092 = arith.select %eq3A_2089, %iota3A_1725, %broadcast_in_dim3A_2091 : vector<16x8142xi1>, vector<16x8142xi32>
    %reduce_min3A_2093 = arith.constant dense<2147483647> : vector<16xi32>
    %reduce_min3A_2094 = vector.multi_reduction <minsi>, %select_n3A_2092, %reduce_min3A_2093 [1] : vector<16x8142xi32> to vector<16xi32>
    %broadcast_in_dim3A_2095 = vector.shape_cast %reduce_min3A_2094 : vector<16xi32> to vector<16x1xi32>
    %eq3A_2096 = arith.constant 9 : i32
    %eq3A_2097 = vector.broadcast %eq3A_2096 : i32 to vector<16x128xi32>
    %eq3A_2098 = arith.cmpi eq, %iota3A_1726, %eq3A_2097 : vector<16x128xi32>
    %jit3A_2099 = arith.constant 0 : i32
    %broadcast_in_dim3A_2100 = vector.shape_cast %broadcast_in_dim3A_2095 : vector<16x1xi32> to vector<16x1xi32>
    %broadcast_in_dim3A_2101 = vector.broadcast %broadcast_in_dim3A_2100 : vector<16x1xi32> to vector<16x128xi32>
    %broadcast_in_dim3A_2102 = vector.broadcast %jit3A_2099 : i32 to vector<16x128xi32>
    %select_n3A_2103 = arith.select %eq3A_2098, %broadcast_in_dim3A_2101, %broadcast_in_dim3A_2102 : vector<16x128xi1>, vector<16x128xi32>
    %add3A_2104 = arith.addi %add3A_2065, %select_n3A_2103 : vector<16x128xi32>
    %ge3A_2105 = vector.broadcast %broadcast_in_dim3A_2095 : vector<16x1xi32> to vector<16x8192xi32>
    %ge3A_2106 = arith.cmpi sge, %iota3A_1724, %ge3A_2105 : vector<16x8192xi32>
    %add3A_2107 = arith.constant 50 : i32
    %add3A_2108 = vector.broadcast %add3A_2107 : i32 to vector<16x1xi32>
    %add3A_2109 = arith.addi %broadcast_in_dim3A_2095, %add3A_2108 : vector<16x1xi32>
    %lt3A_2110 = vector.broadcast %add3A_2109 : vector<16x1xi32> to vector<16x8192xi32>
    %lt3A_2111 = arith.cmpi slt, %iota3A_1724, %lt3A_2110 : vector<16x8192xi32>
    %and3A_2112 = arith.andi %ge3A_2106, %lt3A_2111 : vector<16x8192xi1>
    %mul3A_2113 = arith.constant 1.000000e-01 : f32
    %mul3A_2114 = vector.broadcast %mul3A_2113 : f32 to vector<16x8192xf32>
    %mul3A_2115 = arith.mulf %select_n3A_2077, %mul3A_2114 : vector<16x8192xf32>
    %select_n3A_2116 = arith.select %and3A_2112, %mul3A_2115, %select_n3A_2077 : vector<16x8192xi1>, vector<16x8192xf32>
    %slice3A_2117 = vector.extract_strided_slice %select_n3A_2116 {offsets = [0, 0], sizes = [16, 8142], strides = [1, 1]} : vector<16x8192xf32> to vector<16x8142xf32>
    %get3A_2118 = arith.constant 10 : index
    %get3A_2119 = arith.constant 0 : index
    %get3A_2120 = arith.constant 0 : index
    %get3A_2121 = vector.load %arg2[%get3A_2118, %get3A_2119, %get3A_2120] : memref<20x16x8142xf32, #tpu.memory_space<vmem>>, vector<1x16x8142xf32>
    %get3A_2122 = vector.shape_cast %get3A_2121 : vector<1x16x8142xf32> to vector<16x8142xf32>
    %add3A_2123 = arith.addf %slice3A_2117, %get3A_2122 : vector<16x8142xf32>
    %reduce_max3A_2124 = arith.constant dense<0xFF800000> : vector<16xf32>
    %reduce_max3A_2125 = vector.multi_reduction <maximumf>, %add3A_2123, %reduce_max3A_2124 [1] : vector<16x8142xf32> to vector<16xf32>
    %broadcast_in_dim3A_2126 = vector.shape_cast %reduce_max3A_2125 : vector<16xf32> to vector<16x1xf32>
    %eq3A_2127 = vector.broadcast %broadcast_in_dim3A_2126 : vector<16x1xf32> to vector<16x8142xf32>
    %eq3A_2128 = arith.cmpf oeq, %add3A_2123, %eq3A_2127 : vector<16x8142xf32>
    %jit3A_2129 = arith.constant 1073741824 : i32
    %broadcast_in_dim3A_2130 = vector.broadcast %jit3A_2129 : i32 to vector<16x8142xi32>
    %select_n3A_2131 = arith.select %eq3A_2128, %iota3A_1725, %broadcast_in_dim3A_2130 : vector<16x8142xi1>, vector<16x8142xi32>
    %reduce_min3A_2132 = arith.constant dense<2147483647> : vector<16xi32>
    %reduce_min3A_2133 = vector.multi_reduction <minsi>, %select_n3A_2131, %reduce_min3A_2132 [1] : vector<16x8142xi32> to vector<16xi32>
    %broadcast_in_dim3A_2134 = vector.shape_cast %reduce_min3A_2133 : vector<16xi32> to vector<16x1xi32>
    %eq3A_2135 = arith.constant 10 : i32
    %eq3A_2136 = vector.broadcast %eq3A_2135 : i32 to vector<16x128xi32>
    %eq3A_2137 = arith.cmpi eq, %iota3A_1726, %eq3A_2136 : vector<16x128xi32>
    %jit3A_2138 = arith.constant 0 : i32
    %broadcast_in_dim3A_2139 = vector.shape_cast %broadcast_in_dim3A_2134 : vector<16x1xi32> to vector<16x1xi32>
    %broadcast_in_dim3A_2140 = vector.broadcast %broadcast_in_dim3A_2139 : vector<16x1xi32> to vector<16x128xi32>
    %broadcast_in_dim3A_2141 = vector.broadcast %jit3A_2138 : i32 to vector<16x128xi32>
    %select_n3A_2142 = arith.select %eq3A_2137, %broadcast_in_dim3A_2140, %broadcast_in_dim3A_2141 : vector<16x128xi1>, vector<16x128xi32>
    %add3A_2143 = arith.addi %add3A_2104, %select_n3A_2142 : vector<16x128xi32>
    %ge3A_2144 = vector.broadcast %broadcast_in_dim3A_2134 : vector<16x1xi32> to vector<16x8192xi32>
    %ge3A_2145 = arith.cmpi sge, %iota3A_1724, %ge3A_2144 : vector<16x8192xi32>
    %add3A_2146 = arith.constant 50 : i32
    %add3A_2147 = vector.broadcast %add3A_2146 : i32 to vector<16x1xi32>
    %add3A_2148 = arith.addi %broadcast_in_dim3A_2134, %add3A_2147 : vector<16x1xi32>
    %lt3A_2149 = vector.broadcast %add3A_2148 : vector<16x1xi32> to vector<16x8192xi32>
    %lt3A_2150 = arith.cmpi slt, %iota3A_1724, %lt3A_2149 : vector<16x8192xi32>
    %and3A_2151 = arith.andi %ge3A_2145, %lt3A_2150 : vector<16x8192xi1>
    %mul3A_2152 = arith.constant 1.000000e-01 : f32
    %mul3A_2153 = vector.broadcast %mul3A_2152 : f32 to vector<16x8192xf32>
    %mul3A_2154 = arith.mulf %select_n3A_2116, %mul3A_2153 : vector<16x8192xf32>
    %select_n3A_2155 = arith.select %and3A_2151, %mul3A_2154, %select_n3A_2116 : vector<16x8192xi1>, vector<16x8192xf32>
    %slice3A_2156 = vector.extract_strided_slice %select_n3A_2155 {offsets = [0, 0], sizes = [16, 8142], strides = [1, 1]} : vector<16x8192xf32> to vector<16x8142xf32>
    %get3A_2157 = arith.constant 11 : index
    %get3A_2158 = arith.constant 0 : index
    %get3A_2159 = arith.constant 0 : index
    %get3A_2160 = vector.load %arg2[%get3A_2157, %get3A_2158, %get3A_2159] : memref<20x16x8142xf32, #tpu.memory_space<vmem>>, vector<1x16x8142xf32>
    %get3A_2161 = vector.shape_cast %get3A_2160 : vector<1x16x8142xf32> to vector<16x8142xf32>
    %add3A_2162 = arith.addf %slice3A_2156, %get3A_2161 : vector<16x8142xf32>
    %reduce_max3A_2163 = arith.constant dense<0xFF800000> : vector<16xf32>
    %reduce_max3A_2164 = vector.multi_reduction <maximumf>, %add3A_2162, %reduce_max3A_2163 [1] : vector<16x8142xf32> to vector<16xf32>
    %broadcast_in_dim3A_2165 = vector.shape_cast %reduce_max3A_2164 : vector<16xf32> to vector<16x1xf32>
    %eq3A_2166 = vector.broadcast %broadcast_in_dim3A_2165 : vector<16x1xf32> to vector<16x8142xf32>
    %eq3A_2167 = arith.cmpf oeq, %add3A_2162, %eq3A_2166 : vector<16x8142xf32>
    %jit3A_2168 = arith.constant 1073741824 : i32
    %broadcast_in_dim3A_2169 = vector.broadcast %jit3A_2168 : i32 to vector<16x8142xi32>
    %select_n3A_2170 = arith.select %eq3A_2167, %iota3A_1725, %broadcast_in_dim3A_2169 : vector<16x8142xi1>, vector<16x8142xi32>
    %reduce_min3A_2171 = arith.constant dense<2147483647> : vector<16xi32>
    %reduce_min3A_2172 = vector.multi_reduction <minsi>, %select_n3A_2170, %reduce_min3A_2171 [1] : vector<16x8142xi32> to vector<16xi32>
    %broadcast_in_dim3A_2173 = vector.shape_cast %reduce_min3A_2172 : vector<16xi32> to vector<16x1xi32>
    %eq3A_2174 = arith.constant 11 : i32
    %eq3A_2175 = vector.broadcast %eq3A_2174 : i32 to vector<16x128xi32>
    %eq3A_2176 = arith.cmpi eq, %iota3A_1726, %eq3A_2175 : vector<16x128xi32>
    %jit3A_2177 = arith.constant 0 : i32
    %broadcast_in_dim3A_2178 = vector.shape_cast %broadcast_in_dim3A_2173 : vector<16x1xi32> to vector<16x1xi32>
    %broadcast_in_dim3A_2179 = vector.broadcast %broadcast_in_dim3A_2178 : vector<16x1xi32> to vector<16x128xi32>
    %broadcast_in_dim3A_2180 = vector.broadcast %jit3A_2177 : i32 to vector<16x128xi32>
    %select_n3A_2181 = arith.select %eq3A_2176, %broadcast_in_dim3A_2179, %broadcast_in_dim3A_2180 : vector<16x128xi1>, vector<16x128xi32>
    %add3A_2182 = arith.addi %add3A_2143, %select_n3A_2181 : vector<16x128xi32>
    %ge3A_2183 = vector.broadcast %broadcast_in_dim3A_2173 : vector<16x1xi32> to vector<16x8192xi32>
    %ge3A_2184 = arith.cmpi sge, %iota3A_1724, %ge3A_2183 : vector<16x8192xi32>
    %add3A_2185 = arith.constant 50 : i32
    %add3A_2186 = vector.broadcast %add3A_2185 : i32 to vector<16x1xi32>
    %add3A_2187 = arith.addi %broadcast_in_dim3A_2173, %add3A_2186 : vector<16x1xi32>
    %lt3A_2188 = vector.broadcast %add3A_2187 : vector<16x1xi32> to vector<16x8192xi32>
    %lt3A_2189 = arith.cmpi slt, %iota3A_1724, %lt3A_2188 : vector<16x8192xi32>
    %and3A_2190 = arith.andi %ge3A_2184, %lt3A_2189 : vector<16x8192xi1>
    %mul3A_2191 = arith.constant 1.000000e-01 : f32
    %mul3A_2192 = vector.broadcast %mul3A_2191 : f32 to vector<16x8192xf32>
    %mul3A_2193 = arith.mulf %select_n3A_2155, %mul3A_2192 : vector<16x8192xf32>
    %select_n3A_2194 = arith.select %and3A_2190, %mul3A_2193, %select_n3A_2155 : vector<16x8192xi1>, vector<16x8192xf32>
    %slice3A_2195 = vector.extract_strided_slice %select_n3A_2194 {offsets = [0, 0], sizes = [16, 8142], strides = [1, 1]} : vector<16x8192xf32> to vector<16x8142xf32>
    %get3A_2196 = arith.constant 12 : index
    %get3A_2197 = arith.constant 0 : index
    %get3A_2198 = arith.constant 0 : index
    %get3A_2199 = vector.load %arg2[%get3A_2196, %get3A_2197, %get3A_2198] : memref<20x16x8142xf32, #tpu.memory_space<vmem>>, vector<1x16x8142xf32>
    %get3A_2200 = vector.shape_cast %get3A_2199 : vector<1x16x8142xf32> to vector<16x8142xf32>
    %add3A_2201 = arith.addf %slice3A_2195, %get3A_2200 : vector<16x8142xf32>
    %reduce_max3A_2202 = arith.constant dense<0xFF800000> : vector<16xf32>
    %reduce_max3A_2203 = vector.multi_reduction <maximumf>, %add3A_2201, %reduce_max3A_2202 [1] : vector<16x8142xf32> to vector<16xf32>
    %broadcast_in_dim3A_2204 = vector.shape_cast %reduce_max3A_2203 : vector<16xf32> to vector<16x1xf32>
    %eq3A_2205 = vector.broadcast %broadcast_in_dim3A_2204 : vector<16x1xf32> to vector<16x8142xf32>
    %eq3A_2206 = arith.cmpf oeq, %add3A_2201, %eq3A_2205 : vector<16x8142xf32>
    %jit3A_2207 = arith.constant 1073741824 : i32
    %broadcast_in_dim3A_2208 = vector.broadcast %jit3A_2207 : i32 to vector<16x8142xi32>
    %select_n3A_2209 = arith.select %eq3A_2206, %iota3A_1725, %broadcast_in_dim3A_2208 : vector<16x8142xi1>, vector<16x8142xi32>
    %reduce_min3A_2210 = arith.constant dense<2147483647> : vector<16xi32>
    %reduce_min3A_2211 = vector.multi_reduction <minsi>, %select_n3A_2209, %reduce_min3A_2210 [1] : vector<16x8142xi32> to vector<16xi32>
    %broadcast_in_dim3A_2212 = vector.shape_cast %reduce_min3A_2211 : vector<16xi32> to vector<16x1xi32>
    %eq3A_2213 = arith.constant 12 : i32
    %eq3A_2214 = vector.broadcast %eq3A_2213 : i32 to vector<16x128xi32>
    %eq3A_2215 = arith.cmpi eq, %iota3A_1726, %eq3A_2214 : vector<16x128xi32>
    %jit3A_2216 = arith.constant 0 : i32
    %broadcast_in_dim3A_2217 = vector.shape_cast %broadcast_in_dim3A_2212 : vector<16x1xi32> to vector<16x1xi32>
    %broadcast_in_dim3A_2218 = vector.broadcast %broadcast_in_dim3A_2217 : vector<16x1xi32> to vector<16x128xi32>
    %broadcast_in_dim3A_2219 = vector.broadcast %jit3A_2216 : i32 to vector<16x128xi32>
    %select_n3A_2220 = arith.select %eq3A_2215, %broadcast_in_dim3A_2218, %broadcast_in_dim3A_2219 : vector<16x128xi1>, vector<16x128xi32>
    %add3A_2221 = arith.addi %add3A_2182, %select_n3A_2220 : vector<16x128xi32>
    %ge3A_2222 = vector.broadcast %broadcast_in_dim3A_2212 : vector<16x1xi32> to vector<16x8192xi32>
    %ge3A_2223 = arith.cmpi sge, %iota3A_1724, %ge3A_2222 : vector<16x8192xi32>
    %add3A_2224 = arith.constant 50 : i32
    %add3A_2225 = vector.broadcast %add3A_2224 : i32 to vector<16x1xi32>
    %add3A_2226 = arith.addi %broadcast_in_dim3A_2212, %add3A_2225 : vector<16x1xi32>
    %lt3A_2227 = vector.broadcast %add3A_2226 : vector<16x1xi32> to vector<16x8192xi32>
    %lt3A_2228 = arith.cmpi slt, %iota3A_1724, %lt3A_2227 : vector<16x8192xi32>
    %and3A_2229 = arith.andi %ge3A_2223, %lt3A_2228 : vector<16x8192xi1>
    %mul3A_2230 = arith.constant 1.000000e-01 : f32
    %mul3A_2231 = vector.broadcast %mul3A_2230 : f32 to vector<16x8192xf32>
    %mul3A_2232 = arith.mulf %select_n3A_2194, %mul3A_2231 : vector<16x8192xf32>
    %select_n3A_2233 = arith.select %and3A_2229, %mul3A_2232, %select_n3A_2194 : vector<16x8192xi1>, vector<16x8192xf32>
    %slice3A_2234 = vector.extract_strided_slice %select_n3A_2233 {offsets = [0, 0], sizes = [16, 8142], strides = [1, 1]} : vector<16x8192xf32> to vector<16x8142xf32>
    %get3A_2235 = arith.constant 13 : index
    %get3A_2236 = arith.constant 0 : index
    %get3A_2237 = arith.constant 0 : index
    %get3A_2238 = vector.load %arg2[%get3A_2235, %get3A_2236, %get3A_2237] : memref<20x16x8142xf32, #tpu.memory_space<vmem>>, vector<1x16x8142xf32>
    %get3A_2239 = vector.shape_cast %get3A_2238 : vector<1x16x8142xf32> to vector<16x8142xf32>
    %add3A_2240 = arith.addf %slice3A_2234, %get3A_2239 : vector<16x8142xf32>
    %reduce_max3A_2241 = arith.constant dense<0xFF800000> : vector<16xf32>
    %reduce_max3A_2242 = vector.multi_reduction <maximumf>, %add3A_2240, %reduce_max3A_2241 [1] : vector<16x8142xf32> to vector<16xf32>
    %broadcast_in_dim3A_2243 = vector.shape_cast %reduce_max3A_2242 : vector<16xf32> to vector<16x1xf32>
    %eq3A_2244 = vector.broadcast %broadcast_in_dim3A_2243 : vector<16x1xf32> to vector<16x8142xf32>
    %eq3A_2245 = arith.cmpf oeq, %add3A_2240, %eq3A_2244 : vector<16x8142xf32>
    %jit3A_2246 = arith.constant 1073741824 : i32
    %broadcast_in_dim3A_2247 = vector.broadcast %jit3A_2246 : i32 to vector<16x8142xi32>
    %select_n3A_2248 = arith.select %eq3A_2245, %iota3A_1725, %broadcast_in_dim3A_2247 : vector<16x8142xi1>, vector<16x8142xi32>
    %reduce_min3A_2249 = arith.constant dense<2147483647> : vector<16xi32>
    %reduce_min3A_2250 = vector.multi_reduction <minsi>, %select_n3A_2248, %reduce_min3A_2249 [1] : vector<16x8142xi32> to vector<16xi32>
    %broadcast_in_dim3A_2251 = vector.shape_cast %reduce_min3A_2250 : vector<16xi32> to vector<16x1xi32>
    %eq3A_2252 = arith.constant 13 : i32
    %eq3A_2253 = vector.broadcast %eq3A_2252 : i32 to vector<16x128xi32>
    %eq3A_2254 = arith.cmpi eq, %iota3A_1726, %eq3A_2253 : vector<16x128xi32>
    %jit3A_2255 = arith.constant 0 : i32
    %broadcast_in_dim3A_2256 = vector.shape_cast %broadcast_in_dim3A_2251 : vector<16x1xi32> to vector<16x1xi32>
    %broadcast_in_dim3A_2257 = vector.broadcast %broadcast_in_dim3A_2256 : vector<16x1xi32> to vector<16x128xi32>
    %broadcast_in_dim3A_2258 = vector.broadcast %jit3A_2255 : i32 to vector<16x128xi32>
    %select_n3A_2259 = arith.select %eq3A_2254, %broadcast_in_dim3A_2257, %broadcast_in_dim3A_2258 : vector<16x128xi1>, vector<16x128xi32>
    %add3A_2260 = arith.addi %add3A_2221, %select_n3A_2259 : vector<16x128xi32>
    %ge3A_2261 = vector.broadcast %broadcast_in_dim3A_2251 : vector<16x1xi32> to vector<16x8192xi32>
    %ge3A_2262 = arith.cmpi sge, %iota3A_1724, %ge3A_2261 : vector<16x8192xi32>
    %add3A_2263 = arith.constant 50 : i32
    %add3A_2264 = vector.broadcast %add3A_2263 : i32 to vector<16x1xi32>
    %add3A_2265 = arith.addi %broadcast_in_dim3A_2251, %add3A_2264 : vector<16x1xi32>
    %lt3A_2266 = vector.broadcast %add3A_2265 : vector<16x1xi32> to vector<16x8192xi32>
    %lt3A_2267 = arith.cmpi slt, %iota3A_1724, %lt3A_2266 : vector<16x8192xi32>
    %and3A_2268 = arith.andi %ge3A_2262, %lt3A_2267 : vector<16x8192xi1>
    %mul3A_2269 = arith.constant 1.000000e-01 : f32
    %mul3A_2270 = vector.broadcast %mul3A_2269 : f32 to vector<16x8192xf32>
    %mul3A_2271 = arith.mulf %select_n3A_2233, %mul3A_2270 : vector<16x8192xf32>
    %select_n3A_2272 = arith.select %and3A_2268, %mul3A_2271, %select_n3A_2233 : vector<16x8192xi1>, vector<16x8192xf32>
    %slice3A_2273 = vector.extract_strided_slice %select_n3A_2272 {offsets = [0, 0], sizes = [16, 8142], strides = [1, 1]} : vector<16x8192xf32> to vector<16x8142xf32>
    %get3A_2274 = arith.constant 14 : index
    %get3A_2275 = arith.constant 0 : index
    %get3A_2276 = arith.constant 0 : index
    %get3A_2277 = vector.load %arg2[%get3A_2274, %get3A_2275, %get3A_2276] : memref<20x16x8142xf32, #tpu.memory_space<vmem>>, vector<1x16x8142xf32>
    %get3A_2278 = vector.shape_cast %get3A_2277 : vector<1x16x8142xf32> to vector<16x8142xf32>
    %add3A_2279 = arith.addf %slice3A_2273, %get3A_2278 : vector<16x8142xf32>
    %reduce_max3A_2280 = arith.constant dense<0xFF800000> : vector<16xf32>
    %reduce_max3A_2281 = vector.multi_reduction <maximumf>, %add3A_2279, %reduce_max3A_2280 [1] : vector<16x8142xf32> to vector<16xf32>
    %broadcast_in_dim3A_2282 = vector.shape_cast %reduce_max3A_2281 : vector<16xf32> to vector<16x1xf32>
    %eq3A_2283 = vector.broadcast %broadcast_in_dim3A_2282 : vector<16x1xf32> to vector<16x8142xf32>
    %eq3A_2284 = arith.cmpf oeq, %add3A_2279, %eq3A_2283 : vector<16x8142xf32>
    %jit3A_2285 = arith.constant 1073741824 : i32
    %broadcast_in_dim3A_2286 = vector.broadcast %jit3A_2285 : i32 to vector<16x8142xi32>
    %select_n3A_2287 = arith.select %eq3A_2284, %iota3A_1725, %broadcast_in_dim3A_2286 : vector<16x8142xi1>, vector<16x8142xi32>
    %reduce_min3A_2288 = arith.constant dense<2147483647> : vector<16xi32>
    %reduce_min3A_2289 = vector.multi_reduction <minsi>, %select_n3A_2287, %reduce_min3A_2288 [1] : vector<16x8142xi32> to vector<16xi32>
    %broadcast_in_dim3A_2290 = vector.shape_cast %reduce_min3A_2289 : vector<16xi32> to vector<16x1xi32>
    %eq3A_2291 = arith.constant 14 : i32
    %eq3A_2292 = vector.broadcast %eq3A_2291 : i32 to vector<16x128xi32>
    %eq3A_2293 = arith.cmpi eq, %iota3A_1726, %eq3A_2292 : vector<16x128xi32>
    %jit3A_2294 = arith.constant 0 : i32
    %broadcast_in_dim3A_2295 = vector.shape_cast %broadcast_in_dim3A_2290 : vector<16x1xi32> to vector<16x1xi32>
    %broadcast_in_dim3A_2296 = vector.broadcast %broadcast_in_dim3A_2295 : vector<16x1xi32> to vector<16x128xi32>
    %broadcast_in_dim3A_2297 = vector.broadcast %jit3A_2294 : i32 to vector<16x128xi32>
    %select_n3A_2298 = arith.select %eq3A_2293, %broadcast_in_dim3A_2296, %broadcast_in_dim3A_2297 : vector<16x128xi1>, vector<16x128xi32>
    %add3A_2299 = arith.addi %add3A_2260, %select_n3A_2298 : vector<16x128xi32>
    %ge3A_2300 = vector.broadcast %broadcast_in_dim3A_2290 : vector<16x1xi32> to vector<16x8192xi32>
    %ge3A_2301 = arith.cmpi sge, %iota3A_1724, %ge3A_2300 : vector<16x8192xi32>
    %add3A_2302 = arith.constant 50 : i32
    %add3A_2303 = vector.broadcast %add3A_2302 : i32 to vector<16x1xi32>
    %add3A_2304 = arith.addi %broadcast_in_dim3A_2290, %add3A_2303 : vector<16x1xi32>
    %lt3A_2305 = vector.broadcast %add3A_2304 : vector<16x1xi32> to vector<16x8192xi32>
    %lt3A_2306 = arith.cmpi slt, %iota3A_1724, %lt3A_2305 : vector<16x8192xi32>
    %and3A_2307 = arith.andi %ge3A_2301, %lt3A_2306 : vector<16x8192xi1>
    %mul3A_2308 = arith.constant 1.000000e-01 : f32
    %mul3A_2309 = vector.broadcast %mul3A_2308 : f32 to vector<16x8192xf32>
    %mul3A_2310 = arith.mulf %select_n3A_2272, %mul3A_2309 : vector<16x8192xf32>
    %select_n3A_2311 = arith.select %and3A_2307, %mul3A_2310, %select_n3A_2272 : vector<16x8192xi1>, vector<16x8192xf32>
    %slice3A_2312 = vector.extract_strided_slice %select_n3A_2311 {offsets = [0, 0], sizes = [16, 8142], strides = [1, 1]} : vector<16x8192xf32> to vector<16x8142xf32>
    %get3A_2313 = arith.constant 15 : index
    %get3A_2314 = arith.constant 0 : index
    %get3A_2315 = arith.constant 0 : index
    %get3A_2316 = vector.load %arg2[%get3A_2313, %get3A_2314, %get3A_2315] : memref<20x16x8142xf32, #tpu.memory_space<vmem>>, vector<1x16x8142xf32>
    %get3A_2317 = vector.shape_cast %get3A_2316 : vector<1x16x8142xf32> to vector<16x8142xf32>
    %add3A_2318 = arith.addf %slice3A_2312, %get3A_2317 : vector<16x8142xf32>
    %reduce_max3A_2319 = arith.constant dense<0xFF800000> : vector<16xf32>
    %reduce_max3A_2320 = vector.multi_reduction <maximumf>, %add3A_2318, %reduce_max3A_2319 [1] : vector<16x8142xf32> to vector<16xf32>
    %broadcast_in_dim3A_2321 = vector.shape_cast %reduce_max3A_2320 : vector<16xf32> to vector<16x1xf32>
    %eq3A_2322 = vector.broadcast %broadcast_in_dim3A_2321 : vector<16x1xf32> to vector<16x8142xf32>
    %eq3A_2323 = arith.cmpf oeq, %add3A_2318, %eq3A_2322 : vector<16x8142xf32>
    %jit3A_2324 = arith.constant 1073741824 : i32
    %broadcast_in_dim3A_2325 = vector.broadcast %jit3A_2324 : i32 to vector<16x8142xi32>
    %select_n3A_2326 = arith.select %eq3A_2323, %iota3A_1725, %broadcast_in_dim3A_2325 : vector<16x8142xi1>, vector<16x8142xi32>
    %reduce_min3A_2327 = arith.constant dense<2147483647> : vector<16xi32>
    %reduce_min3A_2328 = vector.multi_reduction <minsi>, %select_n3A_2326, %reduce_min3A_2327 [1] : vector<16x8142xi32> to vector<16xi32>
    %broadcast_in_dim3A_2329 = vector.shape_cast %reduce_min3A_2328 : vector<16xi32> to vector<16x1xi32>
    %eq3A_2330 = arith.constant 15 : i32
    %eq3A_2331 = vector.broadcast %eq3A_2330 : i32 to vector<16x128xi32>
    %eq3A_2332 = arith.cmpi eq, %iota3A_1726, %eq3A_2331 : vector<16x128xi32>
    %jit3A_2333 = arith.constant 0 : i32
    %broadcast_in_dim3A_2334 = vector.shape_cast %broadcast_in_dim3A_2329 : vector<16x1xi32> to vector<16x1xi32>
    %broadcast_in_dim3A_2335 = vector.broadcast %broadcast_in_dim3A_2334 : vector<16x1xi32> to vector<16x128xi32>
    %broadcast_in_dim3A_2336 = vector.broadcast %jit3A_2333 : i32 to vector<16x128xi32>
    %select_n3A_2337 = arith.select %eq3A_2332, %broadcast_in_dim3A_2335, %broadcast_in_dim3A_2336 : vector<16x128xi1>, vector<16x128xi32>
    %add3A_2338 = arith.addi %add3A_2299, %select_n3A_2337 : vector<16x128xi32>
    %ge3A_2339 = vector.broadcast %broadcast_in_dim3A_2329 : vector<16x1xi32> to vector<16x8192xi32>
    %ge3A_2340 = arith.cmpi sge, %iota3A_1724, %ge3A_2339 : vector<16x8192xi32>
    %add3A_2341 = arith.constant 50 : i32
    %add3A_2342 = vector.broadcast %add3A_2341 : i32 to vector<16x1xi32>
    %add3A_2343 = arith.addi %broadcast_in_dim3A_2329, %add3A_2342 : vector<16x1xi32>
    %lt3A_2344 = vector.broadcast %add3A_2343 : vector<16x1xi32> to vector<16x8192xi32>
    %lt3A_2345 = arith.cmpi slt, %iota3A_1724, %lt3A_2344 : vector<16x8192xi32>
    %and3A_2346 = arith.andi %ge3A_2340, %lt3A_2345 : vector<16x8192xi1>
    %mul3A_2347 = arith.constant 1.000000e-01 : f32
    %mul3A_2348 = vector.broadcast %mul3A_2347 : f32 to vector<16x8192xf32>
    %mul3A_2349 = arith.mulf %select_n3A_2311, %mul3A_2348 : vector<16x8192xf32>
    %select_n3A_2350 = arith.select %and3A_2346, %mul3A_2349, %select_n3A_2311 : vector<16x8192xi1>, vector<16x8192xf32>
    %slice3A_2351 = vector.extract_strided_slice %select_n3A_2350 {offsets = [0, 0], sizes = [16, 8142], strides = [1, 1]} : vector<16x8192xf32> to vector<16x8142xf32>
    %get3A_2352 = arith.constant 16 : index
    %get3A_2353 = arith.constant 0 : index
    %get3A_2354 = arith.constant 0 : index
    %get3A_2355 = vector.load %arg2[%get3A_2352, %get3A_2353, %get3A_2354] : memref<20x16x8142xf32, #tpu.memory_space<vmem>>, vector<1x16x8142xf32>
    %get3A_2356 = vector.shape_cast %get3A_2355 : vector<1x16x8142xf32> to vector<16x8142xf32>
    %add3A_2357 = arith.addf %slice3A_2351, %get3A_2356 : vector<16x8142xf32>
    %reduce_max3A_2358 = arith.constant dense<0xFF800000> : vector<16xf32>
    %reduce_max3A_2359 = vector.multi_reduction <maximumf>, %add3A_2357, %reduce_max3A_2358 [1] : vector<16x8142xf32> to vector<16xf32>
    %broadcast_in_dim3A_2360 = vector.shape_cast %reduce_max3A_2359 : vector<16xf32> to vector<16x1xf32>
    %eq3A_2361 = vector.broadcast %broadcast_in_dim3A_2360 : vector<16x1xf32> to vector<16x8142xf32>
    %eq3A_2362 = arith.cmpf oeq, %add3A_2357, %eq3A_2361 : vector<16x8142xf32>
    %jit3A_2363 = arith.constant 1073741824 : i32
    %broadcast_in_dim3A_2364 = vector.broadcast %jit3A_2363 : i32 to vector<16x8142xi32>
    %select_n3A_2365 = arith.select %eq3A_2362, %iota3A_1725, %broadcast_in_dim3A_2364 : vector<16x8142xi1>, vector<16x8142xi32>
    %reduce_min3A_2366 = arith.constant dense<2147483647> : vector<16xi32>
    %reduce_min3A_2367 = vector.multi_reduction <minsi>, %select_n3A_2365, %reduce_min3A_2366 [1] : vector<16x8142xi32> to vector<16xi32>
    %broadcast_in_dim3A_2368 = vector.shape_cast %reduce_min3A_2367 : vector<16xi32> to vector<16x1xi32>
    %eq3A_2369 = arith.constant 16 : i32
    %eq3A_2370 = vector.broadcast %eq3A_2369 : i32 to vector<16x128xi32>
    %eq3A_2371 = arith.cmpi eq, %iota3A_1726, %eq3A_2370 : vector<16x128xi32>
    %jit3A_2372 = arith.constant 0 : i32
    %broadcast_in_dim3A_2373 = vector.shape_cast %broadcast_in_dim3A_2368 : vector<16x1xi32> to vector<16x1xi32>
    %broadcast_in_dim3A_2374 = vector.broadcast %broadcast_in_dim3A_2373 : vector<16x1xi32> to vector<16x128xi32>
    %broadcast_in_dim3A_2375 = vector.broadcast %jit3A_2372 : i32 to vector<16x128xi32>
    %select_n3A_2376 = arith.select %eq3A_2371, %broadcast_in_dim3A_2374, %broadcast_in_dim3A_2375 : vector<16x128xi1>, vector<16x128xi32>
    %add3A_2377 = arith.addi %add3A_2338, %select_n3A_2376 : vector<16x128xi32>
    %ge3A_2378 = vector.broadcast %broadcast_in_dim3A_2368 : vector<16x1xi32> to vector<16x8192xi32>
    %ge3A_2379 = arith.cmpi sge, %iota3A_1724, %ge3A_2378 : vector<16x8192xi32>
    %add3A_2380 = arith.constant 50 : i32
    %add3A_2381 = vector.broadcast %add3A_2380 : i32 to vector<16x1xi32>
    %add3A_2382 = arith.addi %broadcast_in_dim3A_2368, %add3A_2381 : vector<16x1xi32>
    %lt3A_2383 = vector.broadcast %add3A_2382 : vector<16x1xi32> to vector<16x8192xi32>
    %lt3A_2384 = arith.cmpi slt, %iota3A_1724, %lt3A_2383 : vector<16x8192xi32>
    %and3A_2385 = arith.andi %ge3A_2379, %lt3A_2384 : vector<16x8192xi1>
    %mul3A_2386 = arith.constant 1.000000e-01 : f32
    %mul3A_2387 = vector.broadcast %mul3A_2386 : f32 to vector<16x8192xf32>
    %mul3A_2388 = arith.mulf %select_n3A_2350, %mul3A_2387 : vector<16x8192xf32>
    %select_n3A_2389 = arith.select %and3A_2385, %mul3A_2388, %select_n3A_2350 : vector<16x8192xi1>, vector<16x8192xf32>
    %slice3A_2390 = vector.extract_strided_slice %select_n3A_2389 {offsets = [0, 0], sizes = [16, 8142], strides = [1, 1]} : vector<16x8192xf32> to vector<16x8142xf32>
    %get3A_2391 = arith.constant 17 : index
    %get3A_2392 = arith.constant 0 : index
    %get3A_2393 = arith.constant 0 : index
    %get3A_2394 = vector.load %arg2[%get3A_2391, %get3A_2392, %get3A_2393] : memref<20x16x8142xf32, #tpu.memory_space<vmem>>, vector<1x16x8142xf32>
    %get3A_2395 = vector.shape_cast %get3A_2394 : vector<1x16x8142xf32> to vector<16x8142xf32>
    %add3A_2396 = arith.addf %slice3A_2390, %get3A_2395 : vector<16x8142xf32>
    %reduce_max3A_2397 = arith.constant dense<0xFF800000> : vector<16xf32>
    %reduce_max3A_2398 = vector.multi_reduction <maximumf>, %add3A_2396, %reduce_max3A_2397 [1] : vector<16x8142xf32> to vector<16xf32>
    %broadcast_in_dim3A_2399 = vector.shape_cast %reduce_max3A_2398 : vector<16xf32> to vector<16x1xf32>
    %eq3A_2400 = vector.broadcast %broadcast_in_dim3A_2399 : vector<16x1xf32> to vector<16x8142xf32>
    %eq3A_2401 = arith.cmpf oeq, %add3A_2396, %eq3A_2400 : vector<16x8142xf32>
    %jit3A_2402 = arith.constant 1073741824 : i32
    %broadcast_in_dim3A_2403 = vector.broadcast %jit3A_2402 : i32 to vector<16x8142xi32>
    %select_n3A_2404 = arith.select %eq3A_2401, %iota3A_1725, %broadcast_in_dim3A_2403 : vector<16x8142xi1>, vector<16x8142xi32>
    %reduce_min3A_2405 = arith.constant dense<2147483647> : vector<16xi32>
    %reduce_min3A_2406 = vector.multi_reduction <minsi>, %select_n3A_2404, %reduce_min3A_2405 [1] : vector<16x8142xi32> to vector<16xi32>
    %broadcast_in_dim3A_2407 = vector.shape_cast %reduce_min3A_2406 : vector<16xi32> to vector<16x1xi32>
    %eq3A_2408 = arith.constant 17 : i32
    %eq3A_2409 = vector.broadcast %eq3A_2408 : i32 to vector<16x128xi32>
    %eq3A_2410 = arith.cmpi eq, %iota3A_1726, %eq3A_2409 : vector<16x128xi32>
    %jit3A_2411 = arith.constant 0 : i32
    %broadcast_in_dim3A_2412 = vector.shape_cast %broadcast_in_dim3A_2407 : vector<16x1xi32> to vector<16x1xi32>
    %broadcast_in_dim3A_2413 = vector.broadcast %broadcast_in_dim3A_2412 : vector<16x1xi32> to vector<16x128xi32>
    %broadcast_in_dim3A_2414 = vector.broadcast %jit3A_2411 : i32 to vector<16x128xi32>
    %select_n3A_2415 = arith.select %eq3A_2410, %broadcast_in_dim3A_2413, %broadcast_in_dim3A_2414 : vector<16x128xi1>, vector<16x128xi32>
    %add3A_2416 = arith.addi %add3A_2377, %select_n3A_2415 : vector<16x128xi32>
    %ge3A_2417 = vector.broadcast %broadcast_in_dim3A_2407 : vector<16x1xi32> to vector<16x8192xi32>
    %ge3A_2418 = arith.cmpi sge, %iota3A_1724, %ge3A_2417 : vector<16x8192xi32>
    %add3A_2419 = arith.constant 50 : i32
    %add3A_2420 = vector.broadcast %add3A_2419 : i32 to vector<16x1xi32>
    %add3A_2421 = arith.addi %broadcast_in_dim3A_2407, %add3A_2420 : vector<16x1xi32>
    %lt3A_2422 = vector.broadcast %add3A_2421 : vector<16x1xi32> to vector<16x8192xi32>
    %lt3A_2423 = arith.cmpi slt, %iota3A_1724, %lt3A_2422 : vector<16x8192xi32>
    %and3A_2424 = arith.andi %ge3A_2418, %lt3A_2423 : vector<16x8192xi1>
    %mul3A_2425 = arith.constant 1.000000e-01 : f32
    %mul3A_2426 = vector.broadcast %mul3A_2425 : f32 to vector<16x8192xf32>
    %mul3A_2427 = arith.mulf %select_n3A_2389, %mul3A_2426 : vector<16x8192xf32>
    %select_n3A_2428 = arith.select %and3A_2424, %mul3A_2427, %select_n3A_2389 : vector<16x8192xi1>, vector<16x8192xf32>
    %slice3A_2429 = vector.extract_strided_slice %select_n3A_2428 {offsets = [0, 0], sizes = [16, 8142], strides = [1, 1]} : vector<16x8192xf32> to vector<16x8142xf32>
    %get3A_2430 = arith.constant 18 : index
    %get3A_2431 = arith.constant 0 : index
    %get3A_2432 = arith.constant 0 : index
    %get3A_2433 = vector.load %arg2[%get3A_2430, %get3A_2431, %get3A_2432] : memref<20x16x8142xf32, #tpu.memory_space<vmem>>, vector<1x16x8142xf32>
    %get3A_2434 = vector.shape_cast %get3A_2433 : vector<1x16x8142xf32> to vector<16x8142xf32>
    %add3A_2435 = arith.addf %slice3A_2429, %get3A_2434 : vector<16x8142xf32>
    %reduce_max3A_2436 = arith.constant dense<0xFF800000> : vector<16xf32>
    %reduce_max3A_2437 = vector.multi_reduction <maximumf>, %add3A_2435, %reduce_max3A_2436 [1] : vector<16x8142xf32> to vector<16xf32>
    %broadcast_in_dim3A_2438 = vector.shape_cast %reduce_max3A_2437 : vector<16xf32> to vector<16x1xf32>
    %eq3A_2439 = vector.broadcast %broadcast_in_dim3A_2438 : vector<16x1xf32> to vector<16x8142xf32>
    %eq3A_2440 = arith.cmpf oeq, %add3A_2435, %eq3A_2439 : vector<16x8142xf32>
    %jit3A_2441 = arith.constant 1073741824 : i32
    %broadcast_in_dim3A_2442 = vector.broadcast %jit3A_2441 : i32 to vector<16x8142xi32>
    %select_n3A_2443 = arith.select %eq3A_2440, %iota3A_1725, %broadcast_in_dim3A_2442 : vector<16x8142xi1>, vector<16x8142xi32>
    %reduce_min3A_2444 = arith.constant dense<2147483647> : vector<16xi32>
    %reduce_min3A_2445 = vector.multi_reduction <minsi>, %select_n3A_2443, %reduce_min3A_2444 [1] : vector<16x8142xi32> to vector<16xi32>
    %broadcast_in_dim3A_2446 = vector.shape_cast %reduce_min3A_2445 : vector<16xi32> to vector<16x1xi32>
    %eq3A_2447 = arith.constant 18 : i32
    %eq3A_2448 = vector.broadcast %eq3A_2447 : i32 to vector<16x128xi32>
    %eq3A_2449 = arith.cmpi eq, %iota3A_1726, %eq3A_2448 : vector<16x128xi32>
    %jit3A_2450 = arith.constant 0 : i32
    %broadcast_in_dim3A_2451 = vector.shape_cast %broadcast_in_dim3A_2446 : vector<16x1xi32> to vector<16x1xi32>
    %broadcast_in_dim3A_2452 = vector.broadcast %broadcast_in_dim3A_2451 : vector<16x1xi32> to vector<16x128xi32>
    %broadcast_in_dim3A_2453 = vector.broadcast %jit3A_2450 : i32 to vector<16x128xi32>
    %select_n3A_2454 = arith.select %eq3A_2449, %broadcast_in_dim3A_2452, %broadcast_in_dim3A_2453 : vector<16x128xi1>, vector<16x128xi32>
    %add3A_2455 = arith.addi %add3A_2416, %select_n3A_2454 : vector<16x128xi32>
    %ge3A_2456 = vector.broadcast %broadcast_in_dim3A_2446 : vector<16x1xi32> to vector<16x8192xi32>
    %ge3A_2457 = arith.cmpi sge, %iota3A_1724, %ge3A_2456 : vector<16x8192xi32>
    %add3A_2458 = arith.constant 50 : i32
    %add3A_2459 = vector.broadcast %add3A_2458 : i32 to vector<16x1xi32>
    %add3A_2460 = arith.addi %broadcast_in_dim3A_2446, %add3A_2459 : vector<16x1xi32>
    %lt3A_2461 = vector.broadcast %add3A_2460 : vector<16x1xi32> to vector<16x8192xi32>
    %lt3A_2462 = arith.cmpi slt, %iota3A_1724, %lt3A_2461 : vector<16x8192xi32>
    %and3A_2463 = arith.andi %ge3A_2457, %lt3A_2462 : vector<16x8192xi1>
    %mul3A_2464 = arith.constant 1.000000e-01 : f32
    %mul3A_2465 = vector.broadcast %mul3A_2464 : f32 to vector<16x8192xf32>
    %mul3A_2466 = arith.mulf %select_n3A_2428, %mul3A_2465 : vector<16x8192xf32>
    %select_n3A_2467 = arith.select %and3A_2463, %mul3A_2466, %select_n3A_2428 : vector<16x8192xi1>, vector<16x8192xf32>
    %slice3A_2468 = vector.extract_strided_slice %select_n3A_2467 {offsets = [0, 0], sizes = [16, 8142], strides = [1, 1]} : vector<16x8192xf32> to vector<16x8142xf32>
    %get3A_2469 = arith.constant 19 : index
    %get3A_2470 = arith.constant 0 : index
    %get3A_2471 = arith.constant 0 : index
    %get3A_2472 = vector.load %arg2[%get3A_2469, %get3A_2470, %get3A_2471] : memref<20x16x8142xf32, #tpu.memory_space<vmem>>, vector<1x16x8142xf32>
    %get3A_2473 = vector.shape_cast %get3A_2472 : vector<1x16x8142xf32> to vector<16x8142xf32>
    %add3A_2474 = arith.addf %slice3A_2468, %get3A_2473 : vector<16x8142xf32>
    %reduce_max3A_2475 = arith.constant dense<0xFF800000> : vector<16xf32>
    %reduce_max3A_2476 = vector.multi_reduction <maximumf>, %add3A_2474, %reduce_max3A_2475 [1] : vector<16x8142xf32> to vector<16xf32>
    %broadcast_in_dim3A_2477 = vector.shape_cast %reduce_max3A_2476 : vector<16xf32> to vector<16x1xf32>
    %eq3A_2478 = vector.broadcast %broadcast_in_dim3A_2477 : vector<16x1xf32> to vector<16x8142xf32>
    %eq3A_2479 = arith.cmpf oeq, %add3A_2474, %eq3A_2478 : vector<16x8142xf32>
    %jit3A_2480 = arith.constant 1073741824 : i32
    %broadcast_in_dim3A_2481 = vector.broadcast %jit3A_2480 : i32 to vector<16x8142xi32>
    %select_n3A_2482 = arith.select %eq3A_2479, %iota3A_1725, %broadcast_in_dim3A_2481 : vector<16x8142xi1>, vector<16x8142xi32>
    %reduce_min3A_2483 = arith.constant dense<2147483647> : vector<16xi32>
    %reduce_min3A_2484 = vector.multi_reduction <minsi>, %select_n3A_2482, %reduce_min3A_2483 [1] : vector<16x8142xi32> to vector<16xi32>
    %broadcast_in_dim3A_2485 = vector.shape_cast %reduce_min3A_2484 : vector<16xi32> to vector<16x1xi32>
    %eq3A_2486 = arith.constant 19 : i32
    %eq3A_2487 = vector.broadcast %eq3A_2486 : i32 to vector<16x128xi32>
    %eq3A_2488 = arith.cmpi eq, %iota3A_1726, %eq3A_2487 : vector<16x128xi32>
    %jit3A_2489 = arith.constant 0 : i32
    %broadcast_in_dim3A_2490 = vector.shape_cast %broadcast_in_dim3A_2485 : vector<16x1xi32> to vector<16x1xi32>
    %broadcast_in_dim3A_2491 = vector.broadcast %broadcast_in_dim3A_2490 : vector<16x1xi32> to vector<16x128xi32>
    %broadcast_in_dim3A_2492 = vector.broadcast %jit3A_2489 : i32 to vector<16x128xi32>
    %select_n3A_2493 = arith.select %eq3A_2488, %broadcast_in_dim3A_2491, %broadcast_in_dim3A_2492 : vector<16x128xi1>, vector<16x128xi32>
    %add3A_2494 = arith.addi %add3A_2455, %select_n3A_2493 : vector<16x128xi32>
    %swap3A_2495 = arith.constant 0 : index
    %swap3A_2496 = arith.constant 0 : index
    %swap3A_2497 = vector.load %arg9[%swap3A_2495, %swap3A_2496] : memref<16x128xi32, #tpu.memory_space<vmem>>, vector<16x128xi32>
    tpu.vector_store %arg9[%swap3A_2495, %swap3A_2496], %add3A_2494 {strides = array<i32>} : memref<16x128xi32, #tpu.memory_space<vmem>>, vector<16x128xi32>,
    return
  }
  func.func @transform_0(%arg0: i32) -> (i32, i32, i32) {
    %c0_i32 = arith.constant 0 : i32
    %c0_i32_0 = arith.constant 0 : i32
    %c0_i32_1 = arith.constant 0 : i32
    return %arg0, %c0_i32, %c0_i32_0 : i32, i32, i32
  }
  func.func @transform_1(%arg0: i32) -> (i32, i32, i32) {
    %c0_i32 = arith.constant 0 : i32
    %c0_i32_0 = arith.constant 0 : i32
    %c0_i32_1 = arith.constant 0 : i32
    return %c0_i32, %arg0, %c0_i32_0 : i32, i32, i32
  }
  func.func @transform_2(%arg0: i32) -> (i32, i32) {
    %c0_i32 = arith.constant 0 : i32
    %c0_i32_0 = arith.constant 0 : i32
    %c0_i32_1 = arith.constant 0 : i32
    return %c0_i32, %c0_i32_0 : i32, i32
  }
  func.func @transform_3(%arg0: i32) -> (i32, i32) {
    %c0_i32 = arith.constant 0 : i32
    %c0_i32_0 = arith.constant 0 : i32
    %c0_i32_1 = arith.constant 0 : i32
    return %c0_i32, %c0_i32_0 : i32, i32
  }
  func.func @transform_4(%arg0: i32) -> (i32, i32) {
    %c0_i32 = arith.constant 0 : i32
    %c0_i32_0 = arith.constant 0 : i32
    %c0_i32_1 = arith.constant 0 : i32
    return %c0_i32, %c0_i32_0 : i32, i32
  }
  func.func @transform_5(%arg0: i32) -> (i32, i32) {
    %c0_i32 = arith.constant 0 : i32
    %c0_i32_0 = arith.constant 0 : i32
    %c0_i32_1 = arith.constant 0 : i32
    return %c0_i32, %c0_i32_0 : i32, i32
  }
  func.func @transform_6(%arg0: i32) -> (i32, i32) {
    %c0_i32 = arith.constant 0 : i32
    %c0_i32_0 = arith.constant 0 : i32
    %c0_i32_1 = arith.constant 0 : i32
    return %c0_i32, %c0_i32_0 : i32, i32
  }
  func.func @transform_7(%arg0: i32) -> (i32, i32) {
    %c0_i32 = arith.constant 0 : i32
    %c0_i32_0 = arith.constant 0 : i32
    %c0_i32_1 = arith.constant 0 : i32
    return %c0_i32, %c0_i32_0 : i32, i32
  }
  func.func @transform_8(%arg0: i32) -> (i32, i32) {
    %c0_i32 = arith.constant 0 : i32
    %c0_i32_0 = arith.constant 0 : i32
    return %arg0, %c0_i32 : i32, i32
  }
  func.func @transform_9(%arg0: i32) -> (i32, i32) {
    %c0_i32 = arith.constant 0 : i32
    %c0_i32_0 = arith.constant 0 : i32
    return %arg0, %c0_i32 : i32, i32
  }
}

</mosaic_0001>

<sc_bundles>
// kernel: kernel.4.cloned.1.call-start
scs
__scs_entry_jumppad:
0x0: {  	(pc) =	sbr.rel $0x88, $3  }
0x1: {  	(tag) =	ssettag $0x0;
	lr =	simm.s32 $0x1  }
0x2: {  	[smem:$0x3F9A] =	sst lr;
	_ =	strace $0xD0000000  }
0x3: {  	_ = 	snop  }
0x4: {  	_ = 	snop  }
0x5: {  	_ = 	snop  }
0x6: {  	_ = 	snop  }
0x7: {  	_ = 	snop  }
__scs_overlays_trampoline_lowered:
0x8: {  	[smem:$0x3FA9] =	sst s0  }
0x9: {  	[smem:$0x3FAA] =	sst s1  }
0xa: {  	[smem:$0x3FAB] =	sst s2  }
0xb: {  	[smem:$0x3FAC] =	sst s3  }
0xc: {  	[smem:$0x3FAD] =	sst s4  }
0xd: {  	[smem:$0x3FAE] =	sst s5  }
0xe: {  	[smem:$0x3FAF] =	sst s6  }
0xf: {  	[smem:$0x3FB0] =	sst s7  }
0x10: {  	[smem:$0x3FB1] =	sst s8  }
0x11: {  	[smem:$0x3FB2] =	sst s9;
	s0 =	simm.s32 @!p0 $0x0  }
0x12: {  	s1 =	sld [smem:$0x3F98];
	s0 =	simm.s32 @p0 $0x1  }
0x13: {  	[smem:$0x3FB3] =	sst s0;
	s0 =	simm.s32 @!p1 $0x0  }
0x14: {  	s2 =	sld [smem:$0x3F97];
	s0 =	simm.s32 @p1 $0x1  }
0x15: {  	[smem:$0x3FB4] =	sst s0;
	s0 =	simm.s32 @!p2 $0x0  }
0x16: {  	s3 =	sld [smem:$0x3FDB];
	s0 =	simm.s32 @p2 $0x1  }
0x17: {  	s4 =	simm.s32 $0x1BF5;
	[smem:$0x3FB6] =	sst s0  }
0x18: {  	s0 =	sld [smem:$0x3F99];
	_ =	swait.ge [sflag:s4], $0x0  }
0x19: {  	s7 =	sld [smem:$0x3F9A]  }
0x1a: {  	s8 =	sadd.s32 $0xFFFFE003, lr  }
0x1b: {  	s9 =	sadd.s32 $0xFFFFFEF7, lr;
	s5 =	simm.s32 $0xFFFFFFFF;
	p2 =	slt.u32 s8, $0xFFFFF086  }
0x1c: {  	p1 =	slt.u32 s9, $0xF7A;
	s5 =	simm.s32 @!p2 $0x0  }
0x1d: {  	s5 =	simm.s32 @p1 $0x1;
	p0 =	seq.s32 s7, s2  }
0x1e: {  	s7 =	smul.u32 @!p0 $0xF7A, s2;
	p2 =	seq.s32 @!p0 s5, $0x0  }
0x1f: {  	s9 =	smul.u32 $0xF7A, s1;
	s8 =	simm.s32 @!p0 $0x1BF5;
	p2 =	por !p2, p0  }
0x20: {  	[sflag:s8] =	ssyncset.s32 @!p0 $0xFFFFF086;
	s6 =	sadd.s32 @!p0 s3, s7;
	s7 =	simm.s32 @!p0 $0x108  }
0x21: {  	s3 =	sadd.s32 s3, s9;
	s6 =	sadd.s32 @!p0 $0x88, s6;
	s7 =	simm.s32 @p2 $0x1082  }
0x22: {  	[simem:s7], [sflag:s8] =	dma.local @!p0 [hbm:s6], $0xF7A  }
0x23: {  	s9 =	sor.u32 $0xD0000000, s2;
	s6 =	simm.s32 $0x108;
	_ =	swait.ge @!p0 [sflag:s8], $0x0  }
0x24: {  	s3 =	sadd.s32 $0x88, s3;
	s6 =	simm.s32 @!p1 $0x1082;
	[sflag:s4] =	ssyncset.s32 $0xFFFFF086  }
0x25: {  	[simem:s6], [sflag:s4] =	dma.local [hbm:s3], $0xF7A  }
0x26: {  	[smem:$0x3F9A] =	sst s1;
	(tag) =	ssettag s2;
	_ =	strace s9  }
0x27: {  	s1 =	sld [smem:$0x3FAA]  }
0x28: {  	s2 =	sld [smem:$0x3FAB]  }
0x29: {  	s4 =	sld [smem:$0x3FAD]  }
0x2a: {  	p0 =	seq.s32 s5, $0x0;
	s5 =	sld [smem:$0x3FAE]  }
0x2b: {  	s6 =	sld [smem:$0x3FAF]  }
0x2c: {  	s7 =	sld [smem:$0x3FB0]  }
0x2d: {  	s3 =	simm.s32 $0x108;
	s8 =	sld [smem:$0x3FB1]  }
0x2e: {  	s3 =	simm.s32 @!p0 $0x1082;
	s9 =	sld [smem:$0x3FB2]  }
0x2f: {  	lr =	sadd.s32 s0, s3;
	s0 =	sld [smem:$0x3FA9]  }
0x30: {  	s3 =	sld [smem:$0x3FAC]  }
0x31: {  	[smem:$0x3FB5] =	sst s10  }
0x32: {  	s10 =	sld [smem:$0x3FB3];
	_ =	sdelay $0x3  }
0x33: {  	p0 =	seq.s32 s10, $0x1;
	s10 =	sld [smem:$0x3FB5];
	_ =	sdelay $0x3  }
0x34: {  	[smem:$0x3FB5] =	sst s10  }
0x35: {  	s10 =	sld [smem:$0x3FB4];
	_ =	sdelay $0x3  }
0x36: {  	p1 =	seq.s32 s10, $0x1;
	s10 =	sld [smem:$0x3FB5];
	_ =	sdelay $0x3  }
0x37: {  	[smem:$0x3FB5] =	sst s10  }
0x38: {  	s10 =	sld [smem:$0x3FB6]  }
0x39: {  	_ = 	snop;
	(pc) =	sbr.ind lr, $3  }
0x3a: {  	_ = 	snop  }
0x3b: {  	_ = 	snop  }
0x3c: {  	p2 =	seq.s32 s10, $0x1;
	s10 =	sld [smem:$0x3FB5]  }
0x3d: {  	_ =	shalt  }
0x3e: {  	_ =	shalt  }
0x3f: {  	_ =	shalt  }
0x40: {  	_ =	shalt  }
0x41: {  	_ =	shalt  }
0x42: {  	_ =	shalt  }
0x43: {  	_ =	shalt  }
0x44: {  	_ =	shalt  }
0x45: {  	_ =	shalt  }
0x46: {  	_ =	shalt  }
0x47: {  	_ =	shalt  }
0x48: {  	_ =	shalt  }
0x49: {  	_ =	shalt  }
0x4a: {  	_ =	shalt  }
0x4b: {  	_ =	shalt  }
0x4c: {  	_ =	shalt  }
0x4d: {  	_ =	shalt  }
0x4e: {  	_ =	shalt  }
0x4f: {  	_ =	shalt  }
0x50: {  	_ =	shalt  }
0x51: {  	_ =	shalt  }
0x52: {  	_ =	shalt  }
0x53: {  	_ =	shalt  }
0x54: {  	_ =	shalt  }
0x55: {  	_ =	shalt  }
0x56: {  	_ =	shalt  }
0x57: {  	_ =	shalt  }
0x58: {  	_ =	shalt  }
0x59: {  	_ =	shalt  }
0x5a: {  	_ =	shalt  }
0x5b: {  	_ =	shalt  }
0x5c: {  	_ =	shalt  }
0x5d: {  	_ =	shalt  }
0x5e: {  	_ =	shalt  }
0x5f: {  	_ =	shalt  }
0x60: {  	_ =	shalt  }
0x61: {  	_ =	shalt  }
0x62: {  	_ =	shalt  }
0x63: {  	_ =	shalt  }
0x64: {  	_ =	shalt  }
0x65: {  	_ =	shalt  }
0x66: {  	_ =	shalt  }
0x67: {  	_ =	shalt  }
0x68: {  	_ =	shalt  }
0x69: {  	_ =	shalt  }
0x6a: {  	_ =	shalt  }
0x6b: {  	_ =	shalt  }
0x6c: {  	_ =	shalt  }
0x6d: {  	_ =	shalt  }
0x6e: {  	_ =	shalt  }
0x6f: {  	_ =	shalt  }
0x70: {  	_ =	shalt  }
0x71: {  	_ =	shalt  }
0x72: {  	_ =	shalt  }
0x73: {  	_ =	shalt  }
0x74: {  	_ =	shalt  }
0x75: {  	_ =	shalt  }
0x76: {  	_ =	shalt  }
0x77: {  	_ =	shalt  }
0x78: {  	_ =	shalt  }
0x79: {  	_ =	shalt  }
0x7a: {  	_ =	shalt  }
0x7b: {  	_ =	shalt  }
0x7c: {  	_ =	shalt  }
0x7d: {  	_ =	shalt  }
0x7e: {  	_ =	shalt  }
0x7f: {  	_ =	shalt  }
0x80: {  	_ =	shalt  }
0x81: {  	_ =	shalt  }
0x82: {  	_ =	shalt  }
0x83: {  	_ =	shalt  }
0x84: {  	_ =	shalt  }
0x85: {  	_ =	shalt  }
0x86: {  	_ =	shalt  }
0x87: {  	_ =	shalt  }
.Lfunc_end0:
.L_simem_size_0:
called_computation_lowered:
.L_overlay_start_0:
0x88: {  	s2 =	sld [smem:$0x3FD9]  }
0x89: {  	s3 =	sld [smem:$0x3FFE];
	_ =	sdelay $0x1  }
0x8a: {  	s1 =	srdreg.scid  }
0x8b: {  	s0 =	sand.u32 $0x1, s1  }
0x8c: {  	s17 =	sshll.u32 s0, $0xA;
	s2 =	sadd.s32 s3, s2  }
0x8d: {  	s2 =	sadd.s32 s2, s17  }
0x8e: {  	[smem:$0x3FC1] =	sst s2  }
0x8f: {  	_ = 	snop  }
0x90: {  	s2 =	sld [smem:$0x3FD0];
	(tm) =	ssettm $0x1  }
0x91: {  	s18 =	sld [smem:$0x3FFB];
	_ =	sdelay $0x3  }
0x92: {  	_ =	strace s18  }
0x93: {  	s3 =	sld [smem:$0x3FFC];
	_ =	sdelay $0x3  }
0x94: {  	_ =	strace s3  }
0x95: {  	s3 =	sld [smem:$0x3FFD];
	_ =	sdelay $0x3  }
0x96: {  	_ =	strace s3  }
0x97: {  	_ =	strace $0x8FFFFFFF  }
0x98: {  	s19 =	sld [smem:$0x3FDB];
	_ =	sdelay $0x1  }
0x99: {  	s4 =	simm.s32 $_scs_section_size  }
0x9a: {  	s5 =	simm.s32 $_size__tile_overlayer_lowered;
	s6 =	simm.s32 $_tile_overlayer_lowered  }
0x9b: {  	s22 =	simm.s32 $0x1BFF;
	s21 =	sshll.u32 s6, $0x1;
	s3 =	sadd.s32 s4, s19  }
0x9c: {  	s7 =	simm.s32 $0x0;
	s20 =	sshll.u32 s5, $0x1;
	s5 =	sadd.s32 s21, s3  }
0x9d: {  	[timem:s7], [sflag:s22] =	dma.local [hbm:s5], s20  }
0x9e: {  	_ =	swait.ge [sflag:s22], s20  }
0x9f: {  	s4 =	ssub.s32 $0x0, s20;
	[sflag:s22] =	ssyncset.done $0x0  }
0xa0: {  	[sflag:s22] =	ssyncadd.s32 s4;
	_ =	sdelay $0x1  }
0xa1: {  	s23 =	simm.s32 $0x1B8B  }
0xa2: {  	_ =	swait.ge [sflag:s23], $0x1  }
0xa3: {  	[sflag:s23] =	ssyncset.done $0x0  }
0xa4: {  	s25 =	simm.s32 $0x1B8E;
	s24 =	sld [smem:$0x3FFE];
	[sflag:s23] =	ssyncadd.s32 $0xFFFFFFFF  }
0xa5: {  	s26 =	simm.s32 $execute0_lowered;
	[smem:$0x3FD2] =	sst s25  }
0xa6: {  	s5 =	sshll.u32 s26, $0x1;
	_ =	strace $0x80000046;
	[dreg:$0x1] =	wrdreg $0xFFFFFFFF  }
0xa7: {  	s28 =	simm.s32 $_size_execute0_lowered;
	s3 =	sadd.s32 s3, s5;
	[dreg:$0x0] =	wrdreg $0x0  }
0xa8: {  	s5 =	sshll.u32 s28, $0x1;
	[dreg:$0x2] =	wrdreg s3  }
0xa9: {  	[dreg:$0x3] =	wrdreg s5  }
0xaa: {  	[dreg:$0x4] =	wrdreg $0xC0  }
0xab: {  	_ =	task [dreg:s7], $0x5FFFF  }
0xac: {  	[dreg:$0x1] =	wrdreg $0xFFFFFFFF  }
0xad: {  	[dreg:$0x0] =	wrdreg $0x60  }
0xae: {  	[dreg:$0x2] =	wrdreg s24  }
0xaf: {  	[dreg:$0x3] =	wrdreg s2  }
0xb0: {  	[dreg:$0x4] =	wrdreg $0x9  }
0xb1: {  	_ =	task.clear_ibuf [dreg:s7], $0x5FFFF;
	_ =	strace $0x90000046  }
0xb2: {  	s29 =	simm.s32 $0x9;
	_ =	strace $0x80000048  }
0xb3: {  	_ =	swait.ge [sflag:s29], $0x1  }
0xb4: {  	[sflag:s29] =	ssyncadd.s32 $0xFFFFFFFF  }
0xb5: {  	_ =	strace $0x90000048  }
0xb6: {  	_ =	sfence  }
0xb7: {  	s30 =	sld [smem:$0x0];
	_ =	sdelay $0x2  }
0xb8: {  	s31 =	sshll.u32 s1, $0xD;
	s1 =	sshrl.u32 s1, $0x2  }
0xb9: {  	s3 =	sand.u32 $0x4000, s31;
	s1 =	sadd.s32 s1, s30  }
0xba: {  	s0 =	sor.u32 s3, s0;
	s1 =	sshll.u32 s1, $0x11  }
0xbb: {  	s0 =	sor.u32 s1, s0  }
0xbc: {  	s0 =	sadd.s32 $0x8F2B, s0  }
0xbd: {  	[sflag:s0] =	ssyncadd.remote.s32 $0x1  }
0xbe: {  	_ =	sfence.sel $0xFFFF  }
0xbf: {  	[dreg:$0x0] =	wrdreg $0xFFFFFFFF;
	(pc) =	sbr.abs _section_cstart, $3  }
0xc0: {  	[dreg:$0x1] =	wrdreg $0xFFFFFFFF  }
0xc1: {  	_ =	task.clear_ibuf [dreg:s7], $0x2FFFF;
	_ =	strace $0x9FFFFFFF  }
0xc2: {  	(tm) =	ssettm $0x7FFFFFFF  }
0xc3: {  	_ =	shalt  }
tec
execute0_lowered:
.L_overlay_start_1:
0x0: {  	(tag) =	ssettag $0x1  }
0x1: {  	s4 =	rddreg [dreg:$0x0]  }
0x2: {  	s5 =	rddreg [dreg:$0x1]  }
0x3: {  	s0 =	rddreg [dreg:$0x2];
	s3 =	srdreg.scid  }
0x4: {  	s1 =	stileid.u32;
	s2 =	simm.s32 $0x0;
	s10 =	simm.s32 $0x80  }
0x5: {  	s11 =	simm.s32 $0x2A00;
	s12 =	simm.s32 $0x6A00;
	s13 =	simm.s32 $0x100  }
0x6: {  	s14 =	simm.s32 $0xAA00;
	s15 =	simm.s32 $0x180;
	s16 =	simm.s32 $0xEA00  }
0x7: {  	s17 =	simm.s32 $0x1;
	s3 =	sand.u32 $0x1, s3;
	s6 =	sshll.u32 s1, $0x1  }
0x8: {  	s18 =	simm.s32 $0x12A00;
	s19 =	simm.s32 $0x0;
	s6 =	sor.u32 s3, s6  }
0x9: {  	[smem:$0x7FF] =	sst s2;
	s8 =	ssub.s32 $0x2, s3;
	s7 =	smul.u32 $0x500, s6  }
0xa: {  	_ =	strace $0x80000047;
	s3 =	sadd.s32 $0x1A00, s4;
	s9 =	sshrl.u32 s8, $0x1  }
0xb: {  	s6 =	sshll.u32 s6, $0x6;
	s8 =	ssub.s32 s8, s9;
	s7 =	sadd.s32 s7, s4  }
0xc: {  	s9 =	simm.s32 $0x200;
	s4 =	sadd.s32 s5, s6;
	s5 =	sadd.s32 $0x41A00, s7  }
0xd: {  	s6 =	sadd.s32 $0x4BA00, s7;
	s7 =	smax.u32 s8, $0x1;
	s8 =	simm.s32 $0x2  }
.LBB2_1:
0xe: {  	[tilespmem:s2], [sflag:$0x2] =	stream.linear.gather [hbm4b:s4+s2], $0x200, $0x38;
	[tilespmem:$0x15200] =	vst v63  }
0xf: {  	_ =	swait.ge [sflag:s8], $0x200  }
0x10: {  	[sflag:s8] =	ssyncset.done $0x0  }
0x11: {  	[sflag:s8] =	ssyncadd.s32 $0xFFFFFE00  }
0x12: {  	[tilespmem:s9], [sflag:$0x2] =	stream.linear.gather [hbm4b:s5+s2], $0x2800, $0x38;
	[tilespmem:$0x15200] =	vst v63  }
0x13: {  	_ =	swait.ge [sflag:s8], $0x2800  }
0x14: {  	[sflag:s8] =	ssyncset.done $0x0  }
0x15: {  	[sflag:s8] =	ssyncadd.s32 $0xFFFFD800  }
0x16: {  	[tilespmem:s11], [sflag:$0x1] =	stream.indirect.gather [hbm4b:s3+s10], $0x80, s2, s10, $0xb8;
	[tilespmem:$0x15200] =	vst v63  }
0x17: {  	_ = 	snop  }
0x18: {  	[tilespmem:s12], [sflag:$0x1] =	stream.indirect.gather [hbm4b:s3+s10], $0x80, s10, s10, $0xb8;
	[tilespmem:$0x15200] =	vst v63  }
0x19: {  	_ = 	snop  }
0x1a: {  	[tilespmem:s14], [sflag:$0x1] =	stream.indirect.gather [hbm4b:s3+s10], $0x80, s13, s10, $0xb8;
	[tilespmem:$0x15200] =	vst v63  }
0x1b: {  	_ = 	snop  }
0x1c: {  	[tilespmem:s16], [sflag:$0x1] =	stream.indirect.gather [hbm4b:s3+s10], $0x80, s15, s10, $0xb8;
	[tilespmem:$0x15200] =	vst v63  }
0x1d: {  	_ =	swait.ge [sflag:s17], $0x4000  }
0x1e: {  	[sflag:s17] =	ssyncset.done $0x0  }
0x1f: {  	[sflag:s17] =	ssyncadd.s32 $0xFFFFC000  }
0x20: {  	_ =	swait.ge [sflag:s17], $0x4000  }
0x21: {  	[sflag:s17] =	ssyncset.done $0x0  }
0x22: {  	[sflag:s17] =	ssyncadd.s32 $0xFFFFC000  }
0x23: {  	_ =	swait.ge [sflag:s17], $0x4000  }
0x24: {  	[sflag:s17] =	ssyncset.done $0x0  }
0x25: {  	[sflag:s17] =	ssyncadd.s32 $0xFFFFC000  }
0x26: {  	_ =	swait.ge [sflag:s17], $0x4000  }
0x27: {  	[sflag:s17] =	ssyncset.done $0x0  }
0x28: {  	s20 =	simm.s32 $0x0;
	[sflag:s17] =	ssyncadd.s32 $0xFFFFC000  }
0x29: {  	v0 =	vld [tilespmem:s20+$0x200];
	_ =	sdelay $0x5  }
0x2a: {  	v1 =	vld [tilespmem:s20+$0x210];
	_ =	sdelay $0x1  }
0x2b: {  	v0 =	vld.idx.msk [tilespmem:v0+s11+$0x0], $0xffff;
	_ =	sdelay $0x4  }
0x2c: {  	[tilespmem:s20+$0x12A00] =	vst v0;
	v0 =	vld [tilespmem:s20+$0x220]  }
0x2d: {  	v1 =	vld.idx.msk [tilespmem:v1+s11+$0x0], $0xffff;
	_ =	sdelay $0x4  }
0x2e: {  	[tilespmem:s20+$0x12A10] =	vst v1;
	v1 =	vld [tilespmem:s20+$0x230];
	_ =	sdelay $0x1  }
0x2f: {  	v0 =	vld.idx.msk [tilespmem:v0+s11+$0x0], $0xffff;
	_ =	sdelay $0x4  }
0x30: {  	[tilespmem:s20+$0x12A20] =	vst v0;
	v0 =	vld [tilespmem:s20+$0x240]  }
0x31: {  	v1 =	vld.idx.msk [tilespmem:v1+s11+$0x0], $0xffff;
	_ =	sdelay $0x4  }
0x32: {  	[tilespmem:s20+$0x12A30] =	vst v1;
	v1 =	vld [tilespmem:s20+$0x250];
	_ =	sdelay $0x1  }
0x33: {  	v0 =	vld.idx.msk [tilespmem:v0+s11+$0x0], $0xffff;
	_ =	sdelay $0x4  }
0x34: {  	v2 =	vld [tilespmem:s20+$0x260];
	[tilespmem:s20+$0x12A40] =	vst v0  }
0x35: {  	v0 =	vld.idx.msk [tilespmem:v1+s11+$0x0], $0xffff;
	_ =	sdelay $0x4  }
0x36: {  	[tilespmem:s20+$0x12A50] =	vst v0;
	v0 =	vld [tilespmem:s20+$0x270];
	_ =	sdelay $0x1  }
0x37: {  	v1 =	vld.idx.msk [tilespmem:v2+s11+$0x0], $0xffff;
	_ =	sdelay $0x3  }
0x38: {  	s22 =	simm.s32 $0x80;
	s21 =	simm.s32 $0x400  }
.LBB2_2:
0x39: {  	p0 =	sne.s32 s21, $0x9E00;
	v2 =	vld [tilespmem:s22+$0x200];
	[tilespmem:s20+$0x12A60] =	vst v1  }
0x3a: {  	v0 =	vld.idx.msk [tilespmem:v0+s11+$0x0], $0xffff;
	_ =	sdelay $0x5  }
0x3b: {  	v1 =	vld [tilespmem:s22+$0x210];
	[tilespmem:s20+$0x12A70] =	vst v0;
	s20 =	smov.u32 s22  }
0x3c: {  	v0 =	vld.idx.msk [tilespmem:v2+s11+$0x0], $0xffff;
	_ =	sdelay $0x5  }
0x3d: {  	[tilespmem:s20+$0x12A00] =	vst v0;
	v0 =	vld [tilespmem:s20+$0x220]  }
0x3e: {  	v1 =	vld.idx.msk [tilespmem:v1+s11+$0x0], $0xffff;
	_ =	sdelay $0x5  }
0x3f: {  	[tilespmem:s20+$0x12A10] =	vst v1;
	v1 =	vld [tilespmem:s20+$0x230]  }
0x40: {  	v0 =	vld.idx.msk [tilespmem:v0+s11+$0x0], $0xffff;
	_ =	sdelay $0x5  }
0x41: {  	[tilespmem:s20+$0x12A20] =	vst v0;
	v0 =	vld [tilespmem:s20+$0x240]  }
0x42: {  	v1 =	vld.idx.msk [tilespmem:v1+s11+$0x0], $0xffff;
	_ =	sdelay $0x5  }
0x43: {  	[tilespmem:s20+$0x12A30] =	vst v1;
	v1 =	vld [tilespmem:s20+$0x250]  }
0x44: {  	v0 =	vld.idx.msk [tilespmem:v0+s11+$0x0], $0xffff;
	_ =	sdelay $0x5  }
0x45: {  	[tilespmem:s20+$0x12A40] =	vst v0;
	v2 =	vld [tilespmem:s20+$0x260]  }
0x46: {  	v0 =	vld.idx.msk [tilespmem:v1+s11+$0x0], $0xffff;
	_ =	sdelay $0x5  }
0x47: {  	[tilespmem:s20+$0x12A50] =	vst v0;
	v0 =	vld [tilespmem:s20+$0x270]  }
0x48: {  	v1 =	vld.idx.msk [tilespmem:v2+s11+$0x0], $0xffff  }
.Ltmp0:
0x49: {  	(pc) =	sbr.rel @p0 .LBB2_2-.Ltmp0, $2  }
0x4a: {  	_ =	sdelay $0x2  }
0x4b: {  	s22 =	sshra.s32 s21, $0x2;
	s21 =	sadd.s32 $0x200, s21  }
0x4c: {  	_ =	sdelay $0x1  }
0x4d: {  	v2 =	vld [tilespmem:s22+$0x200]  }
0x4e: {  	[tilespmem:s20+$0x12A60] =	vst v1  }
0x4f: {  	v0 =	vld.idx.msk [tilespmem:v0+s11+$0x0], $0xffff;
	_ =	sdelay $0x3  }
0x50: {  	v1 =	vld [tilespmem:s22+$0x210]  }
0x51: {  	[tilespmem:s20+$0x12A70] =	vst v0  }
0x52: {  	v0 =	vld.idx.msk [tilespmem:v2+s11+$0x0], $0xffff;
	_ =	sdelay $0x3  }
0x53: {  	v58 =	vld [tilespmem:s22+$0x220]  }
0x54: {  	[tilespmem:s22+$0x12A00] =	vst v0  }
0x55: {  	v1 =	vld.idx.msk [tilespmem:v1+s11+$0x0], $0xffff;
	_ =	sdelay $0x3  }
0x56: {  	v59 =	vld [tilespmem:s22+$0x230]  }
0x57: {  	[tilespmem:s22+$0x12A10] =	vst v1  }
0x58: {  	v0 =	vld.idx.msk [tilespmem:v58+s11+$0x0], $0xffff;
	_ =	sdelay $0x3  }
0x59: {  	v60 =	vld [tilespmem:s22+$0x240]  }
0x5a: {  	[tilespmem:s22+$0x12A20] =	vst v0  }
0x5b: {  	v1 =	vld.idx.msk [tilespmem:v59+s11+$0x0], $0xffff;
	_ =	sdelay $0x3  }
0x5c: {  	v61 =	vld [tilespmem:s22+$0x250]  }
0x5d: {  	[tilespmem:s22+$0x12A30] =	vst v1  }
0x5e: {  	v0 =	vld.idx.msk [tilespmem:v60+s11+$0x0], $0xffff;
	_ =	sdelay $0x3  }
0x5f: {  	v62 =	vld [tilespmem:s22+$0x260]  }
0x60: {  	[tilespmem:s22+$0x12A40] =	vst v0  }
0x61: {  	v1 =	vld.idx.msk [tilespmem:v61+s11+$0x0], $0xffff;
	_ =	sdelay $0x3  }
0x62: {  	v63 =	vld [tilespmem:s22+$0x270]  }
0x63: {  	[tilespmem:s22+$0x12A50] =	vst v1  }
0x64: {  	v0 =	vld.idx.msk [tilespmem:v62+s11+$0x0], $0xffff;
	_ =	sdelay $0x4  }
0x65: {  	[tilespmem:s22+$0x12A60] =	vst v0  }
0x66: {  	v0 =	vld.idx.msk [tilespmem:v63+s11+$0x0], $0xffff;
	_ =	sdelay $0x2  }
0x67: {  	s19 =	sadd.s32 $0x1, s19  }
0x68: {  	p0 =	sne.s32 s19, s7  }
.Ltmp1:
0x69: {  	[tilespmem:s22+$0x12A70] =	vst v0;
	(pc) =	sbr.rel @p0 .LBB2_1-.Ltmp1, $4  }
0x6a: {  	[hbm4b:s6+s2] =	stream.linear.scatter [tilespmem:s18], [sflag:$0x2], $0x2800, $0x38;
	[tilespmem:$0x15200] =	vst v63  }
0x6b: {  	_ =	swait.ge [sflag:s8], $0x2800  }
0x6c: {  	[sflag:s8] =	ssyncset.done $0x0  }
0x6d: {  	[sflag:s8] =	ssyncadd.s32 $0xFFFFD800  }
0x6e: {  	_ =	sfence.sel $0x180000  }
0x6f: {  	[bflag:$0x0] =	sbarrier.arrive $0xFFFF  }
0x70: {  	p0 =	sne.s32 s1, $0x0;
	_ =	strace $0x90000047  }
0x71: {  	s0 =	sadd.s32 @!p0 $0x100000, s0;
	[bflag:$0x2] =	sbarrier.arrive $0xFFFF  }
0x72: {  	[sflag:s0] =	ssyncadd.tile.s32 @!p0 $0x1;
	_ =	shalt  }
.Lfunc_end2:
_tile_overlayer_lowered:
.L_overlay_start_2:
0x73: {  	(tag) =	ssettag $0x2  }
0x74: {  	s0 =	rddreg [dreg:$0x0];
	s2 =	stileid.u32  }
0x75: {  	s1 =	rddreg [dreg:$0x1];
	p0 =	sne.s32 s2, $0x0  }
0x76: {  	s3 =	rddreg [dreg:$0x2];
	[bflag:$0x3] =	sbarrier.arrive $0xFFFF;
	s2 =	simm.s32 @!p0 $0x1C02  }
0x77: {  	[timem:s3], [sflag:s2] =	dma.local @!p0 [hbm:s0], s1  }
0x78: {  	s0 =	simm.s32 @!p0 $0x2  }
0x79: {  	_ =	swait.ge @!p0 [sflag:s0], s1  }
0x7a: {  	s1 =	ssub.s32 @!p0 $0x0, s1;
	[sflag:s0] =	ssyncset.done @!p0 $0x0  }
0x7b: {  	[sflag:s0] =	ssyncadd.s32 @!p0 s1  }
0x7c: {  	[bflag:$0x3] =	sbarrier.arrive $0xFFFF  }
0x7d: {  	_ =	shalt  }

</sc_bundles>
